<compile_context>
chip_gen: v7x
topology: tpu7x:2x2x1
jax: 0.10.2.dev20260603
libtpu: 0.0.44.dev20260713+nightly
codegen_flags: <defaults>
</compile_context>

<pallas_src>
import functools

import jax
import jax.numpy as jnp
from jax import lax
from jax.experimental import pallas as pl
from jax.experimental.pallas import tpu as pltpu
from jax.experimental.pallas import tpu_sc as plsc

D = 32
B_ROWS = 16384
SEQ = 50
B = B_ROWS * SEQ
NC, NS = 2, 16
NW = NC * NS
BPW = B // NW
CHUNK = 1024
NCHUNK = BPW // CHUNK
NBUF = 3


def _make_kernel():
    mesh = plsc.VectorSubcoreMesh(core_axis_name="c", subcore_axis_name="s")

    @functools.partial(
        pl.kernel,
        mesh=mesh,
        out_type=jax.ShapeDtypeStruct((B, D), jnp.float32),
        compiler_params=pltpu.CompilerParams(use_tc_tiling_on_sc=False),
        scratch_types=[
            pltpu.VMEM((NCHUNK, CHUNK), jnp.int32),
            pltpu.VMEM((NBUF, CHUNK, D), jnp.float32),
            pltpu.SemaphoreType.DMA,
            pltpu.SemaphoreType.DMA,
            pltpu.SemaphoreType.DMA,
            pltpu.SemaphoreType.DMA,
            pltpu.SemaphoreType.DMA,
            pltpu.SemaphoreType.DMA,
        ],
    )
    def k(idx_hbm, table_hbm, out_hbm, idx_v, rows_v, gsem_a, gsem_b,
          gsem_c, osem_a, osem_b, osem_c):
        core = lax.axis_index("c")
        wid = lax.axis_index("s") * NC + core
        base = wid * BPW
        pltpu.sync_copy(idx_hbm.at[wid], idx_v)

        gsems = (gsem_a, gsem_b, gsem_c)
        osems = (osem_a, osem_b, osem_c)

        def fire_g(s, c):
            pltpu.async_copy(
                table_hbm.at[idx_v.at[c]], rows_v.at[s], gsems[s])

        def drain_g(s):
            pltpu.make_async_copy(
                table_hbm.at[pl.ds(0, CHUNK)], rows_v.at[s], gsems[s]).wait()

        def fire_o(s, c):
            pltpu.async_copy(
                rows_v.at[s],
                out_hbm.at[pl.ds(base + c * CHUNK, CHUNK)], osems[s])

        def drain_o(s):
            pltpu.make_async_copy(
                table_hbm.at[pl.ds(0, CHUNK)], rows_v.at[s], osems[s]).wait()

        fire_g(0, 0)
        if NCHUNK > 1:
            fire_g(1, 1)
        for g in range(NCHUNK):
            s = g % NBUF
            n = g + 2
            if n < NCHUNK:
                sn = n % NBUF
                if n >= NBUF:
                    drain_o(sn)
                fire_g(sn, n)
            drain_g(s)
            fire_o(s, g)
        for g in range(max(0, NCHUNK - NBUF), NCHUNK):
            drain_o(g % NBUF)

    return k


_gather_kernel = _make_kernel()


def kernel(indices, table):
    idx = indices.astype(jnp.int32).reshape(NW, NCHUNK, CHUNK)
    out = _gather_kernel(idx, table)
    return out.reshape(B_ROWS, SEQ, D)

# --- scband reference (transcript-rebuilt; emitter-appended) ---
"""Pipeline reference for scband-dummy-nn-1408749273771 (READ-ONLY COPY).

The authoritative reference and input builder live on the scoring server;
editing this copy changes nothing except your own understanding.
"""

import jax, jax.numpy as jnp
import numpy as np

VOCAB = 1000000
EMB_DIM = 32

def setup_inputs(seed: int = 0) -> dict:
    key = jax.random.key(seed)
    k_idx, k_tab = jax.random.split(key)
    indices = jax.random.randint(k_idx, (16384, 50), 0, VOCAB, dtype=jnp.int64 if jax.config.jax_enable_x64 else jnp.int32)
    table = jax.random.normal(k_tab, (VOCAB, EMB_DIM), dtype=jnp.float32)
    return {"indices": indices, "table": table}

def reference(indices, table):
    # DummyNN.embed(indices): embedding lookup -> [B, L, emb_dim]
    return jnp.take(table, indices, axis=0)

if __name__ == "__main__":
    import jax
    _d = setup_inputs()
    print(jax.jit(kernel)(*tuple(_d.values())))

</pallas_src>

<mosaic_0001>
#map = affine_map<(d0, d1) -> (0, 0, 0)>
#map1 = affine_map<(d0, d1) -> (0, 0)>
module attributes {stable_mosaic.version = 14 : i64} {
  func.func @k(%arg0: i32, %arg1: i32, %arg2: memref<32x25x1024xi32, #tpu.memory_space<hbm>>, %arg3: memref<1000000x32xf32, #tpu.memory_space<hbm>>, %arg4: memref<819200x32xf32, #tpu.memory_space<hbm>>, %arg5: memref<25x1024xi32, #tpu.memory_space<vmem>>, %arg6: memref<3x1024x32xf32, #tpu.memory_space<vmem>>, %arg7: memref<!tpu.dma_semaphore, #tpu.memory_space<semaphore_mem>>, %arg8: memref<!tpu.dma_semaphore, #tpu.memory_space<semaphore_mem>>, %arg9: memref<!tpu.dma_semaphore, #tpu.memory_space<semaphore_mem>>, %arg10: memref<!tpu.dma_semaphore, #tpu.memory_space<semaphore_mem>>, %arg11: memref<!tpu.dma_semaphore, #tpu.memory_space<semaphore_mem>>, %arg12: memref<!tpu.dma_semaphore, #tpu.memory_space<semaphore_mem>>) attributes {dimension_semantics = [#tpu.dimension_semantics<core_parallel>, #tpu.dimension_semantics<subcore_parallel>], iteration_bounds = array<i64: 2, 16>, scalar_prefetch = 0 : i64, scratch_operands = 8 : i64, tpu.core_type = #tpu.core_type<sc_vector_subcore>, window_params = [{transform_indices = #map}, {transform_indices = #map1}, {transform_indices = #map1}]} {
    %mul3A = arith.constant 2 : i32
    %mul3A_0 = arith.muli %arg1, %mul3A : i32
    %add3A = arith.addi %mul3A_0, %arg0 : i32
    %mul3A_1 = arith.constant 25600 : i32
    %mul3A_2 = arith.muli %add3A, %mul3A_1 : i32
    "tpu.region"() ({
      %run_scoped3A = tpu.sem_alloc : memref<!tpu.dma_semaphore, #tpu.memory_space<semaphore_mem>>
      %dma_start3A_1426 = arith.constant 0 : i32
      %dma_start3A_1427 = arith.constant 0 : i32
      %dma_start3A_1428 = tpu.memref_slice %arg2[%add3A, %dma_start3A_1426, %dma_start3A_1427] : memref<32x25x1024xi32, #tpu.memory_space<hbm>> -> memref<1x25x1024xi32, #tpu.memory_space<hbm>>
      %dma_start3A_1429 = tpu.memref_squeeze %dma_start3A_1428 : memref<1x25x1024xi32, #tpu.memory_space<hbm>> -> memref<25x1024xi32, #tpu.memory_space<hbm>>
      %dma_start3A_1430 = arith.constant 0 : i32
      %dma_start3A_1431 = arith.constant 0 : i32
      %dma_start3A_1432 = tpu.memref_slice %arg2[%add3A, %dma_start3A_1430, %dma_start3A_1431] : memref<32x25x1024xi32, #tpu.memory_space<hbm>> -> memref<1x25x1024xi32, #tpu.memory_space<hbm>>
      %dma_start3A_1433 = tpu.memref_squeeze %dma_start3A_1432 : memref<1x25x1024xi32, #tpu.memory_space<hbm>> -> memref<25x1024xi32, #tpu.memory_space<hbm>>
      tpu.enqueue_dma source(%dma_start3A_1433 : memref<25x1024xi32, #tpu.memory_space<hbm>>) target(%arg5 : memref<25x1024xi32, #tpu.memory_space<vmem>>) target_semaphore(%run_scoped3A : memref<!tpu.dma_semaphore, #tpu.memory_space<semaphore_mem>>)
      %dma_wait3A_1434 = arith.constant 0 : i32
      %dma_wait3A_1435 = arith.constant 0 : i32
      %dma_wait3A_1436 = tpu.memref_slice %arg2[%add3A, %dma_wait3A_1434, %dma_wait3A_1435] : memref<32x25x1024xi32, #tpu.memory_space<hbm>> -> memref<1x25x1024xi32, #tpu.memory_space<hbm>>
      %dma_wait3A_1437 = tpu.memref_squeeze %dma_wait3A_1436 : memref<1x25x1024xi32, #tpu.memory_space<hbm>> -> memref<25x1024xi32, #tpu.memory_space<hbm>>
      %dma_wait3A_1438 = arith.constant 0 : i32
      %dma_wait3A_1439 = arith.constant 0 : i32
      %dma_wait3A_1440 = tpu.memref_slice %arg2[%add3A, %dma_wait3A_1438, %dma_wait3A_1439] : memref<32x25x1024xi32, #tpu.memory_space<hbm>> -> memref<1x25x1024xi32, #tpu.memory_space<hbm>>
      %dma_wait3A_1441 = tpu.memref_squeeze %dma_wait3A_1440 : memref<1x25x1024xi32, #tpu.memory_space<hbm>> -> memref<25x1024xi32, #tpu.memory_space<hbm>>
      tpu.wait_dma2 semaphore(%run_scoped3A : memref<!tpu.dma_semaphore, #tpu.memory_space<semaphore_mem>>) src(%dma_wait3A_1441 : memref<25x1024xi32, #tpu.memory_space<hbm>>) dst(%arg5 : memref<25x1024xi32, #tpu.memory_space<vmem>>)
      tpu.yield
    }) : () -> ()
    %dma_start3A = arith.constant 0 : i32
    %dma_start3A_3 = arith.constant 0 : i32
    %dma_start3A_4 = arith.constant 0 : i32
    %dma_start3A_5 = arith.constant 0 : i32
    %dma_start3A_6 = tpu.memref_slice %arg6[%dma_start3A_3, %dma_start3A_4, %dma_start3A_5] : memref<3x1024x32xf32, #tpu.memory_space<vmem>> -> memref<1x1024x32xf32, #tpu.memory_space<vmem>>
    %dma_start3A_7 = tpu.memref_squeeze %dma_start3A_6 : memref<1x1024x32xf32, #tpu.memory_space<vmem>> -> memref<1024x32xf32, #tpu.memory_space<vmem>>
    %dma_start3A_8 = arith.constant 0 : i32
    %dma_start3A_9 = tpu.memref_slice %arg5[%dma_start3A, %dma_start3A_8] : memref<25x1024xi32, #tpu.memory_space<vmem>> -> memref<1x1024xi32, #tpu.memory_space<vmem>>
    %dma_start3A_10 = tpu.memref_squeeze %dma_start3A_9 : memref<1x1024xi32, #tpu.memory_space<vmem>> -> memref<1024xi32, #tpu.memory_space<vmem>>
    %dma_start3A_11 = arith.constant 0 : i32
    %dma_start3A_12 = arith.constant 0 : i32
    %dma_start3A_13 = tpu.memref_slice %arg3[%dma_start3A_11, %dma_start3A_12] : memref<1000000x32xf32, #tpu.memory_space<hbm>> -> memref<1000000x32xf32, #tpu.memory_space<hbm>>
    tpu.enqueue_indirect_dma source(%dma_start3A_13 : memref<1000000x32xf32, #tpu.memory_space<hbm>>) target(%dma_start3A_7 : memref<1024x32xf32, #tpu.memory_space<vmem>>) offsets(%dma_start3A_10 : memref<1024xi32, #tpu.memory_space<vmem>>) semaphore(%arg7 : memref<!tpu.dma_semaphore, #tpu.memory_space<semaphore_mem>>)
    %dma_start3A_14 = arith.constant 1 : i32
    %dma_start3A_15 = arith.constant 1 : i32
    %dma_start3A_16 = arith.constant 0 : i32
    %dma_start3A_17 = arith.constant 0 : i32
    %dma_start3A_18 = tpu.memref_slice %arg6[%dma_start3A_15, %dma_start3A_16, %dma_start3A_17] : memref<3x1024x32xf32, #tpu.memory_space<vmem>> -> memref<1x1024x32xf32, #tpu.memory_space<vmem>>
    %dma_start3A_19 = tpu.memref_squeeze %dma_start3A_18 : memref<1x1024x32xf32, #tpu.memory_space<vmem>> -> memref<1024x32xf32, #tpu.memory_space<vmem>>
    %dma_start3A_20 = arith.constant 0 : i32
    %dma_start3A_21 = tpu.memref_slice %arg5[%dma_start3A_14, %dma_start3A_20] : memref<25x1024xi32, #tpu.memory_space<vmem>> -> memref<1x1024xi32, #tpu.memory_space<vmem>>
    %dma_start3A_22 = tpu.memref_squeeze %dma_start3A_21 : memref<1x1024xi32, #tpu.memory_space<vmem>> -> memref<1024xi32, #tpu.memory_space<vmem>>
    %dma_start3A_23 = arith.constant 0 : i32
    %dma_start3A_24 = arith.constant 0 : i32
    %dma_start3A_25 = tpu.memref_slice %arg3[%dma_start3A_23, %dma_start3A_24] : memref<1000000x32xf32, #tpu.memory_space<hbm>> -> memref<1000000x32xf32, #tpu.memory_space<hbm>>
    tpu.enqueue_indirect_dma source(%dma_start3A_25 : memref<1000000x32xf32, #tpu.memory_space<hbm>>) target(%dma_start3A_19 : memref<1024x32xf32, #tpu.memory_space<vmem>>) offsets(%dma_start3A_22 : memref<1024xi32, #tpu.memory_space<vmem>>) semaphore(%arg8 : memref<!tpu.dma_semaphore, #tpu.memory_space<semaphore_mem>>)
    %dma_start3A_26 = arith.constant 2 : i32
    %dma_start3A_27 = arith.constant 2 : i32
    %dma_start3A_28 = arith.constant 0 : i32
    %dma_start3A_29 = arith.constant 0 : i32
    %dma_start3A_30 = tpu.memref_slice %arg6[%dma_start3A_27, %dma_start3A_28, %dma_start3A_29] : memref<3x1024x32xf32, #tpu.memory_space<vmem>> -> memref<1x1024x32xf32, #tpu.memory_space<vmem>>
    %dma_start3A_31 = tpu.memref_squeeze %dma_start3A_30 : memref<1x1024x32xf32, #tpu.memory_space<vmem>> -> memref<1024x32xf32, #tpu.memory_space<vmem>>
    %dma_start3A_32 = arith.constant 0 : i32
    %dma_start3A_33 = tpu.memref_slice %arg5[%dma_start3A_26, %dma_start3A_32] : memref<25x1024xi32, #tpu.memory_space<vmem>> -> memref<1x1024xi32, #tpu.memory_space<vmem>>
    %dma_start3A_34 = tpu.memref_squeeze %dma_start3A_33 : memref<1x1024xi32, #tpu.memory_space<vmem>> -> memref<1024xi32, #tpu.memory_space<vmem>>
    %dma_start3A_35 = arith.constant 0 : i32
    %dma_start3A_36 = arith.constant 0 : i32
    %dma_start3A_37 = tpu.memref_slice %arg3[%dma_start3A_35, %dma_start3A_36] : memref<1000000x32xf32, #tpu.memory_space<hbm>> -> memref<1000000x32xf32, #tpu.memory_space<hbm>>
    tpu.enqueue_indirect_dma source(%dma_start3A_37 : memref<1000000x32xf32, #tpu.memory_space<hbm>>) target(%dma_start3A_31 : memref<1024x32xf32, #tpu.memory_space<vmem>>) offsets(%dma_start3A_34 : memref<1024xi32, #tpu.memory_space<vmem>>) semaphore(%arg9 : memref<!tpu.dma_semaphore, #tpu.memory_space<semaphore_mem>>)
    %dma_wait3A = arith.constant 0 : i32
    %dma_wait3A_38 = arith.constant 0 : i32
    %dma_wait3A_39 = arith.constant 0 : i32
    %dma_wait3A_40 = tpu.memref_slice %arg6[%dma_wait3A, %dma_wait3A_38, %dma_wait3A_39] : memref<3x1024x32xf32, #tpu.memory_space<vmem>> -> memref<1x1024x32xf32, #tpu.memory_space<vmem>>
    %dma_wait3A_41 = tpu.memref_squeeze %dma_wait3A_40 : memref<1x1024x32xf32, #tpu.memory_space<vmem>> -> memref<1024x32xf32, #tpu.memory_space<vmem>>
    %dma_wait3A_42 = arith.constant 0 : i32
    %dma_wait3A_43 = arith.constant 0 : i32
    %dma_wait3A_44 = tpu.memref_slice %arg3[%dma_wait3A_42, %dma_wait3A_43] : memref<1000000x32xf32, #tpu.memory_space<hbm>> -> memref<1024x32xf32, #tpu.memory_space<hbm>>
    %dma_wait3A_45 = arith.constant 0 : i32
    %dma_wait3A_46 = arith.constant 0 : i32
    %dma_wait3A_47 = tpu.memref_slice %arg6[%dma_wait3A, %dma_wait3A_45, %dma_wait3A_46] : memref<3x1024x32xf32, #tpu.memory_space<vmem>> -> memref<1x1024x32xf32, #tpu.memory_space<vmem>>
    %dma_wait3A_48 = tpu.memref_squeeze %dma_wait3A_47 : memref<1x1024x32xf32, #tpu.memory_space<vmem>> -> memref<1024x32xf32, #tpu.memory_space<vmem>>
    %dma_wait3A_49 = arith.constant 0 : i32
    %dma_wait3A_50 = arith.constant 0 : i32
    %dma_wait3A_51 = tpu.memref_slice %arg3[%dma_wait3A_49, %dma_wait3A_50] : memref<1000000x32xf32, #tpu.memory_space<hbm>> -> memref<1024x32xf32, #tpu.memory_space<hbm>>
    tpu.wait_dma2 semaphore(%arg7 : memref<!tpu.dma_semaphore, #tpu.memory_space<semaphore_mem>>) src(%dma_wait3A_51 : memref<1024x32xf32, #tpu.memory_space<hbm>>) dst(%dma_wait3A_48 : memref<1024x32xf32, #tpu.memory_space<vmem>>)
    %add3A_52 = arith.constant 0 : i32
    %add3A_53 = arith.addi %mul3A_2, %add3A_52 : i32
    %dma_start3A_54 = arith.constant 0 : i32
    %dma_start3A_55 = arith.constant 0 : i32
    %dma_start3A_56 = arith.constant 0 : i32
    %dma_start3A_57 = tpu.memref_slice %arg6[%dma_start3A_54, %dma_start3A_55, %dma_start3A_56] : memref<3x1024x32xf32, #tpu.memory_space<vmem>> -> memref<1x1024x32xf32, #tpu.memory_space<vmem>>
    %dma_start3A_58 = tpu.memref_squeeze %dma_start3A_57 : memref<1x1024x32xf32, #tpu.memory_space<vmem>> -> memref<1024x32xf32, #tpu.memory_space<vmem>>
    %dma_start3A_59 = arith.constant 0 : i32
    %dma_start3A_60 = tpu.memref_slice %arg4[%add3A_53, %dma_start3A_59] : memref<819200x32xf32, #tpu.memory_space<hbm>> -> memref<1024x32xf32, #tpu.memory_space<hbm>>
    %dma_start3A_61 = arith.constant 0 : i32
    %dma_start3A_62 = tpu.memref_slice %arg4[%add3A_53, %dma_start3A_61] : memref<819200x32xf32, #tpu.memory_space<hbm>> -> memref<1024x32xf32, #tpu.memory_space<hbm>>
    %dma_start3A_63 = arith.constant 0 : i32
    %dma_start3A_64 = arith.constant 0 : i32
    %dma_start3A_65 = tpu.memref_slice %arg6[%dma_start3A_54, %dma_start3A_63, %dma_start3A_64] : memref<3x1024x32xf32, #tpu.memory_space<vmem>> -> memref<1x1024x32xf32, #tpu.memory_space<vmem>>
    %dma_start3A_66 = tpu.memref_squeeze %dma_start3A_65 : memref<1x1024x32xf32, #tpu.memory_space<vmem>> -> memref<1024x32xf32, #tpu.memory_space<vmem>>
    tpu.enqueue_dma source(%dma_start3A_66 : memref<1024x32xf32, #tpu.memory_space<vmem>>) target(%dma_start3A_62 : memref<1024x32xf32, #tpu.memory_space<hbm>>) target_semaphore(%arg10 : memref<!tpu.dma_semaphore, #tpu.memory_space<semaphore_mem>>)
    %dma_wait3A_67 = arith.constant 0 : i32
    %dma_wait3A_68 = arith.constant 0 : i32
    %dma_wait3A_69 = arith.constant 0 : i32
    %dma_wait3A_70 = tpu.memref_slice %arg6[%dma_wait3A_67, %dma_wait3A_68, %dma_wait3A_69] : memref<3x1024x32xf32, #tpu.memory_space<vmem>> -> memref<1x1024x32xf32, #tpu.memory_space<vmem>>
    %dma_wait3A_71 = tpu.memref_squeeze %dma_wait3A_70 : memref<1x1024x32xf32, #tpu.memory_space<vmem>> -> memref<1024x32xf32, #tpu.memory_space<vmem>>
    %dma_wait3A_72 = arith.constant 0 : i32
    %dma_wait3A_73 = arith.constant 0 : i32
    %dma_wait3A_74 = tpu.memref_slice %arg3[%dma_wait3A_72, %dma_wait3A_73] : memref<1000000x32xf32, #tpu.memory_space<hbm>> -> memref<1024x32xf32, #tpu.memory_space<hbm>>
    %dma_wait3A_75 = arith.constant 0 : i32
    %dma_wait3A_76 = arith.constant 0 : i32
    %dma_wait3A_77 = tpu.memref_slice %arg6[%dma_wait3A_67, %dma_wait3A_75, %dma_wait3A_76] : memref<3x1024x32xf32, #tpu.memory_space<vmem>> -> memref<1x1024x32xf32, #tpu.memory_space<vmem>>
    %dma_wait3A_78 = tpu.memref_squeeze %dma_wait3A_77 : memref<1x1024x32xf32, #tpu.memory_space<vmem>> -> memref<1024x32xf32, #tpu.memory_space<vmem>>
    %dma_wait3A_79 = arith.constant 0 : i32
    %dma_wait3A_80 = arith.constant 0 : i32
    %dma_wait3A_81 = tpu.memref_slice %arg3[%dma_wait3A_79, %dma_wait3A_80] : memref<1000000x32xf32, #tpu.memory_space<hbm>> -> memref<1024x32xf32, #tpu.memory_space<hbm>>
    tpu.wait_dma2 semaphore(%arg10 : memref<!tpu.dma_semaphore, #tpu.memory_space<semaphore_mem>>) src(%dma_wait3A_81 : memref<1024x32xf32, #tpu.memory_space<hbm>>) dst(%dma_wait3A_78 : memref<1024x32xf32, #tpu.memory_space<vmem>>)
    %dma_start3A_82 = arith.constant 3 : i32
    %dma_start3A_83 = arith.constant 0 : i32
    %dma_start3A_84 = arith.constant 0 : i32
    %dma_start3A_85 = arith.constant 0 : i32
    %dma_start3A_86 = tpu.memref_slice %arg6[%dma_start3A_83, %dma_start3A_84, %dma_start3A_85] : memref<3x1024x32xf32, #tpu.memory_space<vmem>> -> memref<1x1024x32xf32, #tpu.memory_space<vmem>>
    %dma_start3A_87 = tpu.memref_squeeze %dma_start3A_86 : memref<1x1024x32xf32, #tpu.memory_space<vmem>> -> memref<1024x32xf32, #tpu.memory_space<vmem>>
    %dma_start3A_88 = arith.constant 0 : i32
    %dma_start3A_89 = tpu.memref_slice %arg5[%dma_start3A_82, %dma_start3A_88] : memref<25x1024xi32, #tpu.memory_space<vmem>> -> memref<1x1024xi32, #tpu.memory_space<vmem>>
    %dma_start3A_90 = tpu.memref_squeeze %dma_start3A_89 : memref<1x1024xi32, #tpu.memory_space<vmem>> -> memref<1024xi32, #tpu.memory_space<vmem>>
    %dma_start3A_91 = arith.constant 0 : i32
    %dma_start3A_92 = arith.constant 0 : i32
    %dma_start3A_93 = tpu.memref_slice %arg3[%dma_start3A_91, %dma_start3A_92] : memref<1000000x32xf32, #tpu.memory_space<hbm>> -> memref<1000000x32xf32, #tpu.memory_space<hbm>>
    tpu.enqueue_indirect_dma source(%dma_start3A_93 : memref<1000000x32xf32, #tpu.memory_space<hbm>>) target(%dma_start3A_87 : memref<1024x32xf32, #tpu.memory_space<vmem>>) offsets(%dma_start3A_90 : memref<1024xi32, #tpu.memory_space<vmem>>) semaphore(%arg7 : memref<!tpu.dma_semaphore, #tpu.memory_space<semaphore_mem>>)
    %dma_wait3A_94 = arith.constant 1 : i32
    %dma_wait3A_95 = arith.constant 0 : i32
    %dma_wait3A_96 = arith.constant 0 : i32
    %dma_wait3A_97 = tpu.memref_slice %arg6[%dma_wait3A_94, %dma_wait3A_95, %dma_wait3A_96] : memref<3x1024x32xf32, #tpu.memory_space<vmem>> -> memref<1x1024x32xf32, #tpu.memory_space<vmem>>
    %dma_wait3A_98 = tpu.memref_squeeze %dma_wait3A_97 : memref<1x1024x32xf32, #tpu.memory_space<vmem>> -> memref<1024x32xf32, #tpu.memory_space<vmem>>
    %dma_wait3A_99 = arith.constant 0 : i32
    %dma_wait3A_100 = arith.constant 0 : i32
    %dma_wait3A_101 = tpu.memref_slice %arg3[%dma_wait3A_99, %dma_wait3A_100] : memref<1000000x32xf32, #tpu.memory_space<hbm>> -> memref<1024x32xf32, #tpu.memory_space<hbm>>
    %dma_wait3A_102 = arith.constant 0 : i32
    %dma_wait3A_103 = arith.constant 0 : i32
    %dma_wait3A_104 = tpu.memref_slice %arg6[%dma_wait3A_94, %dma_wait3A_102, %dma_wait3A_103] : memref<3x1024x32xf32, #tpu.memory_space<vmem>> -> memref<1x1024x32xf32, #tpu.memory_space<vmem>>
    %dma_wait3A_105 = tpu.memref_squeeze %dma_wait3A_104 : memref<1x1024x32xf32, #tpu.memory_space<vmem>> -> memref<1024x32xf32, #tpu.memory_space<vmem>>
    %dma_wait3A_106 = arith.constant 0 : i32
    %dma_wait3A_107 = arith.constant 0 : i32
    %dma_wait3A_108 = tpu.memref_slice %arg3[%dma_wait3A_106, %dma_wait3A_107] : memref<1000000x32xf32, #tpu.memory_space<hbm>> -> memref<1024x32xf32, #tpu.memory_space<hbm>>
    tpu.wait_dma2 semaphore(%arg8 : memref<!tpu.dma_semaphore, #tpu.memory_space<semaphore_mem>>) src(%dma_wait3A_108 : memref<1024x32xf32, #tpu.memory_space<hbm>>) dst(%dma_wait3A_105 : memref<1024x32xf32, #tpu.memory_space<vmem>>)
    %add3A_109 = arith.constant 1024 : i32
    %add3A_110 = arith.addi %mul3A_2, %add3A_109 : i32
    %dma_start3A_111 = arith.constant 1 : i32
    %dma_start3A_112 = arith.constant 0 : i32
    %dma_start3A_113 = arith.constant 0 : i32
    %dma_start3A_114 = tpu.memref_slice %arg6[%dma_start3A_111, %dma_start3A_112, %dma_start3A_113] : memref<3x1024x32xf32, #tpu.memory_space<vmem>> -> memref<1x1024x32xf32, #tpu.memory_space<vmem>>
    %dma_start3A_115 = tpu.memref_squeeze %dma_start3A_114 : memref<1x1024x32xf32, #tpu.memory_space<vmem>> -> memref<1024x32xf32, #tpu.memory_space<vmem>>
    %dma_start3A_116 = arith.constant 0 : i32
    %dma_start3A_117 = tpu.memref_slice %arg4[%add3A_110, %dma_start3A_116] : memref<819200x32xf32, #tpu.memory_space<hbm>> -> memref<1024x32xf32, #tpu.memory_space<hbm>>
    %dma_start3A_118 = arith.constant 0 : i32
    %dma_start3A_119 = tpu.memref_slice %arg4[%add3A_110, %dma_start3A_118] : memref<819200x32xf32, #tpu.memory_space<hbm>> -> memref<1024x32xf32, #tpu.memory_space<hbm>>
    %dma_start3A_120 = arith.constant 0 : i32
    %dma_start3A_121 = arith.constant 0 : i32
    %dma_start3A_122 = tpu.memref_slice %arg6[%dma_start3A_111, %dma_start3A_120, %dma_start3A_121] : memref<3x1024x32xf32, #tpu.memory_space<vmem>> -> memref<1x1024x32xf32, #tpu.memory_space<vmem>>
    %dma_start3A_123 = tpu.memref_squeeze %dma_start3A_122 : memref<1x1024x32xf32, #tpu.memory_space<vmem>> -> memref<1024x32xf32, #tpu.memory_space<vmem>>
    tpu.enqueue_dma source(%dma_start3A_123 : memref<1024x32xf32, #tpu.memory_space<vmem>>) target(%dma_start3A_119 : memref<1024x32xf32, #tpu.memory_space<hbm>>) target_semaphore(%arg11 : memref<!tpu.dma_semaphore, #tpu.memory_space<semaphore_mem>>)
    %dma_wait3A_124 = arith.constant 1 : i32
    %dma_wait3A_125 = arith.constant 0 : i32
    %dma_wait3A_126 = arith.constant 0 : i32
    %dma_wait3A_127 = tpu.memref_slice %arg6[%dma_wait3A_124, %dma_wait3A_125, %dma_wait3A_126] : memref<3x1024x32xf32, #tpu.memory_space<vmem>> -> memref<1x1024x32xf32, #tpu.memory_space<vmem>>
    %dma_wait3A_128 = tpu.memref_squeeze %dma_wait3A_127 : memref<1x1024x32xf32, #tpu.memory_space<vmem>> -> memref<1024x32xf32, #tpu.memory_space<vmem>>
    %dma_wait3A_129 = arith.constant 0 : i32
    %dma_wait3A_130 = arith.constant 0 : i32
    %dma_wait3A_131 = tpu.memref_slice %arg3[%dma_wait3A_129, %dma_wait3A_130] : memref<1000000x32xf32, #tpu.memory_space<hbm>> -> memref<1024x32xf32, #tpu.memory_space<hbm>>
    %dma_wait3A_132 = arith.constant 0 : i32
    %dma_wait3A_133 = arith.constant 0 : i32
    %dma_wait3A_134 = tpu.memref_slice %arg6[%dma_wait3A_124, %dma_wait3A_132, %dma_wait3A_133] : memref<3x1024x32xf32, #tpu.memory_space<vmem>> -> memref<1x1024x32xf32, #tpu.memory_space<vmem>>
    %dma_wait3A_135 = tpu.memref_squeeze %dma_wait3A_134 : memref<1x1024x32xf32, #tpu.memory_space<vmem>> -> memref<1024x32xf32, #tpu.memory_space<vmem>>
    %dma_wait3A_136 = arith.constant 0 : i32
    %dma_wait3A_137 = arith.constant 0 : i32
    %dma_wait3A_138 = tpu.memref_slice %arg3[%dma_wait3A_136, %dma_wait3A_137] : memref<1000000x32xf32, #tpu.memory_space<hbm>> -> memref<1024x32xf32, #tpu.memory_space<hbm>>
    tpu.wait_dma2 semaphore(%arg11 : memref<!tpu.dma_semaphore, #tpu.memory_space<semaphore_mem>>) src(%dma_wait3A_138 : memref<1024x32xf32, #tpu.memory_space<hbm>>) dst(%dma_wait3A_135 : memref<1024x32xf32, #tpu.memory_space<vmem>>)
    %dma_start3A_139 = arith.constant 4 : i32
    %dma_start3A_140 = arith.constant 1 : i32
    %dma_start3A_141 = arith.constant 0 : i32
    %dma_start3A_142 = arith.constant 0 : i32
    %dma_start3A_143 = tpu.memref_slice %arg6[%dma_start3A_140, %dma_start3A_141, %dma_start3A_142] : memref<3x1024x32xf32, #tpu.memory_space<vmem>> -> memref<1x1024x32xf32, #tpu.memory_space<vmem>>
    %dma_start3A_144 = tpu.memref_squeeze %dma_start3A_143 : memref<1x1024x32xf32, #tpu.memory_space<vmem>> -> memref<1024x32xf32, #tpu.memory_space<vmem>>
    %dma_start3A_145 = arith.constant 0 : i32
    %dma_start3A_146 = tpu.memref_slice %arg5[%dma_start3A_139, %dma_start3A_145] : memref<25x1024xi32, #tpu.memory_space<vmem>> -> memref<1x1024xi32, #tpu.memory_space<vmem>>
    %dma_start3A_147 = tpu.memref_squeeze %dma_start3A_146 : memref<1x1024xi32, #tpu.memory_space<vmem>> -> memref<1024xi32, #tpu.memory_space<vmem>>
    %dma_start3A_148 = arith.constant 0 : i32
    %dma_start3A_149 = arith.constant 0 : i32
    %dma_start3A_150 = tpu.memref_slice %arg3[%dma_start3A_148, %dma_start3A_149] : memref<1000000x32xf32, #tpu.memory_space<hbm>> -> memref<1000000x32xf32, #tpu.memory_space<hbm>>
    tpu.enqueue_indirect_dma source(%dma_start3A_150 : memref<1000000x32xf32, #tpu.memory_space<hbm>>) target(%dma_start3A_144 : memref<1024x32xf32, #tpu.memory_space<vmem>>) offsets(%dma_start3A_147 : memref<1024xi32, #tpu.memory_space<vmem>>) semaphore(%arg8 : memref<!tpu.dma_semaphore, #tpu.memory_space<semaphore_mem>>)
    %dma_wait3A_151 = arith.constant 2 : i32
    %dma_wait3A_152 = arith.constant 0 : i32
    %dma_wait3A_153 = arith.constant 0 : i32
    %dma_wait3A_154 = tpu.memref_slice %arg6[%dma_wait3A_151, %dma_wait3A_152, %dma_wait3A_153] : memref<3x1024x32xf32, #tpu.memory_space<vmem>> -> memref<1x1024x32xf32, #tpu.memory_space<vmem>>
    %dma_wait3A_155 = tpu.memref_squeeze %dma_wait3A_154 : memref<1x1024x32xf32, #tpu.memory_space<vmem>> -> memref<1024x32xf32, #tpu.memory_space<vmem>>
    %dma_wait3A_156 = arith.constant 0 : i32
    %dma_wait3A_157 = arith.constant 0 : i32
    %dma_wait3A_158 = tpu.memref_slice %arg3[%dma_wait3A_156, %dma_wait3A_157] : memref<1000000x32xf32, #tpu.memory_space<hbm>> -> memref<1024x32xf32, #tpu.memory_space<hbm>>
    %dma_wait3A_159 = arith.constant 0 : i32
    %dma_wait3A_160 = arith.constant 0 : i32
    %dma_wait3A_161 = tpu.memref_slice %arg6[%dma_wait3A_151, %dma_wait3A_159, %dma_wait3A_160] : memref<3x1024x32xf32, #tpu.memory_space<vmem>> -> memref<1x1024x32xf32, #tpu.memory_space<vmem>>
    %dma_wait3A_162 = tpu.memref_squeeze %dma_wait3A_161 : memref<1x1024x32xf32, #tpu.memory_space<vmem>> -> memref<1024x32xf32, #tpu.memory_space<vmem>>
    %dma_wait3A_163 = arith.constant 0 : i32
    %dma_wait3A_164 = arith.constant 0 : i32
    %dma_wait3A_165 = tpu.memref_slice %arg3[%dma_wait3A_163, %dma_wait3A_164] : memref<1000000x32xf32, #tpu.memory_space<hbm>> -> memref<1024x32xf32, #tpu.memory_space<hbm>>
    tpu.wait_dma2 semaphore(%arg9 : memref<!tpu.dma_semaphore, #tpu.memory_space<semaphore_mem>>) src(%dma_wait3A_165 : memref<1024x32xf32, #tpu.memory_space<hbm>>) dst(%dma_wait3A_162 : memref<1024x32xf32, #tpu.memory_space<vmem>>)
    %add3A_166 = arith.constant 2048 : i32
    %add3A_167 = arith.addi %mul3A_2, %add3A_166 : i32
    %dma_start3A_168 = arith.constant 2 : i32
    %dma_start3A_169 = arith.constant 0 : i32
    %dma_start3A_170 = arith.constant 0 : i32
    %dma_start3A_171 = tpu.memref_slice %arg6[%dma_start3A_168, %dma_start3A_169, %dma_start3A_170] : memref<3x1024x32xf32, #tpu.memory_space<vmem>> -> memref<1x1024x32xf32, #tpu.memory_space<vmem>>
    %dma_start3A_172 = tpu.memref_squeeze %dma_start3A_171 : memref<1x1024x32xf32, #tpu.memory_space<vmem>> -> memref<1024x32xf32, #tpu.memory_space<vmem>>
    %dma_start3A_173 = arith.constant 0 : i32
    %dma_start3A_174 = tpu.memref_slice %arg4[%add3A_167, %dma_start3A_173] : memref<819200x32xf32, #tpu.memory_space<hbm>> -> memref<1024x32xf32, #tpu.memory_space<hbm>>
    %dma_start3A_175 = arith.constant 0 : i32
    %dma_start3A_176 = tpu.memref_slice %arg4[%add3A_167, %dma_start3A_175] : memref<819200x32xf32, #tpu.memory_space<hbm>> -> memref<1024x32xf32, #tpu.memory_space<hbm>>
    %dma_start3A_177 = arith.constant 0 : i32
    %dma_start3A_178 = arith.constant 0 : i32
    %dma_start3A_179 = tpu.memref_slice %arg6[%dma_start3A_168, %dma_start3A_177, %dma_start3A_178] : memref<3x1024x32xf32, #tpu.memory_space<vmem>> -> memref<1x1024x32xf32, #tpu.memory_space<vmem>>
    %dma_start3A_180 = tpu.memref_squeeze %dma_start3A_179 : memref<1x1024x32xf32, #tpu.memory_space<vmem>> -> memref<1024x32xf32, #tpu.memory_space<vmem>>
    tpu.enqueue_dma source(%dma_start3A_180 : memref<1024x32xf32, #tpu.memory_space<vmem>>) target(%dma_start3A_176 : memref<1024x32xf32, #tpu.memory_space<hbm>>) target_semaphore(%arg12 : memref<!tpu.dma_semaphore, #tpu.memory_space<semaphore_mem>>)
    %dma_wait3A_181 = arith.constant 2 : i32
    %dma_wait3A_182 = arith.constant 0 : i32
    %dma_wait3A_183 = arith.constant 0 : i32
    %dma_wait3A_184 = tpu.memref_slice %arg6[%dma_wait3A_181, %dma_wait3A_182, %dma_wait3A_183] : memref<3x1024x32xf32, #tpu.memory_space<vmem>> -> memref<1x1024x32xf32, #tpu.memory_space<vmem>>
    %dma_wait3A_185 = tpu.memref_squeeze %dma_wait3A_184 : memref<1x1024x32xf32, #tpu.memory_space<vmem>> -> memref<1024x32xf32, #tpu.memory_space<vmem>>
    %dma_wait3A_186 = arith.constant 0 : i32
    %dma_wait3A_187 = arith.constant 0 : i32
    %dma_wait3A_188 = tpu.memref_slice %arg3[%dma_wait3A_186, %dma_wait3A_187] : memref<1000000x32xf32, #tpu.memory_space<hbm>> -> memref<1024x32xf32, #tpu.memory_space<hbm>>
    %dma_wait3A_189 = arith.constant 0 : i32
    %dma_wait3A_190 = arith.constant 0 : i32
    %dma_wait3A_191 = tpu.memref_slice %arg6[%dma_wait3A_181, %dma_wait3A_189, %dma_wait3A_190] : memref<3x1024x32xf32, #tpu.memory_space<vmem>> -> memref<1x1024x32xf32, #tpu.memory_space<vmem>>
    %dma_wait3A_192 = tpu.memref_squeeze %dma_wait3A_191 : memref<1x1024x32xf32, #tpu.memory_space<vmem>> -> memref<1024x32xf32, #tpu.memory_space<vmem>>
    %dma_wait3A_193 = arith.constant 0 : i32
    %dma_wait3A_194 = arith.constant 0 : i32
    %dma_wait3A_195 = tpu.memref_slice %arg3[%dma_wait3A_193, %dma_wait3A_194] : memref<1000000x32xf32, #tpu.memory_space<hbm>> -> memref<1024x32xf32, #tpu.memory_space<hbm>>
    tpu.wait_dma2 semaphore(%arg12 : memref<!tpu.dma_semaphore, #tpu.memory_space<semaphore_mem>>) src(%dma_wait3A_195 : memref<1024x32xf32, #tpu.memory_space<hbm>>) dst(%dma_wait3A_192 : memref<1024x32xf32, #tpu.memory_space<vmem>>)
    %dma_start3A_196 = arith.constant 5 : i32
    %dma_start3A_197 = arith.constant 2 : i32
    %dma_start3A_198 = arith.constant 0 : i32
    %dma_start3A_199 = arith.constant 0 : i32
    %dma_start3A_200 = tpu.memref_slice %arg6[%dma_start3A_197, %dma_start3A_198, %dma_start3A_199] : memref<3x1024x32xf32, #tpu.memory_space<vmem>> -> memref<1x1024x32xf32, #tpu.memory_space<vmem>>
    %dma_start3A_201 = tpu.memref_squeeze %dma_start3A_200 : memref<1x1024x32xf32, #tpu.memory_space<vmem>> -> memref<1024x32xf32, #tpu.memory_space<vmem>>
    %dma_start3A_202 = arith.constant 0 : i32
    %dma_start3A_203 = tpu.memref_slice %arg5[%dma_start3A_196, %dma_start3A_202] : memref<25x1024xi32, #tpu.memory_space<vmem>> -> memref<1x1024xi32, #tpu.memory_space<vmem>>
    %dma_start3A_204 = tpu.memref_squeeze %dma_start3A_203 : memref<1x1024xi32, #tpu.memory_space<vmem>> -> memref<1024xi32, #tpu.memory_space<vmem>>
    %dma_start3A_205 = arith.constant 0 : i32
    %dma_start3A_206 = arith.constant 0 : i32
    %dma_start3A_207 = tpu.memref_slice %arg3[%dma_start3A_205, %dma_start3A_206] : memref<1000000x32xf32, #tpu.memory_space<hbm>> -> memref<1000000x32xf32, #tpu.memory_space<hbm>>
    tpu.enqueue_indirect_dma source(%dma_start3A_207 : memref<1000000x32xf32, #tpu.memory_space<hbm>>) target(%dma_start3A_201 : memref<1024x32xf32, #tpu.memory_space<vmem>>) offsets(%dma_start3A_204 : memref<1024xi32, #tpu.memory_space<vmem>>) semaphore(%arg9 : memref<!tpu.dma_semaphore, #tpu.memory_space<semaphore_mem>>)
    %dma_wait3A_208 = arith.constant 0 : i32
    %dma_wait3A_209 = arith.constant 0 : i32
    %dma_wait3A_210 = arith.constant 0 : i32
    %dma_wait3A_211 = tpu.memref_slice %arg6[%dma_wait3A_208, %dma_wait3A_209, %dma_wait3A_210] : memref<3x1024x32xf32, #tpu.memory_space<vmem>> -> memref<1x1024x32xf32, #tpu.memory_space<vmem>>
    %dma_wait3A_212 = tpu.memref_squeeze %dma_wait3A_211 : memref<1x1024x32xf32, #tpu.memory_space<vmem>> -> memref<1024x32xf32, #tpu.memory_space<vmem>>
    %dma_wait3A_213 = arith.constant 0 : i32
    %dma_wait3A_214 = arith.constant 0 : i32
    %dma_wait3A_215 = tpu.memref_slice %arg3[%dma_wait3A_213, %dma_wait3A_214] : memref<1000000x32xf32, #tpu.memory_space<hbm>> -> memref<1024x32xf32, #tpu.memory_space<hbm>>
    %dma_wait3A_216 = arith.constant 0 : i32
    %dma_wait3A_217 = arith.constant 0 : i32
    %dma_wait3A_218 = tpu.memref_slice %arg6[%dma_wait3A_208, %dma_wait3A_216, %dma_wait3A_217] : memref<3x1024x32xf32, #tpu.memory_space<vmem>> -> memref<1x1024x32xf32, #tpu.memory_space<vmem>>
    %dma_wait3A_219 = tpu.memref_squeeze %dma_wait3A_218 : memref<1x1024x32xf32, #tpu.memory_space<vmem>> -> memref<1024x32xf32, #tpu.memory_space<vmem>>
    %dma_wait3A_220 = arith.constant 0 : i32
    %dma_wait3A_221 = arith.constant 0 : i32
    %dma_wait3A_222 = tpu.memref_slice %arg3[%dma_wait3A_220, %dma_wait3A_221] : memref<1000000x32xf32, #tpu.memory_space<hbm>> -> memref<1024x32xf32, #tpu.memory_space<hbm>>
    tpu.wait_dma2 semaphore(%arg7 : memref<!tpu.dma_semaphore, #tpu.memory_space<semaphore_mem>>) src(%dma_wait3A_222 : memref<1024x32xf32, #tpu.memory_space<hbm>>) dst(%dma_wait3A_219 : memref<1024x32xf32, #tpu.memory_space<vmem>>)
    %add3A_223 = arith.constant 3072 : i32
    %add3A_224 = arith.addi %mul3A_2, %add3A_223 : i32
    %dma_start3A_225 = arith.constant 0 : i32
    %dma_start3A_226 = arith.constant 0 : i32
    %dma_start3A_227 = arith.constant 0 : i32
    %dma_start3A_228 = tpu.memref_slice %arg6[%dma_start3A_225, %dma_start3A_226, %dma_start3A_227] : memref<3x1024x32xf32, #tpu.memory_space<vmem>> -> memref<1x1024x32xf32, #tpu.memory_space<vmem>>
    %dma_start3A_229 = tpu.memref_squeeze %dma_start3A_228 : memref<1x1024x32xf32, #tpu.memory_space<vmem>> -> memref<1024x32xf32, #tpu.memory_space<vmem>>
    %dma_start3A_230 = arith.constant 0 : i32
    %dma_start3A_231 = tpu.memref_slice %arg4[%add3A_224, %dma_start3A_230] : memref<819200x32xf32, #tpu.memory_space<hbm>> -> memref<1024x32xf32, #tpu.memory_space<hbm>>
    %dma_start3A_232 = arith.constant 0 : i32
    %dma_start3A_233 = tpu.memref_slice %arg4[%add3A_224, %dma_start3A_232] : memref<819200x32xf32, #tpu.memory_space<hbm>> -> memref<1024x32xf32, #tpu.memory_space<hbm>>
    %dma_start3A_234 = arith.constant 0 : i32
    %dma_start3A_235 = arith.constant 0 : i32
    %dma_start3A_236 = tpu.memref_slice %arg6[%dma_start3A_225, %dma_start3A_234, %dma_start3A_235] : memref<3x1024x32xf32, #tpu.memory_space<vmem>> -> memref<1x1024x32xf32, #tpu.memory_space<vmem>>
    %dma_start3A_237 = tpu.memref_squeeze %dma_start3A_236 : memref<1x1024x32xf32, #tpu.memory_space<vmem>> -> memref<1024x32xf32, #tpu.memory_space<vmem>>
    tpu.enqueue_dma source(%dma_start3A_237 : memref<1024x32xf32, #tpu.memory_space<vmem>>) target(%dma_start3A_233 : memref<1024x32xf32, #tpu.memory_space<hbm>>) target_semaphore(%arg10 : memref<!tpu.dma_semaphore, #tpu.memory_space<semaphore_mem>>)
    %dma_wait3A_238 = arith.constant 0 : i32
    %dma_wait3A_239 = arith.constant 0 : i32
    %dma_wait3A_240 = arith.constant 0 : i32
    %dma_wait3A_241 = tpu.memref_slice %arg6[%dma_wait3A_238, %dma_wait3A_239, %dma_wait3A_240] : memref<3x1024x32xf32, #tpu.memory_space<vmem>> -> memref<1x1024x32xf32, #tpu.memory_space<vmem>>
    %dma_wait3A_242 = tpu.memref_squeeze %dma_wait3A_241 : memref<1x1024x32xf32, #tpu.memory_space<vmem>> -> memref<1024x32xf32, #tpu.memory_space<vmem>>
    %dma_wait3A_243 = arith.constant 0 : i32
    %dma_wait3A_244 = arith.constant 0 : i32
    %dma_wait3A_245 = tpu.memref_slice %arg3[%dma_wait3A_243, %dma_wait3A_244] : memref<1000000x32xf32, #tpu.memory_space<hbm>> -> memref<1024x32xf32, #tpu.memory_space<hbm>>
    %dma_wait3A_246 = arith.constant 0 : i32
    %dma_wait3A_247 = arith.constant 0 : i32
    %dma_wait3A_248 = tpu.memref_slice %arg6[%dma_wait3A_238, %dma_wait3A_246, %dma_wait3A_247] : memref<3x1024x32xf32, #tpu.memory_space<vmem>> -> memref<1x1024x32xf32, #tpu.memory_space<vmem>>
    %dma_wait3A_249 = tpu.memref_squeeze %dma_wait3A_248 : memref<1x1024x32xf32, #tpu.memory_space<vmem>> -> memref<1024x32xf32, #tpu.memory_space<vmem>>
    %dma_wait3A_250 = arith.constant 0 : i32
    %dma_wait3A_251 = arith.constant 0 : i32
    %dma_wait3A_252 = tpu.memref_slice %arg3[%dma_wait3A_250, %dma_wait3A_251] : memref<1000000x32xf32, #tpu.memory_space<hbm>> -> memref<1024x32xf32, #tpu.memory_space<hbm>>
    tpu.wait_dma2 semaphore(%arg10 : memref<!tpu.dma_semaphore, #tpu.memory_space<semaphore_mem>>) src(%dma_wait3A_252 : memref<1024x32xf32, #tpu.memory_space<hbm>>) dst(%dma_wait3A_249 : memref<1024x32xf32, #tpu.memory_space<vmem>>)
    %dma_start3A_253 = arith.constant 6 : i32
    %dma_start3A_254 = arith.constant 0 : i32
    %dma_start3A_255 = arith.constant 0 : i32
    %dma_start3A_256 = arith.constant 0 : i32
    %dma_start3A_257 = tpu.memref_slice %arg6[%dma_start3A_254, %dma_start3A_255, %dma_start3A_256] : memref<3x1024x32xf32, #tpu.memory_space<vmem>> -> memref<1x1024x32xf32, #tpu.memory_space<vmem>>
    %dma_start3A_258 = tpu.memref_squeeze %dma_start3A_257 : memref<1x1024x32xf32, #tpu.memory_space<vmem>> -> memref<1024x32xf32, #tpu.memory_space<vmem>>
    %dma_start3A_259 = arith.constant 0 : i32
    %dma_start3A_260 = tpu.memref_slice %arg5[%dma_start3A_253, %dma_start3A_259] : memref<25x1024xi32, #tpu.memory_space<vmem>> -> memref<1x1024xi32, #tpu.memory_space<vmem>>
    %dma_start3A_261 = tpu.memref_squeeze %dma_start3A_260 : memref<1x1024xi32, #tpu.memory_space<vmem>> -> memref<1024xi32, #tpu.memory_space<vmem>>
    %dma_start3A_262 = arith.constant 0 : i32
    %dma_start3A_263 = arith.constant 0 : i32
    %dma_start3A_264 = tpu.memref_slice %arg3[%dma_start3A_262, %dma_start3A_263] : memref<1000000x32xf32, #tpu.memory_space<hbm>> -> memref<1000000x32xf32, #tpu.memory_space<hbm>>
    tpu.enqueue_indirect_dma source(%dma_start3A_264 : memref<1000000x32xf32, #tpu.memory_space<hbm>>) target(%dma_start3A_258 : memref<1024x32xf32, #tpu.memory_space<vmem>>) offsets(%dma_start3A_261 : memref<1024xi32, #tpu.memory_space<vmem>>) semaphore(%arg7 : memref<!tpu.dma_semaphore, #tpu.memory_space<semaphore_mem>>)
    %dma_wait3A_265 = arith.constant 1 : i32
    %dma_wait3A_266 = arith.constant 0 : i32
    %dma_wait3A_267 = arith.constant 0 : i32
    %dma_wait3A_268 = tpu.memref_slice %arg6[%dma_wait3A_265, %dma_wait3A_266, %dma_wait3A_267] : memref<3x1024x32xf32, #tpu.memory_space<vmem>> -> memref<1x1024x32xf32, #tpu.memory_space<vmem>>
    %dma_wait3A_269 = tpu.memref_squeeze %dma_wait3A_268 : memref<1x1024x32xf32, #tpu.memory_space<vmem>> -> memref<1024x32xf32, #tpu.memory_space<vmem>>
    %dma_wait3A_270 = arith.constant 0 : i32
    %dma_wait3A_271 = arith.constant 0 : i32
    %dma_wait3A_272 = tpu.memref_slice %arg3[%dma_wait3A_270, %dma_wait3A_271] : memref<1000000x32xf32, #tpu.memory_space<hbm>> -> memref<1024x32xf32, #tpu.memory_space<hbm>>
    %dma_wait3A_273 = arith.constant 0 : i32
    %dma_wait3A_274 = arith.constant 0 : i32
    %dma_wait3A_275 = tpu.memref_slice %arg6[%dma_wait3A_265, %dma_wait3A_273, %dma_wait3A_274] : memref<3x1024x32xf32, #tpu.memory_space<vmem>> -> memref<1x1024x32xf32, #tpu.memory_space<vmem>>
    %dma_wait3A_276 = tpu.memref_squeeze %dma_wait3A_275 : memref<1x1024x32xf32, #tpu.memory_space<vmem>> -> memref<1024x32xf32, #tpu.memory_space<vmem>>
    %dma_wait3A_277 = arith.constant 0 : i32
    %dma_wait3A_278 = arith.constant 0 : i32
    %dma_wait3A_279 = tpu.memref_slice %arg3[%dma_wait3A_277, %dma_wait3A_278] : memref<1000000x32xf32, #tpu.memory_space<hbm>> -> memref<1024x32xf32, #tpu.memory_space<hbm>>
    tpu.wait_dma2 semaphore(%arg8 : memref<!tpu.dma_semaphore, #tpu.memory_space<semaphore_mem>>) src(%dma_wait3A_279 : memref<1024x32xf32, #tpu.memory_space<hbm>>) dst(%dma_wait3A_276 : memref<1024x32xf32, #tpu.memory_space<vmem>>)
    %add3A_280 = arith.constant 4096 : i32
    %add3A_281 = arith.addi %mul3A_2, %add3A_280 : i32
    %dma_start3A_282 = arith.constant 1 : i32
    %dma_start3A_283 = arith.constant 0 : i32
    %dma_start3A_284 = arith.constant 0 : i32
    %dma_start3A_285 = tpu.memref_slice %arg6[%dma_start3A_282, %dma_start3A_283, %dma_start3A_284] : memref<3x1024x32xf32, #tpu.memory_space<vmem>> -> memref<1x1024x32xf32, #tpu.memory_space<vmem>>
    %dma_start3A_286 = tpu.memref_squeeze %dma_start3A_285 : memref<1x1024x32xf32, #tpu.memory_space<vmem>> -> memref<1024x32xf32, #tpu.memory_space<vmem>>
    %dma_start3A_287 = arith.constant 0 : i32
    %dma_start3A_288 = tpu.memref_slice %arg4[%add3A_281, %dma_start3A_287] : memref<819200x32xf32, #tpu.memory_space<hbm>> -> memref<1024x32xf32, #tpu.memory_space<hbm>>
    %dma_start3A_289 = arith.constant 0 : i32
    %dma_start3A_290 = tpu.memref_slice %arg4[%add3A_281, %dma_start3A_289] : memref<819200x32xf32, #tpu.memory_space<hbm>> -> memref<1024x32xf32, #tpu.memory_space<hbm>>
    %dma_start3A_291 = arith.constant 0 : i32
    %dma_start3A_292 = arith.constant 0 : i32
    %dma_start3A_293 = tpu.memref_slice %arg6[%dma_start3A_282, %dma_start3A_291, %dma_start3A_292] : memref<3x1024x32xf32, #tpu.memory_space<vmem>> -> memref<1x1024x32xf32, #tpu.memory_space<vmem>>
    %dma_start3A_294 = tpu.memref_squeeze %dma_start3A_293 : memref<1x1024x32xf32, #tpu.memory_space<vmem>> -> memref<1024x32xf32, #tpu.memory_space<vmem>>
    tpu.enqueue_dma source(%dma_start3A_294 : memref<1024x32xf32, #tpu.memory_space<vmem>>) target(%dma_start3A_290 : memref<1024x32xf32, #tpu.memory_space<hbm>>) target_semaphore(%arg11 : memref<!tpu.dma_semaphore, #tpu.memory_space<semaphore_mem>>)
    %dma_wait3A_295 = arith.constant 1 : i32
    %dma_wait3A_296 = arith.constant 0 : i32
    %dma_wait3A_297 = arith.constant 0 : i32
    %dma_wait3A_298 = tpu.memref_slice %arg6[%dma_wait3A_295, %dma_wait3A_296, %dma_wait3A_297] : memref<3x1024x32xf32, #tpu.memory_space<vmem>> -> memref<1x1024x32xf32, #tpu.memory_space<vmem>>
    %dma_wait3A_299 = tpu.memref_squeeze %dma_wait3A_298 : memref<1x1024x32xf32, #tpu.memory_space<vmem>> -> memref<1024x32xf32, #tpu.memory_space<vmem>>
    %dma_wait3A_300 = arith.constant 0 : i32
    %dma_wait3A_301 = arith.constant 0 : i32
    %dma_wait3A_302 = tpu.memref_slice %arg3[%dma_wait3A_300, %dma_wait3A_301] : memref<1000000x32xf32, #tpu.memory_space<hbm>> -> memref<1024x32xf32, #tpu.memory_space<hbm>>
    %dma_wait3A_303 = arith.constant 0 : i32
    %dma_wait3A_304 = arith.constant 0 : i32
    %dma_wait3A_305 = tpu.memref_slice %arg6[%dma_wait3A_295, %dma_wait3A_303, %dma_wait3A_304] : memref<3x1024x32xf32, #tpu.memory_space<vmem>> -> memref<1x1024x32xf32, #tpu.memory_space<vmem>>
    %dma_wait3A_306 = tpu.memref_squeeze %dma_wait3A_305 : memref<1x1024x32xf32, #tpu.memory_space<vmem>> -> memref<1024x32xf32, #tpu.memory_space<vmem>>
    %dma_wait3A_307 = arith.constant 0 : i32
    %dma_wait3A_308 = arith.constant 0 : i32
    %dma_wait3A_309 = tpu.memref_slice %arg3[%dma_wait3A_307, %dma_wait3A_308] : memref<1000000x32xf32, #tpu.memory_space<hbm>> -> memref<1024x32xf32, #tpu.memory_space<hbm>>
    tpu.wait_dma2 semaphore(%arg11 : memref<!tpu.dma_semaphore, #tpu.memory_space<semaphore_mem>>) src(%dma_wait3A_309 : memref<1024x32xf32, #tpu.memory_space<hbm>>) dst(%dma_wait3A_306 : memref<1024x32xf32, #tpu.memory_space<vmem>>)
    %dma_start3A_310 = arith.constant 7 : i32
    %dma_start3A_311 = arith.constant 1 : i32
    %dma_start3A_312 = arith.constant 0 : i32
    %dma_start3A_313 = arith.constant 0 : i32
    %dma_start3A_314 = tpu.memref_slice %arg6[%dma_start3A_311, %dma_start3A_312, %dma_start3A_313] : memref<3x1024x32xf32, #tpu.memory_space<vmem>> -> memref<1x1024x32xf32, #tpu.memory_space<vmem>>
    %dma_start3A_315 = tpu.memref_squeeze %dma_start3A_314 : memref<1x1024x32xf32, #tpu.memory_space<vmem>> -> memref<1024x32xf32, #tpu.memory_space<vmem>>
    %dma_start3A_316 = arith.constant 0 : i32
    %dma_start3A_317 = tpu.memref_slice %arg5[%dma_start3A_310, %dma_start3A_316] : memref<25x1024xi32, #tpu.memory_space<vmem>> -> memref<1x1024xi32, #tpu.memory_space<vmem>>
    %dma_start3A_318 = tpu.memref_squeeze %dma_start3A_317 : memref<1x1024xi32, #tpu.memory_space<vmem>> -> memref<1024xi32, #tpu.memory_space<vmem>>
    %dma_start3A_319 = arith.constant 0 : i32
    %dma_start3A_320 = arith.constant 0 : i32
    %dma_start3A_321 = tpu.memref_slice %arg3[%dma_start3A_319, %dma_start3A_320] : memref<1000000x32xf32, #tpu.memory_space<hbm>> -> memref<1000000x32xf32, #tpu.memory_space<hbm>>
    tpu.enqueue_indirect_dma source(%dma_start3A_321 : memref<1000000x32xf32, #tpu.memory_space<hbm>>) target(%dma_start3A_315 : memref<1024x32xf32, #tpu.memory_space<vmem>>) offsets(%dma_start3A_318 : memref<1024xi32, #tpu.memory_space<vmem>>) semaphore(%arg8 : memref<!tpu.dma_semaphore, #tpu.memory_space<semaphore_mem>>)
    %dma_wait3A_322 = arith.constant 2 : i32
    %dma_wait3A_323 = arith.constant 0 : i32
    %dma_wait3A_324 = arith.constant 0 : i32
    %dma_wait3A_325 = tpu.memref_slice %arg6[%dma_wait3A_322, %dma_wait3A_323, %dma_wait3A_324] : memref<3x1024x32xf32, #tpu.memory_space<vmem>> -> memref<1x1024x32xf32, #tpu.memory_space<vmem>>
    %dma_wait3A_326 = tpu.memref_squeeze %dma_wait3A_325 : memref<1x1024x32xf32, #tpu.memory_space<vmem>> -> memref<1024x32xf32, #tpu.memory_space<vmem>>
    %dma_wait3A_327 = arith.constant 0 : i32
    %dma_wait3A_328 = arith.constant 0 : i32
    %dma_wait3A_329 = tpu.memref_slice %arg3[%dma_wait3A_327, %dma_wait3A_328] : memref<1000000x32xf32, #tpu.memory_space<hbm>> -> memref<1024x32xf32, #tpu.memory_space<hbm>>
    %dma_wait3A_330 = arith.constant 0 : i32
    %dma_wait3A_331 = arith.constant 0 : i32
    %dma_wait3A_332 = tpu.memref_slice %arg6[%dma_wait3A_322, %dma_wait3A_330, %dma_wait3A_331] : memref<3x1024x32xf32, #tpu.memory_space<vmem>> -> memref<1x1024x32xf32, #tpu.memory_space<vmem>>
    %dma_wait3A_333 = tpu.memref_squeeze %dma_wait3A_332 : memref<1x1024x32xf32, #tpu.memory_space<vmem>> -> memref<1024x32xf32, #tpu.memory_space<vmem>>
    %dma_wait3A_334 = arith.constant 0 : i32
    %dma_wait3A_335 = arith.constant 0 : i32
    %dma_wait3A_336 = tpu.memref_slice %arg3[%dma_wait3A_334, %dma_wait3A_335] : memref<1000000x32xf32, #tpu.memory_space<hbm>> -> memref<1024x32xf32, #tpu.memory_space<hbm>>
    tpu.wait_dma2 semaphore(%arg9 : memref<!tpu.dma_semaphore, #tpu.memory_space<semaphore_mem>>) src(%dma_wait3A_336 : memref<1024x32xf32, #tpu.memory_space<hbm>>) dst(%dma_wait3A_333 : memref<1024x32xf32, #tpu.memory_space<vmem>>)
    %add3A_337 = arith.constant 5120 : i32
    %add3A_338 = arith.addi %mul3A_2, %add3A_337 : i32
    %dma_start3A_339 = arith.constant 2 : i32
    %dma_start3A_340 = arith.constant 0 : i32
    %dma_start3A_341 = arith.constant 0 : i32
    %dma_start3A_342 = tpu.memref_slice %arg6[%dma_start3A_339, %dma_start3A_340, %dma_start3A_341] : memref<3x1024x32xf32, #tpu.memory_space<vmem>> -> memref<1x1024x32xf32, #tpu.memory_space<vmem>>
    %dma_start3A_343 = tpu.memref_squeeze %dma_start3A_342 : memref<1x1024x32xf32, #tpu.memory_space<vmem>> -> memref<1024x32xf32, #tpu.memory_space<vmem>>
    %dma_start3A_344 = arith.constant 0 : i32
    %dma_start3A_345 = tpu.memref_slice %arg4[%add3A_338, %dma_start3A_344] : memref<819200x32xf32, #tpu.memory_space<hbm>> -> memref<1024x32xf32, #tpu.memory_space<hbm>>
    %dma_start3A_346 = arith.constant 0 : i32
    %dma_start3A_347 = tpu.memref_slice %arg4[%add3A_338, %dma_start3A_346] : memref<819200x32xf32, #tpu.memory_space<hbm>> -> memref<1024x32xf32, #tpu.memory_space<hbm>>
    %dma_start3A_348 = arith.constant 0 : i32
    %dma_start3A_349 = arith.constant 0 : i32
    %dma_start3A_350 = tpu.memref_slice %arg6[%dma_start3A_339, %dma_start3A_348, %dma_start3A_349] : memref<3x1024x32xf32, #tpu.memory_space<vmem>> -> memref<1x1024x32xf32, #tpu.memory_space<vmem>>
    %dma_start3A_351 = tpu.memref_squeeze %dma_start3A_350 : memref<1x1024x32xf32, #tpu.memory_space<vmem>> -> memref<1024x32xf32, #tpu.memory_space<vmem>>
    tpu.enqueue_dma source(%dma_start3A_351 : memref<1024x32xf32, #tpu.memory_space<vmem>>) target(%dma_start3A_347 : memref<1024x32xf32, #tpu.memory_space<hbm>>) target_semaphore(%arg12 : memref<!tpu.dma_semaphore, #tpu.memory_space<semaphore_mem>>)
    %dma_wait3A_352 = arith.constant 2 : i32
    %dma_wait3A_353 = arith.constant 0 : i32
    %dma_wait3A_354 = arith.constant 0 : i32
    %dma_wait3A_355 = tpu.memref_slice %arg6[%dma_wait3A_352, %dma_wait3A_353, %dma_wait3A_354] : memref<3x1024x32xf32, #tpu.memory_space<vmem>> -> memref<1x1024x32xf32, #tpu.memory_space<vmem>>
    %dma_wait3A_356 = tpu.memref_squeeze %dma_wait3A_355 : memref<1x1024x32xf32, #tpu.memory_space<vmem>> -> memref<1024x32xf32, #tpu.memory_space<vmem>>
    %dma_wait3A_357 = arith.constant 0 : i32
    %dma_wait3A_358 = arith.constant 0 : i32
    %dma_wait3A_359 = tpu.memref_slice %arg3[%dma_wait3A_357, %dma_wait3A_358] : memref<1000000x32xf32, #tpu.memory_space<hbm>> -> memref<1024x32xf32, #tpu.memory_space<hbm>>
    %dma_wait3A_360 = arith.constant 0 : i32
    %dma_wait3A_361 = arith.constant 0 : i32
    %dma_wait3A_362 = tpu.memref_slice %arg6[%dma_wait3A_352, %dma_wait3A_360, %dma_wait3A_361] : memref<3x1024x32xf32, #tpu.memory_space<vmem>> -> memref<1x1024x32xf32, #tpu.memory_space<vmem>>
    %dma_wait3A_363 = tpu.memref_squeeze %dma_wait3A_362 : memref<1x1024x32xf32, #tpu.memory_space<vmem>> -> memref<1024x32xf32, #tpu.memory_space<vmem>>
    %dma_wait3A_364 = arith.constant 0 : i32
    %dma_wait3A_365 = arith.constant 0 : i32
    %dma_wait3A_366 = tpu.memref_slice %arg3[%dma_wait3A_364, %dma_wait3A_365] : memref<1000000x32xf32, #tpu.memory_space<hbm>> -> memref<1024x32xf32, #tpu.memory_space<hbm>>
    tpu.wait_dma2 semaphore(%arg12 : memref<!tpu.dma_semaphore, #tpu.memory_space<semaphore_mem>>) src(%dma_wait3A_366 : memref<1024x32xf32, #tpu.memory_space<hbm>>) dst(%dma_wait3A_363 : memref<1024x32xf32, #tpu.memory_space<vmem>>)
    %dma_start3A_367 = arith.constant 8 : i32
    %dma_start3A_368 = arith.constant 2 : i32
    %dma_start3A_369 = arith.constant 0 : i32
    %dma_start3A_370 = arith.constant 0 : i32
    %dma_start3A_371 = tpu.memref_slice %arg6[%dma_start3A_368, %dma_start3A_369, %dma_start3A_370] : memref<3x1024x32xf32, #tpu.memory_space<vmem>> -> memref<1x1024x32xf32, #tpu.memory_space<vmem>>
    %dma_start3A_372 = tpu.memref_squeeze %dma_start3A_371 : memref<1x1024x32xf32, #tpu.memory_space<vmem>> -> memref<1024x32xf32, #tpu.memory_space<vmem>>
    %dma_start3A_373 = arith.constant 0 : i32
    %dma_start3A_374 = tpu.memref_slice %arg5[%dma_start3A_367, %dma_start3A_373] : memref<25x1024xi32, #tpu.memory_space<vmem>> -> memref<1x1024xi32, #tpu.memory_space<vmem>>
    %dma_start3A_375 = tpu.memref_squeeze %dma_start3A_374 : memref<1x1024xi32, #tpu.memory_space<vmem>> -> memref<1024xi32, #tpu.memory_space<vmem>>
    %dma_start3A_376 = arith.constant 0 : i32
    %dma_start3A_377 = arith.constant 0 : i32
    %dma_start3A_378 = tpu.memref_slice %arg3[%dma_start3A_376, %dma_start3A_377] : memref<1000000x32xf32, #tpu.memory_space<hbm>> -> memref<1000000x32xf32, #tpu.memory_space<hbm>>
    tpu.enqueue_indirect_dma source(%dma_start3A_378 : memref<1000000x32xf32, #tpu.memory_space<hbm>>) target(%dma_start3A_372 : memref<1024x32xf32, #tpu.memory_space<vmem>>) offsets(%dma_start3A_375 : memref<1024xi32, #tpu.memory_space<vmem>>) semaphore(%arg9 : memref<!tpu.dma_semaphore, #tpu.memory_space<semaphore_mem>>)
    %dma_wait3A_379 = arith.constant 0 : i32
    %dma_wait3A_380 = arith.constant 0 : i32
    %dma_wait3A_381 = arith.constant 0 : i32
    %dma_wait3A_382 = tpu.memref_slice %arg6[%dma_wait3A_379, %dma_wait3A_380, %dma_wait3A_381] : memref<3x1024x32xf32, #tpu.memory_space<vmem>> -> memref<1x1024x32xf32, #tpu.memory_space<vmem>>
    %dma_wait3A_383 = tpu.memref_squeeze %dma_wait3A_382 : memref<1x1024x32xf32, #tpu.memory_space<vmem>> -> memref<1024x32xf32, #tpu.memory_space<vmem>>
    %dma_wait3A_384 = arith.constant 0 : i32
    %dma_wait3A_385 = arith.constant 0 : i32
    %dma_wait3A_386 = tpu.memref_slice %arg3[%dma_wait3A_384, %dma_wait3A_385] : memref<1000000x32xf32, #tpu.memory_space<hbm>> -> memref<1024x32xf32, #tpu.memory_space<hbm>>
    %dma_wait3A_387 = arith.constant 0 : i32
    %dma_wait3A_388 = arith.constant 0 : i32
    %dma_wait3A_389 = tpu.memref_slice %arg6[%dma_wait3A_379, %dma_wait3A_387, %dma_wait3A_388] : memref<3x1024x32xf32, #tpu.memory_space<vmem>> -> memref<1x1024x32xf32, #tpu.memory_space<vmem>>
    %dma_wait3A_390 = tpu.memref_squeeze %dma_wait3A_389 : memref<1x1024x32xf32, #tpu.memory_space<vmem>> -> memref<1024x32xf32, #tpu.memory_space<vmem>>
    %dma_wait3A_391 = arith.constant 0 : i32
    %dma_wait3A_392 = arith.constant 0 : i32
    %dma_wait3A_393 = tpu.memref_slice %arg3[%dma_wait3A_391, %dma_wait3A_392] : memref<1000000x32xf32, #tpu.memory_space<hbm>> -> memref<1024x32xf32, #tpu.memory_space<hbm>>
    tpu.wait_dma2 semaphore(%arg7 : memref<!tpu.dma_semaphore, #tpu.memory_space<semaphore_mem>>) src(%dma_wait3A_393 : memref<1024x32xf32, #tpu.memory_space<hbm>>) dst(%dma_wait3A_390 : memref<1024x32xf32, #tpu.memory_space<vmem>>)
    %add3A_394 = arith.constant 6144 : i32
    %add3A_395 = arith.addi %mul3A_2, %add3A_394 : i32
    %dma_start3A_396 = arith.constant 0 : i32
    %dma_start3A_397 = arith.constant 0 : i32
    %dma_start3A_398 = arith.constant 0 : i32
    %dma_start3A_399 = tpu.memref_slice %arg6[%dma_start3A_396, %dma_start3A_397, %dma_start3A_398] : memref<3x1024x32xf32, #tpu.memory_space<vmem>> -> memref<1x1024x32xf32, #tpu.memory_space<vmem>>
    %dma_start3A_400 = tpu.memref_squeeze %dma_start3A_399 : memref<1x1024x32xf32, #tpu.memory_space<vmem>> -> memref<1024x32xf32, #tpu.memory_space<vmem>>
    %dma_start3A_401 = arith.constant 0 : i32
    %dma_start3A_402 = tpu.memref_slice %arg4[%add3A_395, %dma_start3A_401] : memref<819200x32xf32, #tpu.memory_space<hbm>> -> memref<1024x32xf32, #tpu.memory_space<hbm>>
    %dma_start3A_403 = arith.constant 0 : i32
    %dma_start3A_404 = tpu.memref_slice %arg4[%add3A_395, %dma_start3A_403] : memref<819200x32xf32, #tpu.memory_space<hbm>> -> memref<1024x32xf32, #tpu.memory_space<hbm>>
    %dma_start3A_405 = arith.constant 0 : i32
    %dma_start3A_406 = arith.constant 0 : i32
    %dma_start3A_407 = tpu.memref_slice %arg6[%dma_start3A_396, %dma_start3A_405, %dma_start3A_406] : memref<3x1024x32xf32, #tpu.memory_space<vmem>> -> memref<1x1024x32xf32, #tpu.memory_space<vmem>>
    %dma_start3A_408 = tpu.memref_squeeze %dma_start3A_407 : memref<1x1024x32xf32, #tpu.memory_space<vmem>> -> memref<1024x32xf32, #tpu.memory_space<vmem>>
    tpu.enqueue_dma source(%dma_start3A_408 : memref<1024x32xf32, #tpu.memory_space<vmem>>) target(%dma_start3A_404 : memref<1024x32xf32, #tpu.memory_space<hbm>>) target_semaphore(%arg10 : memref<!tpu.dma_semaphore, #tpu.memory_space<semaphore_mem>>)
    %dma_wait3A_409 = arith.constant 0 : i32
    %dma_wait3A_410 = arith.constant 0 : i32
    %dma_wait3A_411 = arith.constant 0 : i32
    %dma_wait3A_412 = tpu.memref_slice %arg6[%dma_wait3A_409, %dma_wait3A_410, %dma_wait3A_411] : memref<3x1024x32xf32, #tpu.memory_space<vmem>> -> memref<1x1024x32xf32, #tpu.memory_space<vmem>>
    %dma_wait3A_413 = tpu.memref_squeeze %dma_wait3A_412 : memref<1x1024x32xf32, #tpu.memory_space<vmem>> -> memref<1024x32xf32, #tpu.memory_space<vmem>>
    %dma_wait3A_414 = arith.constant 0 : i32
    %dma_wait3A_415 = arith.constant 0 : i32
    %dma_wait3A_416 = tpu.memref_slice %arg3[%dma_wait3A_414, %dma_wait3A_415] : memref<1000000x32xf32, #tpu.memory_space<hbm>> -> memref<1024x32xf32, #tpu.memory_space<hbm>>
    %dma_wait3A_417 = arith.constant 0 : i32
    %dma_wait3A_418 = arith.constant 0 : i32
    %dma_wait3A_419 = tpu.memref_slice %arg6[%dma_wait3A_409, %dma_wait3A_417, %dma_wait3A_418] : memref<3x1024x32xf32, #tpu.memory_space<vmem>> -> memref<1x1024x32xf32, #tpu.memory_space<vmem>>
    %dma_wait3A_420 = tpu.memref_squeeze %dma_wait3A_419 : memref<1x1024x32xf32, #tpu.memory_space<vmem>> -> memref<1024x32xf32, #tpu.memory_space<vmem>>
    %dma_wait3A_421 = arith.constant 0 : i32
    %dma_wait3A_422 = arith.constant 0 : i32
    %dma_wait3A_423 = tpu.memref_slice %arg3[%dma_wait3A_421, %dma_wait3A_422] : memref<1000000x32xf32, #tpu.memory_space<hbm>> -> memref<1024x32xf32, #tpu.memory_space<hbm>>
    tpu.wait_dma2 semaphore(%arg10 : memref<!tpu.dma_semaphore, #tpu.memory_space<semaphore_mem>>) src(%dma_wait3A_423 : memref<1024x32xf32, #tpu.memory_space<hbm>>) dst(%dma_wait3A_420 : memref<1024x32xf32, #tpu.memory_space<vmem>>)
    %dma_start3A_424 = arith.constant 9 : i32
    %dma_start3A_425 = arith.constant 0 : i32
    %dma_start3A_426 = arith.constant 0 : i32
    %dma_start3A_427 = arith.constant 0 : i32
    %dma_start3A_428 = tpu.memref_slice %arg6[%dma_start3A_425, %dma_start3A_426, %dma_start3A_427] : memref<3x1024x32xf32, #tpu.memory_space<vmem>> -> memref<1x1024x32xf32, #tpu.memory_space<vmem>>
    %dma_start3A_429 = tpu.memref_squeeze %dma_start3A_428 : memref<1x1024x32xf32, #tpu.memory_space<vmem>> -> memref<1024x32xf32, #tpu.memory_space<vmem>>
    %dma_start3A_430 = arith.constant 0 : i32
    %dma_start3A_431 = tpu.memref_slice %arg5[%dma_start3A_424, %dma_start3A_430] : memref<25x1024xi32, #tpu.memory_space<vmem>> -> memref<1x1024xi32, #tpu.memory_space<vmem>>
    %dma_start3A_432 = tpu.memref_squeeze %dma_start3A_431 : memref<1x1024xi32, #tpu.memory_space<vmem>> -> memref<1024xi32, #tpu.memory_space<vmem>>
    %dma_start3A_433 = arith.constant 0 : i32
    %dma_start3A_434 = arith.constant 0 : i32
    %dma_start3A_435 = tpu.memref_slice %arg3[%dma_start3A_433, %dma_start3A_434] : memref<1000000x32xf32, #tpu.memory_space<hbm>> -> memref<1000000x32xf32, #tpu.memory_space<hbm>>
    tpu.enqueue_indirect_dma source(%dma_start3A_435 : memref<1000000x32xf32, #tpu.memory_space<hbm>>) target(%dma_start3A_429 : memref<1024x32xf32, #tpu.memory_space<vmem>>) offsets(%dma_start3A_432 : memref<1024xi32, #tpu.memory_space<vmem>>) semaphore(%arg7 : memref<!tpu.dma_semaphore, #tpu.memory_space<semaphore_mem>>)
    %dma_wait3A_436 = arith.constant 1 : i32
    %dma_wait3A_437 = arith.constant 0 : i32
    %dma_wait3A_438 = arith.constant 0 : i32
    %dma_wait3A_439 = tpu.memref_slice %arg6[%dma_wait3A_436, %dma_wait3A_437, %dma_wait3A_438] : memref<3x1024x32xf32, #tpu.memory_space<vmem>> -> memref<1x1024x32xf32, #tpu.memory_space<vmem>>
    %dma_wait3A_440 = tpu.memref_squeeze %dma_wait3A_439 : memref<1x1024x32xf32, #tpu.memory_space<vmem>> -> memref<1024x32xf32, #tpu.memory_space<vmem>>
    %dma_wait3A_441 = arith.constant 0 : i32
    %dma_wait3A_442 = arith.constant 0 : i32
    %dma_wait3A_443 = tpu.memref_slice %arg3[%dma_wait3A_441, %dma_wait3A_442] : memref<1000000x32xf32, #tpu.memory_space<hbm>> -> memref<1024x32xf32, #tpu.memory_space<hbm>>
    %dma_wait3A_444 = arith.constant 0 : i32
    %dma_wait3A_445 = arith.constant 0 : i32
    %dma_wait3A_446 = tpu.memref_slice %arg6[%dma_wait3A_436, %dma_wait3A_444, %dma_wait3A_445] : memref<3x1024x32xf32, #tpu.memory_space<vmem>> -> memref<1x1024x32xf32, #tpu.memory_space<vmem>>
    %dma_wait3A_447 = tpu.memref_squeeze %dma_wait3A_446 : memref<1x1024x32xf32, #tpu.memory_space<vmem>> -> memref<1024x32xf32, #tpu.memory_space<vmem>>
    %dma_wait3A_448 = arith.constant 0 : i32
    %dma_wait3A_449 = arith.constant 0 : i32
    %dma_wait3A_450 = tpu.memref_slice %arg3[%dma_wait3A_448, %dma_wait3A_449] : memref<1000000x32xf32, #tpu.memory_space<hbm>> -> memref<1024x32xf32, #tpu.memory_space<hbm>>
    tpu.wait_dma2 semaphore(%arg8 : memref<!tpu.dma_semaphore, #tpu.memory_space<semaphore_mem>>) src(%dma_wait3A_450 : memref<1024x32xf32, #tpu.memory_space<hbm>>) dst(%dma_wait3A_447 : memref<1024x32xf32, #tpu.memory_space<vmem>>)
    %add3A_451 = arith.constant 7168 : i32
    %add3A_452 = arith.addi %mul3A_2, %add3A_451 : i32
    %dma_start3A_453 = arith.constant 1 : i32
    %dma_start3A_454 = arith.constant 0 : i32
    %dma_start3A_455 = arith.constant 0 : i32
    %dma_start3A_456 = tpu.memref_slice %arg6[%dma_start3A_453, %dma_start3A_454, %dma_start3A_455] : memref<3x1024x32xf32, #tpu.memory_space<vmem>> -> memref<1x1024x32xf32, #tpu.memory_space<vmem>>
    %dma_start3A_457 = tpu.memref_squeeze %dma_start3A_456 : memref<1x1024x32xf32, #tpu.memory_space<vmem>> -> memref<1024x32xf32, #tpu.memory_space<vmem>>
    %dma_start3A_458 = arith.constant 0 : i32
    %dma_start3A_459 = tpu.memref_slice %arg4[%add3A_452, %dma_start3A_458] : memref<819200x32xf32, #tpu.memory_space<hbm>> -> memref<1024x32xf32, #tpu.memory_space<hbm>>
    %dma_start3A_460 = arith.constant 0 : i32
    %dma_start3A_461 = tpu.memref_slice %arg4[%add3A_452, %dma_start3A_460] : memref<819200x32xf32, #tpu.memory_space<hbm>> -> memref<1024x32xf32, #tpu.memory_space<hbm>>
    %dma_start3A_462 = arith.constant 0 : i32
    %dma_start3A_463 = arith.constant 0 : i32
    %dma_start3A_464 = tpu.memref_slice %arg6[%dma_start3A_453, %dma_start3A_462, %dma_start3A_463] : memref<3x1024x32xf32, #tpu.memory_space<vmem>> -> memref<1x1024x32xf32, #tpu.memory_space<vmem>>
    %dma_start3A_465 = tpu.memref_squeeze %dma_start3A_464 : memref<1x1024x32xf32, #tpu.memory_space<vmem>> -> memref<1024x32xf32, #tpu.memory_space<vmem>>
    tpu.enqueue_dma source(%dma_start3A_465 : memref<1024x32xf32, #tpu.memory_space<vmem>>) target(%dma_start3A_461 : memref<1024x32xf32, #tpu.memory_space<hbm>>) target_semaphore(%arg11 : memref<!tpu.dma_semaphore, #tpu.memory_space<semaphore_mem>>)
    %dma_wait3A_466 = arith.constant 1 : i32
    %dma_wait3A_467 = arith.constant 0 : i32
    %dma_wait3A_468 = arith.constant 0 : i32
    %dma_wait3A_469 = tpu.memref_slice %arg6[%dma_wait3A_466, %dma_wait3A_467, %dma_wait3A_468] : memref<3x1024x32xf32, #tpu.memory_space<vmem>> -> memref<1x1024x32xf32, #tpu.memory_space<vmem>>
    %dma_wait3A_470 = tpu.memref_squeeze %dma_wait3A_469 : memref<1x1024x32xf32, #tpu.memory_space<vmem>> -> memref<1024x32xf32, #tpu.memory_space<vmem>>
    %dma_wait3A_471 = arith.constant 0 : i32
    %dma_wait3A_472 = arith.constant 0 : i32
    %dma_wait3A_473 = tpu.memref_slice %arg3[%dma_wait3A_471, %dma_wait3A_472] : memref<1000000x32xf32, #tpu.memory_space<hbm>> -> memref<1024x32xf32, #tpu.memory_space<hbm>>
    %dma_wait3A_474 = arith.constant 0 : i32
    %dma_wait3A_475 = arith.constant 0 : i32
    %dma_wait3A_476 = tpu.memref_slice %arg6[%dma_wait3A_466, %dma_wait3A_474, %dma_wait3A_475] : memref<3x1024x32xf32, #tpu.memory_space<vmem>> -> memref<1x1024x32xf32, #tpu.memory_space<vmem>>
    %dma_wait3A_477 = tpu.memref_squeeze %dma_wait3A_476 : memref<1x1024x32xf32, #tpu.memory_space<vmem>> -> memref<1024x32xf32, #tpu.memory_space<vmem>>
    %dma_wait3A_478 = arith.constant 0 : i32
    %dma_wait3A_479 = arith.constant 0 : i32
    %dma_wait3A_480 = tpu.memref_slice %arg3[%dma_wait3A_478, %dma_wait3A_479] : memref<1000000x32xf32, #tpu.memory_space<hbm>> -> memref<1024x32xf32, #tpu.memory_space<hbm>>
    tpu.wait_dma2 semaphore(%arg11 : memref<!tpu.dma_semaphore, #tpu.memory_space<semaphore_mem>>) src(%dma_wait3A_480 : memref<1024x32xf32, #tpu.memory_space<hbm>>) dst(%dma_wait3A_477 : memref<1024x32xf32, #tpu.memory_space<vmem>>)
    %dma_start3A_481 = arith.constant 10 : i32
    %dma_start3A_482 = arith.constant 1 : i32
    %dma_start3A_483 = arith.constant 0 : i32
    %dma_start3A_484 = arith.constant 0 : i32
    %dma_start3A_485 = tpu.memref_slice %arg6[%dma_start3A_482, %dma_start3A_483, %dma_start3A_484] : memref<3x1024x32xf32, #tpu.memory_space<vmem>> -> memref<1x1024x32xf32, #tpu.memory_space<vmem>>
    %dma_start3A_486 = tpu.memref_squeeze %dma_start3A_485 : memref<1x1024x32xf32, #tpu.memory_space<vmem>> -> memref<1024x32xf32, #tpu.memory_space<vmem>>
    %dma_start3A_487 = arith.constant 0 : i32
    %dma_start3A_488 = tpu.memref_slice %arg5[%dma_start3A_481, %dma_start3A_487] : memref<25x1024xi32, #tpu.memory_space<vmem>> -> memref<1x1024xi32, #tpu.memory_space<vmem>>
    %dma_start3A_489 = tpu.memref_squeeze %dma_start3A_488 : memref<1x1024xi32, #tpu.memory_space<vmem>> -> memref<1024xi32, #tpu.memory_space<vmem>>
    %dma_start3A_490 = arith.constant 0 : i32
    %dma_start3A_491 = arith.constant 0 : i32
    %dma_start3A_492 = tpu.memref_slice %arg3[%dma_start3A_490, %dma_start3A_491] : memref<1000000x32xf32, #tpu.memory_space<hbm>> -> memref<1000000x32xf32, #tpu.memory_space<hbm>>
    tpu.enqueue_indirect_dma source(%dma_start3A_492 : memref<1000000x32xf32, #tpu.memory_space<hbm>>) target(%dma_start3A_486 : memref<1024x32xf32, #tpu.memory_space<vmem>>) offsets(%dma_start3A_489 : memref<1024xi32, #tpu.memory_space<vmem>>) semaphore(%arg8 : memref<!tpu.dma_semaphore, #tpu.memory_space<semaphore_mem>>)
    %dma_wait3A_493 = arith.constant 2 : i32
    %dma_wait3A_494 = arith.constant 0 : i32
    %dma_wait3A_495 = arith.constant 0 : i32
    %dma_wait3A_496 = tpu.memref_slice %arg6[%dma_wait3A_493, %dma_wait3A_494, %dma_wait3A_495] : memref<3x1024x32xf32, #tpu.memory_space<vmem>> -> memref<1x1024x32xf32, #tpu.memory_space<vmem>>
    %dma_wait3A_497 = tpu.memref_squeeze %dma_wait3A_496 : memref<1x1024x32xf32, #tpu.memory_space<vmem>> -> memref<1024x32xf32, #tpu.memory_space<vmem>>
    %dma_wait3A_498 = arith.constant 0 : i32
    %dma_wait3A_499 = arith.constant 0 : i32
    %dma_wait3A_500 = tpu.memref_slice %arg3[%dma_wait3A_498, %dma_wait3A_499] : memref<1000000x32xf32, #tpu.memory_space<hbm>> -> memref<1024x32xf32, #tpu.memory_space<hbm>>
    %dma_wait3A_501 = arith.constant 0 : i32
    %dma_wait3A_502 = arith.constant 0 : i32
    %dma_wait3A_503 = tpu.memref_slice %arg6[%dma_wait3A_493, %dma_wait3A_501, %dma_wait3A_502] : memref<3x1024x32xf32, #tpu.memory_space<vmem>> -> memref<1x1024x32xf32, #tpu.memory_space<vmem>>
    %dma_wait3A_504 = tpu.memref_squeeze %dma_wait3A_503 : memref<1x1024x32xf32, #tpu.memory_space<vmem>> -> memref<1024x32xf32, #tpu.memory_space<vmem>>
    %dma_wait3A_505 = arith.constant 0 : i32
    %dma_wait3A_506 = arith.constant 0 : i32
    %dma_wait3A_507 = tpu.memref_slice %arg3[%dma_wait3A_505, %dma_wait3A_506] : memref<1000000x32xf32, #tpu.memory_space<hbm>> -> memref<1024x32xf32, #tpu.memory_space<hbm>>
    tpu.wait_dma2 semaphore(%arg9 : memref<!tpu.dma_semaphore, #tpu.memory_space<semaphore_mem>>) src(%dma_wait3A_507 : memref<1024x32xf32, #tpu.memory_space<hbm>>) dst(%dma_wait3A_504 : memref<1024x32xf32, #tpu.memory_space<vmem>>)
    %add3A_508 = arith.constant 8192 : i32
    %add3A_509 = arith.addi %mul3A_2, %add3A_508 : i32
    %dma_start3A_510 = arith.constant 2 : i32
    %dma_start3A_511 = arith.constant 0 : i32
    %dma_start3A_512 = arith.constant 0 : i32
    %dma_start3A_513 = tpu.memref_slice %arg6[%dma_start3A_510, %dma_start3A_511, %dma_start3A_512] : memref<3x1024x32xf32, #tpu.memory_space<vmem>> -> memref<1x1024x32xf32, #tpu.memory_space<vmem>>
    %dma_start3A_514 = tpu.memref_squeeze %dma_start3A_513 : memref<1x1024x32xf32, #tpu.memory_space<vmem>> -> memref<1024x32xf32, #tpu.memory_space<vmem>>
    %dma_start3A_515 = arith.constant 0 : i32
    %dma_start3A_516 = tpu.memref_slice %arg4[%add3A_509, %dma_start3A_515] : memref<819200x32xf32, #tpu.memory_space<hbm>> -> memref<1024x32xf32, #tpu.memory_space<hbm>>
    %dma_start3A_517 = arith.constant 0 : i32
    %dma_start3A_518 = tpu.memref_slice %arg4[%add3A_509, %dma_start3A_517] : memref<819200x32xf32, #tpu.memory_space<hbm>> -> memref<1024x32xf32, #tpu.memory_space<hbm>>
    %dma_start3A_519 = arith.constant 0 : i32
    %dma_start3A_520 = arith.constant 0 : i32
    %dma_start3A_521 = tpu.memref_slice %arg6[%dma_start3A_510, %dma_start3A_519, %dma_start3A_520] : memref<3x1024x32xf32, #tpu.memory_space<vmem>> -> memref<1x1024x32xf32, #tpu.memory_space<vmem>>
    %dma_start3A_522 = tpu.memref_squeeze %dma_start3A_521 : memref<1x1024x32xf32, #tpu.memory_space<vmem>> -> memref<1024x32xf32, #tpu.memory_space<vmem>>
    tpu.enqueue_dma source(%dma_start3A_522 : memref<1024x32xf32, #tpu.memory_space<vmem>>) target(%dma_start3A_518 : memref<1024x32xf32, #tpu.memory_space<hbm>>) target_semaphore(%arg12 : memref<!tpu.dma_semaphore, #tpu.memory_space<semaphore_mem>>)
    %dma_wait3A_523 = arith.constant 2 : i32
    %dma_wait3A_524 = arith.constant 0 : i32
    %dma_wait3A_525 = arith.constant 0 : i32
    %dma_wait3A_526 = tpu.memref_slice %arg6[%dma_wait3A_523, %dma_wait3A_524, %dma_wait3A_525] : memref<3x1024x32xf32, #tpu.memory_space<vmem>> -> memref<1x1024x32xf32, #tpu.memory_space<vmem>>
    %dma_wait3A_527 = tpu.memref_squeeze %dma_wait3A_526 : memref<1x1024x32xf32, #tpu.memory_space<vmem>> -> memref<1024x32xf32, #tpu.memory_space<vmem>>
    %dma_wait3A_528 = arith.constant 0 : i32
    %dma_wait3A_529 = arith.constant 0 : i32
    %dma_wait3A_530 = tpu.memref_slice %arg3[%dma_wait3A_528, %dma_wait3A_529] : memref<1000000x32xf32, #tpu.memory_space<hbm>> -> memref<1024x32xf32, #tpu.memory_space<hbm>>
    %dma_wait3A_531 = arith.constant 0 : i32
    %dma_wait3A_532 = arith.constant 0 : i32
    %dma_wait3A_533 = tpu.memref_slice %arg6[%dma_wait3A_523, %dma_wait3A_531, %dma_wait3A_532] : memref<3x1024x32xf32, #tpu.memory_space<vmem>> -> memref<1x1024x32xf32, #tpu.memory_space<vmem>>
    %dma_wait3A_534 = tpu.memref_squeeze %dma_wait3A_533 : memref<1x1024x32xf32, #tpu.memory_space<vmem>> -> memref<1024x32xf32, #tpu.memory_space<vmem>>
    %dma_wait3A_535 = arith.constant 0 : i32
    %dma_wait3A_536 = arith.constant 0 : i32
    %dma_wait3A_537 = tpu.memref_slice %arg3[%dma_wait3A_535, %dma_wait3A_536] : memref<1000000x32xf32, #tpu.memory_space<hbm>> -> memref<1024x32xf32, #tpu.memory_space<hbm>>
    tpu.wait_dma2 semaphore(%arg12 : memref<!tpu.dma_semaphore, #tpu.memory_space<semaphore_mem>>) src(%dma_wait3A_537 : memref<1024x32xf32, #tpu.memory_space<hbm>>) dst(%dma_wait3A_534 : memref<1024x32xf32, #tpu.memory_space<vmem>>)
    %dma_start3A_538 = arith.constant 11 : i32
    %dma_start3A_539 = arith.constant 2 : i32
    %dma_start3A_540 = arith.constant 0 : i32
    %dma_start3A_541 = arith.constant 0 : i32
    %dma_start3A_542 = tpu.memref_slice %arg6[%dma_start3A_539, %dma_start3A_540, %dma_start3A_541] : memref<3x1024x32xf32, #tpu.memory_space<vmem>> -> memref<1x1024x32xf32, #tpu.memory_space<vmem>>
    %dma_start3A_543 = tpu.memref_squeeze %dma_start3A_542 : memref<1x1024x32xf32, #tpu.memory_space<vmem>> -> memref<1024x32xf32, #tpu.memory_space<vmem>>
    %dma_start3A_544 = arith.constant 0 : i32
    %dma_start3A_545 = tpu.memref_slice %arg5[%dma_start3A_538, %dma_start3A_544] : memref<25x1024xi32, #tpu.memory_space<vmem>> -> memref<1x1024xi32, #tpu.memory_space<vmem>>
    %dma_start3A_546 = tpu.memref_squeeze %dma_start3A_545 : memref<1x1024xi32, #tpu.memory_space<vmem>> -> memref<1024xi32, #tpu.memory_space<vmem>>
    %dma_start3A_547 = arith.constant 0 : i32
    %dma_start3A_548 = arith.constant 0 : i32
    %dma_start3A_549 = tpu.memref_slice %arg3[%dma_start3A_547, %dma_start3A_548] : memref<1000000x32xf32, #tpu.memory_space<hbm>> -> memref<1000000x32xf32, #tpu.memory_space<hbm>>
    tpu.enqueue_indirect_dma source(%dma_start3A_549 : memref<1000000x32xf32, #tpu.memory_space<hbm>>) target(%dma_start3A_543 : memref<1024x32xf32, #tpu.memory_space<vmem>>) offsets(%dma_start3A_546 : memref<1024xi32, #tpu.memory_space<vmem>>) semaphore(%arg9 : memref<!tpu.dma_semaphore, #tpu.memory_space<semaphore_mem>>)
    %dma_wait3A_550 = arith.constant 0 : i32
    %dma_wait3A_551 = arith.constant 0 : i32
    %dma_wait3A_552 = arith.constant 0 : i32
    %dma_wait3A_553 = tpu.memref_slice %arg6[%dma_wait3A_550, %dma_wait3A_551, %dma_wait3A_552] : memref<3x1024x32xf32, #tpu.memory_space<vmem>> -> memref<1x1024x32xf32, #tpu.memory_space<vmem>>
    %dma_wait3A_554 = tpu.memref_squeeze %dma_wait3A_553 : memref<1x1024x32xf32, #tpu.memory_space<vmem>> -> memref<1024x32xf32, #tpu.memory_space<vmem>>
    %dma_wait3A_555 = arith.constant 0 : i32
    %dma_wait3A_556 = arith.constant 0 : i32
    %dma_wait3A_557 = tpu.memref_slice %arg3[%dma_wait3A_555, %dma_wait3A_556] : memref<1000000x32xf32, #tpu.memory_space<hbm>> -> memref<1024x32xf32, #tpu.memory_space<hbm>>
    %dma_wait3A_558 = arith.constant 0 : i32
    %dma_wait3A_559 = arith.constant 0 : i32
    %dma_wait3A_560 = tpu.memref_slice %arg6[%dma_wait3A_550, %dma_wait3A_558, %dma_wait3A_559] : memref<3x1024x32xf32, #tpu.memory_space<vmem>> -> memref<1x1024x32xf32, #tpu.memory_space<vmem>>
    %dma_wait3A_561 = tpu.memref_squeeze %dma_wait3A_560 : memref<1x1024x32xf32, #tpu.memory_space<vmem>> -> memref<1024x32xf32, #tpu.memory_space<vmem>>
    %dma_wait3A_562 = arith.constant 0 : i32
    %dma_wait3A_563 = arith.constant 0 : i32
    %dma_wait3A_564 = tpu.memref_slice %arg3[%dma_wait3A_562, %dma_wait3A_563] : memref<1000000x32xf32, #tpu.memory_space<hbm>> -> memref<1024x32xf32, #tpu.memory_space<hbm>>
    tpu.wait_dma2 semaphore(%arg7 : memref<!tpu.dma_semaphore, #tpu.memory_space<semaphore_mem>>) src(%dma_wait3A_564 : memref<1024x32xf32, #tpu.memory_space<hbm>>) dst(%dma_wait3A_561 : memref<1024x32xf32, #tpu.memory_space<vmem>>)
    %add3A_565 = arith.constant 9216 : i32
    %add3A_566 = arith.addi %mul3A_2, %add3A_565 : i32
    %dma_start3A_567 = arith.constant 0 : i32
    %dma_start3A_568 = arith.constant 0 : i32
    %dma_start3A_569 = arith.constant 0 : i32
    %dma_start3A_570 = tpu.memref_slice %arg6[%dma_start3A_567, %dma_start3A_568, %dma_start3A_569] : memref<3x1024x32xf32, #tpu.memory_space<vmem>> -> memref<1x1024x32xf32, #tpu.memory_space<vmem>>
    %dma_start3A_571 = tpu.memref_squeeze %dma_start3A_570 : memref<1x1024x32xf32, #tpu.memory_space<vmem>> -> memref<1024x32xf32, #tpu.memory_space<vmem>>
    %dma_start3A_572 = arith.constant 0 : i32
    %dma_start3A_573 = tpu.memref_slice %arg4[%add3A_566, %dma_start3A_572] : memref<819200x32xf32, #tpu.memory_space<hbm>> -> memref<1024x32xf32, #tpu.memory_space<hbm>>
    %dma_start3A_574 = arith.constant 0 : i32
    %dma_start3A_575 = tpu.memref_slice %arg4[%add3A_566, %dma_start3A_574] : memref<819200x32xf32, #tpu.memory_space<hbm>> -> memref<1024x32xf32, #tpu.memory_space<hbm>>
    %dma_start3A_576 = arith.constant 0 : i32
    %dma_start3A_577 = arith.constant 0 : i32
    %dma_start3A_578 = tpu.memref_slice %arg6[%dma_start3A_567, %dma_start3A_576, %dma_start3A_577] : memref<3x1024x32xf32, #tpu.memory_space<vmem>> -> memref<1x1024x32xf32, #tpu.memory_space<vmem>>
    %dma_start3A_579 = tpu.memref_squeeze %dma_start3A_578 : memref<1x1024x32xf32, #tpu.memory_space<vmem>> -> memref<1024x32xf32, #tpu.memory_space<vmem>>
    tpu.enqueue_dma source(%dma_start3A_579 : memref<1024x32xf32, #tpu.memory_space<vmem>>) target(%dma_start3A_575 : memref<1024x32xf32, #tpu.memory_space<hbm>>) target_semaphore(%arg10 : memref<!tpu.dma_semaphore, #tpu.memory_space<semaphore_mem>>)
    %dma_wait3A_580 = arith.constant 0 : i32
    %dma_wait3A_581 = arith.constant 0 : i32
    %dma_wait3A_582 = arith.constant 0 : i32
    %dma_wait3A_583 = tpu.memref_slice %arg6[%dma_wait3A_580, %dma_wait3A_581, %dma_wait3A_582] : memref<3x1024x32xf32, #tpu.memory_space<vmem>> -> memref<1x1024x32xf32, #tpu.memory_space<vmem>>
    %dma_wait3A_584 = tpu.memref_squeeze %dma_wait3A_583 : memref<1x1024x32xf32, #tpu.memory_space<vmem>> -> memref<1024x32xf32, #tpu.memory_space<vmem>>
    %dma_wait3A_585 = arith.constant 0 : i32
    %dma_wait3A_586 = arith.constant 0 : i32
    %dma_wait3A_587 = tpu.memref_slice %arg3[%dma_wait3A_585, %dma_wait3A_586] : memref<1000000x32xf32, #tpu.memory_space<hbm>> -> memref<1024x32xf32, #tpu.memory_space<hbm>>
    %dma_wait3A_588 = arith.constant 0 : i32
    %dma_wait3A_589 = arith.constant 0 : i32
    %dma_wait3A_590 = tpu.memref_slice %arg6[%dma_wait3A_580, %dma_wait3A_588, %dma_wait3A_589] : memref<3x1024x32xf32, #tpu.memory_space<vmem>> -> memref<1x1024x32xf32, #tpu.memory_space<vmem>>
    %dma_wait3A_591 = tpu.memref_squeeze %dma_wait3A_590 : memref<1x1024x32xf32, #tpu.memory_space<vmem>> -> memref<1024x32xf32, #tpu.memory_space<vmem>>
    %dma_wait3A_592 = arith.constant 0 : i32
    %dma_wait3A_593 = arith.constant 0 : i32
    %dma_wait3A_594 = tpu.memref_slice %arg3[%dma_wait3A_592, %dma_wait3A_593] : memref<1000000x32xf32, #tpu.memory_space<hbm>> -> memref<1024x32xf32, #tpu.memory_space<hbm>>
    tpu.wait_dma2 semaphore(%arg10 : memref<!tpu.dma_semaphore, #tpu.memory_space<semaphore_mem>>) src(%dma_wait3A_594 : memref<1024x32xf32, #tpu.memory_space<hbm>>) dst(%dma_wait3A_591 : memref<1024x32xf32, #tpu.memory_space<vmem>>)
    %dma_start3A_595 = arith.constant 12 : i32
    %dma_start3A_596 = arith.constant 0 : i32
    %dma_start3A_597 = arith.constant 0 : i32
    %dma_start3A_598 = arith.constant 0 : i32
    %dma_start3A_599 = tpu.memref_slice %arg6[%dma_start3A_596, %dma_start3A_597, %dma_start3A_598] : memref<3x1024x32xf32, #tpu.memory_space<vmem>> -> memref<1x1024x32xf32, #tpu.memory_space<vmem>>
    %dma_start3A_600 = tpu.memref_squeeze %dma_start3A_599 : memref<1x1024x32xf32, #tpu.memory_space<vmem>> -> memref<1024x32xf32, #tpu.memory_space<vmem>>
    %dma_start3A_601 = arith.constant 0 : i32
    %dma_start3A_602 = tpu.memref_slice %arg5[%dma_start3A_595, %dma_start3A_601] : memref<25x1024xi32, #tpu.memory_space<vmem>> -> memref<1x1024xi32, #tpu.memory_space<vmem>>
    %dma_start3A_603 = tpu.memref_squeeze %dma_start3A_602 : memref<1x1024xi32, #tpu.memory_space<vmem>> -> memref<1024xi32, #tpu.memory_space<vmem>>
    %dma_start3A_604 = arith.constant 0 : i32
    %dma_start3A_605 = arith.constant 0 : i32
    %dma_start3A_606 = tpu.memref_slice %arg3[%dma_start3A_604, %dma_start3A_605] : memref<1000000x32xf32, #tpu.memory_space<hbm>> -> memref<1000000x32xf32, #tpu.memory_space<hbm>>
    tpu.enqueue_indirect_dma source(%dma_start3A_606 : memref<1000000x32xf32, #tpu.memory_space<hbm>>) target(%dma_start3A_600 : memref<1024x32xf32, #tpu.memory_space<vmem>>) offsets(%dma_start3A_603 : memref<1024xi32, #tpu.memory_space<vmem>>) semaphore(%arg7 : memref<!tpu.dma_semaphore, #tpu.memory_space<semaphore_mem>>)
    %dma_wait3A_607 = arith.constant 1 : i32
    %dma_wait3A_608 = arith.constant 0 : i32
    %dma_wait3A_609 = arith.constant 0 : i32
    %dma_wait3A_610 = tpu.memref_slice %arg6[%dma_wait3A_607, %dma_wait3A_608, %dma_wait3A_609] : memref<3x1024x32xf32, #tpu.memory_space<vmem>> -> memref<1x1024x32xf32, #tpu.memory_space<vmem>>
    %dma_wait3A_611 = tpu.memref_squeeze %dma_wait3A_610 : memref<1x1024x32xf32, #tpu.memory_space<vmem>> -> memref<1024x32xf32, #tpu.memory_space<vmem>>
    %dma_wait3A_612 = arith.constant 0 : i32
    %dma_wait3A_613 = arith.constant 0 : i32
    %dma_wait3A_614 = tpu.memref_slice %arg3[%dma_wait3A_612, %dma_wait3A_613] : memref<1000000x32xf32, #tpu.memory_space<hbm>> -> memref<1024x32xf32, #tpu.memory_space<hbm>>
    %dma_wait3A_615 = arith.constant 0 : i32
    %dma_wait3A_616 = arith.constant 0 : i32
    %dma_wait3A_617 = tpu.memref_slice %arg6[%dma_wait3A_607, %dma_wait3A_615, %dma_wait3A_616] : memref<3x1024x32xf32, #tpu.memory_space<vmem>> -> memref<1x1024x32xf32, #tpu.memory_space<vmem>>
    %dma_wait3A_618 = tpu.memref_squeeze %dma_wait3A_617 : memref<1x1024x32xf32, #tpu.memory_space<vmem>> -> memref<1024x32xf32, #tpu.memory_space<vmem>>
    %dma_wait3A_619 = arith.constant 0 : i32
    %dma_wait3A_620 = arith.constant 0 : i32
    %dma_wait3A_621 = tpu.memref_slice %arg3[%dma_wait3A_619, %dma_wait3A_620] : memref<1000000x32xf32, #tpu.memory_space<hbm>> -> memref<1024x32xf32, #tpu.memory_space<hbm>>
    tpu.wait_dma2 semaphore(%arg8 : memref<!tpu.dma_semaphore, #tpu.memory_space<semaphore_mem>>) src(%dma_wait3A_621 : memref<1024x32xf32, #tpu.memory_space<hbm>>) dst(%dma_wait3A_618 : memref<1024x32xf32, #tpu.memory_space<vmem>>)
    %add3A_622 = arith.constant 10240 : i32
    %add3A_623 = arith.addi %mul3A_2, %add3A_622 : i32
    %dma_start3A_624 = arith.constant 1 : i32
    %dma_start3A_625 = arith.constant 0 : i32
    %dma_start3A_626 = arith.constant 0 : i32
    %dma_start3A_627 = tpu.memref_slice %arg6[%dma_start3A_624, %dma_start3A_625, %dma_start3A_626] : memref<3x1024x32xf32, #tpu.memory_space<vmem>> -> memref<1x1024x32xf32, #tpu.memory_space<vmem>>
    %dma_start3A_628 = tpu.memref_squeeze %dma_start3A_627 : memref<1x1024x32xf32, #tpu.memory_space<vmem>> -> memref<1024x32xf32, #tpu.memory_space<vmem>>
    %dma_start3A_629 = arith.constant 0 : i32
    %dma_start3A_630 = tpu.memref_slice %arg4[%add3A_623, %dma_start3A_629] : memref<819200x32xf32, #tpu.memory_space<hbm>> -> memref<1024x32xf32, #tpu.memory_space<hbm>>
    %dma_start3A_631 = arith.constant 0 : i32
    %dma_start3A_632 = tpu.memref_slice %arg4[%add3A_623, %dma_start3A_631] : memref<819200x32xf32, #tpu.memory_space<hbm>> -> memref<1024x32xf32, #tpu.memory_space<hbm>>
    %dma_start3A_633 = arith.constant 0 : i32
    %dma_start3A_634 = arith.constant 0 : i32
    %dma_start3A_635 = tpu.memref_slice %arg6[%dma_start3A_624, %dma_start3A_633, %dma_start3A_634] : memref<3x1024x32xf32, #tpu.memory_space<vmem>> -> memref<1x1024x32xf32, #tpu.memory_space<vmem>>
    %dma_start3A_636 = tpu.memref_squeeze %dma_start3A_635 : memref<1x1024x32xf32, #tpu.memory_space<vmem>> -> memref<1024x32xf32, #tpu.memory_space<vmem>>
    tpu.enqueue_dma source(%dma_start3A_636 : memref<1024x32xf32, #tpu.memory_space<vmem>>) target(%dma_start3A_632 : memref<1024x32xf32, #tpu.memory_space<hbm>>) target_semaphore(%arg11 : memref<!tpu.dma_semaphore, #tpu.memory_space<semaphore_mem>>)
    %dma_wait3A_637 = arith.constant 1 : i32
    %dma_wait3A_638 = arith.constant 0 : i32
    %dma_wait3A_639 = arith.constant 0 : i32
    %dma_wait3A_640 = tpu.memref_slice %arg6[%dma_wait3A_637, %dma_wait3A_638, %dma_wait3A_639] : memref<3x1024x32xf32, #tpu.memory_space<vmem>> -> memref<1x1024x32xf32, #tpu.memory_space<vmem>>
    %dma_wait3A_641 = tpu.memref_squeeze %dma_wait3A_640 : memref<1x1024x32xf32, #tpu.memory_space<vmem>> -> memref<1024x32xf32, #tpu.memory_space<vmem>>
    %dma_wait3A_642 = arith.constant 0 : i32
    %dma_wait3A_643 = arith.constant 0 : i32
    %dma_wait3A_644 = tpu.memref_slice %arg3[%dma_wait3A_642, %dma_wait3A_643] : memref<1000000x32xf32, #tpu.memory_space<hbm>> -> memref<1024x32xf32, #tpu.memory_space<hbm>>
    %dma_wait3A_645 = arith.constant 0 : i32
    %dma_wait3A_646 = arith.constant 0 : i32
    %dma_wait3A_647 = tpu.memref_slice %arg6[%dma_wait3A_637, %dma_wait3A_645, %dma_wait3A_646] : memref<3x1024x32xf32, #tpu.memory_space<vmem>> -> memref<1x1024x32xf32, #tpu.memory_space<vmem>>
    %dma_wait3A_648 = tpu.memref_squeeze %dma_wait3A_647 : memref<1x1024x32xf32, #tpu.memory_space<vmem>> -> memref<1024x32xf32, #tpu.memory_space<vmem>>
    %dma_wait3A_649 = arith.constant 0 : i32
    %dma_wait3A_650 = arith.constant 0 : i32
    %dma_wait3A_651 = tpu.memref_slice %arg3[%dma_wait3A_649, %dma_wait3A_650] : memref<1000000x32xf32, #tpu.memory_space<hbm>> -> memref<1024x32xf32, #tpu.memory_space<hbm>>
    tpu.wait_dma2 semaphore(%arg11 : memref<!tpu.dma_semaphore, #tpu.memory_space<semaphore_mem>>) src(%dma_wait3A_651 : memref<1024x32xf32, #tpu.memory_space<hbm>>) dst(%dma_wait3A_648 : memref<1024x32xf32, #tpu.memory_space<vmem>>)
    %dma_start3A_652 = arith.constant 13 : i32
    %dma_start3A_653 = arith.constant 1 : i32
    %dma_start3A_654 = arith.constant 0 : i32
    %dma_start3A_655 = arith.constant 0 : i32
    %dma_start3A_656 = tpu.memref_slice %arg6[%dma_start3A_653, %dma_start3A_654, %dma_start3A_655] : memref<3x1024x32xf32, #tpu.memory_space<vmem>> -> memref<1x1024x32xf32, #tpu.memory_space<vmem>>
    %dma_start3A_657 = tpu.memref_squeeze %dma_start3A_656 : memref<1x1024x32xf32, #tpu.memory_space<vmem>> -> memref<1024x32xf32, #tpu.memory_space<vmem>>
    %dma_start3A_658 = arith.constant 0 : i32
    %dma_start3A_659 = tpu.memref_slice %arg5[%dma_start3A_652, %dma_start3A_658] : memref<25x1024xi32, #tpu.memory_space<vmem>> -> memref<1x1024xi32, #tpu.memory_space<vmem>>
    %dma_start3A_660 = tpu.memref_squeeze %dma_start3A_659 : memref<1x1024xi32, #tpu.memory_space<vmem>> -> memref<1024xi32, #tpu.memory_space<vmem>>
    %dma_start3A_661 = arith.constant 0 : i32
    %dma_start3A_662 = arith.constant 0 : i32
    %dma_start3A_663 = tpu.memref_slice %arg3[%dma_start3A_661, %dma_start3A_662] : memref<1000000x32xf32, #tpu.memory_space<hbm>> -> memref<1000000x32xf32, #tpu.memory_space<hbm>>
    tpu.enqueue_indirect_dma source(%dma_start3A_663 : memref<1000000x32xf32, #tpu.memory_space<hbm>>) target(%dma_start3A_657 : memref<1024x32xf32, #tpu.memory_space<vmem>>) offsets(%dma_start3A_660 : memref<1024xi32, #tpu.memory_space<vmem>>) semaphore(%arg8 : memref<!tpu.dma_semaphore, #tpu.memory_space<semaphore_mem>>)
    %dma_wait3A_664 = arith.constant 2 : i32
    %dma_wait3A_665 = arith.constant 0 : i32
    %dma_wait3A_666 = arith.constant 0 : i32
    %dma_wait3A_667 = tpu.memref_slice %arg6[%dma_wait3A_664, %dma_wait3A_665, %dma_wait3A_666] : memref<3x1024x32xf32, #tpu.memory_space<vmem>> -> memref<1x1024x32xf32, #tpu.memory_space<vmem>>
    %dma_wait3A_668 = tpu.memref_squeeze %dma_wait3A_667 : memref<1x1024x32xf32, #tpu.memory_space<vmem>> -> memref<1024x32xf32, #tpu.memory_space<vmem>>
    %dma_wait3A_669 = arith.constant 0 : i32
    %dma_wait3A_670 = arith.constant 0 : i32
    %dma_wait3A_671 = tpu.memref_slice %arg3[%dma_wait3A_669, %dma_wait3A_670] : memref<1000000x32xf32, #tpu.memory_space<hbm>> -> memref<1024x32xf32, #tpu.memory_space<hbm>>
    %dma_wait3A_672 = arith.constant 0 : i32
    %dma_wait3A_673 = arith.constant 0 : i32
    %dma_wait3A_674 = tpu.memref_slice %arg6[%dma_wait3A_664, %dma_wait3A_672, %dma_wait3A_673] : memref<3x1024x32xf32, #tpu.memory_space<vmem>> -> memref<1x1024x32xf32, #tpu.memory_space<vmem>>
    %dma_wait3A_675 = tpu.memref_squeeze %dma_wait3A_674 : memref<1x1024x32xf32, #tpu.memory_space<vmem>> -> memref<1024x32xf32, #tpu.memory_space<vmem>>
    %dma_wait3A_676 = arith.constant 0 : i32
    %dma_wait3A_677 = arith.constant 0 : i32
    %dma_wait3A_678 = tpu.memref_slice %arg3[%dma_wait3A_676, %dma_wait3A_677] : memref<1000000x32xf32, #tpu.memory_space<hbm>> -> memref<1024x32xf32, #tpu.memory_space<hbm>>
    tpu.wait_dma2 semaphore(%arg9 : memref<!tpu.dma_semaphore, #tpu.memory_space<semaphore_mem>>) src(%dma_wait3A_678 : memref<1024x32xf32, #tpu.memory_space<hbm>>) dst(%dma_wait3A_675 : memref<1024x32xf32, #tpu.memory_space<vmem>>)
    %add3A_679 = arith.constant 11264 : i32
    %add3A_680 = arith.addi %mul3A_2, %add3A_679 : i32
    %dma_start3A_681 = arith.constant 2 : i32
    %dma_start3A_682 = arith.constant 0 : i32
    %dma_start3A_683 = arith.constant 0 : i32
    %dma_start3A_684 = tpu.memref_slice %arg6[%dma_start3A_681, %dma_start3A_682, %dma_start3A_683] : memref<3x1024x32xf32, #tpu.memory_space<vmem>> -> memref<1x1024x32xf32, #tpu.memory_space<vmem>>
    %dma_start3A_685 = tpu.memref_squeeze %dma_start3A_684 : memref<1x1024x32xf32, #tpu.memory_space<vmem>> -> memref<1024x32xf32, #tpu.memory_space<vmem>>
    %dma_start3A_686 = arith.constant 0 : i32
    %dma_start3A_687 = tpu.memref_slice %arg4[%add3A_680, %dma_start3A_686] : memref<819200x32xf32, #tpu.memory_space<hbm>> -> memref<1024x32xf32, #tpu.memory_space<hbm>>
    %dma_start3A_688 = arith.constant 0 : i32
    %dma_start3A_689 = tpu.memref_slice %arg4[%add3A_680, %dma_start3A_688] : memref<819200x32xf32, #tpu.memory_space<hbm>> -> memref<1024x32xf32, #tpu.memory_space<hbm>>
    %dma_start3A_690 = arith.constant 0 : i32
    %dma_start3A_691 = arith.constant 0 : i32
    %dma_start3A_692 = tpu.memref_slice %arg6[%dma_start3A_681, %dma_start3A_690, %dma_start3A_691] : memref<3x1024x32xf32, #tpu.memory_space<vmem>> -> memref<1x1024x32xf32, #tpu.memory_space<vmem>>
    %dma_start3A_693 = tpu.memref_squeeze %dma_start3A_692 : memref<1x1024x32xf32, #tpu.memory_space<vmem>> -> memref<1024x32xf32, #tpu.memory_space<vmem>>
    tpu.enqueue_dma source(%dma_start3A_693 : memref<1024x32xf32, #tpu.memory_space<vmem>>) target(%dma_start3A_689 : memref<1024x32xf32, #tpu.memory_space<hbm>>) target_semaphore(%arg12 : memref<!tpu.dma_semaphore, #tpu.memory_space<semaphore_mem>>)
    %dma_wait3A_694 = arith.constant 2 : i32
    %dma_wait3A_695 = arith.constant 0 : i32
    %dma_wait3A_696 = arith.constant 0 : i32
    %dma_wait3A_697 = tpu.memref_slice %arg6[%dma_wait3A_694, %dma_wait3A_695, %dma_wait3A_696] : memref<3x1024x32xf32, #tpu.memory_space<vmem>> -> memref<1x1024x32xf32, #tpu.memory_space<vmem>>
    %dma_wait3A_698 = tpu.memref_squeeze %dma_wait3A_697 : memref<1x1024x32xf32, #tpu.memory_space<vmem>> -> memref<1024x32xf32, #tpu.memory_space<vmem>>
    %dma_wait3A_699 = arith.constant 0 : i32
    %dma_wait3A_700 = arith.constant 0 : i32
    %dma_wait3A_701 = tpu.memref_slice %arg3[%dma_wait3A_699, %dma_wait3A_700] : memref<1000000x32xf32, #tpu.memory_space<hbm>> -> memref<1024x32xf32, #tpu.memory_space<hbm>>
    %dma_wait3A_702 = arith.constant 0 : i32
    %dma_wait3A_703 = arith.constant 0 : i32
    %dma_wait3A_704 = tpu.memref_slice %arg6[%dma_wait3A_694, %dma_wait3A_702, %dma_wait3A_703] : memref<3x1024x32xf32, #tpu.memory_space<vmem>> -> memref<1x1024x32xf32, #tpu.memory_space<vmem>>
    %dma_wait3A_705 = tpu.memref_squeeze %dma_wait3A_704 : memref<1x1024x32xf32, #tpu.memory_space<vmem>> -> memref<1024x32xf32, #tpu.memory_space<vmem>>
    %dma_wait3A_706 = arith.constant 0 : i32
    %dma_wait3A_707 = arith.constant 0 : i32
    %dma_wait3A_708 = tpu.memref_slice %arg3[%dma_wait3A_706, %dma_wait3A_707] : memref<1000000x32xf32, #tpu.memory_space<hbm>> -> memref<1024x32xf32, #tpu.memory_space<hbm>>
    tpu.wait_dma2 semaphore(%arg12 : memref<!tpu.dma_semaphore, #tpu.memory_space<semaphore_mem>>) src(%dma_wait3A_708 : memref<1024x32xf32, #tpu.memory_space<hbm>>) dst(%dma_wait3A_705 : memref<1024x32xf32, #tpu.memory_space<vmem>>)
    %dma_start3A_709 = arith.constant 14 : i32
    %dma_start3A_710 = arith.constant 2 : i32
    %dma_start3A_711 = arith.constant 0 : i32
    %dma_start3A_712 = arith.constant 0 : i32
    %dma_start3A_713 = tpu.memref_slice %arg6[%dma_start3A_710, %dma_start3A_711, %dma_start3A_712] : memref<3x1024x32xf32, #tpu.memory_space<vmem>> -> memref<1x1024x32xf32, #tpu.memory_space<vmem>>
    %dma_start3A_714 = tpu.memref_squeeze %dma_start3A_713 : memref<1x1024x32xf32, #tpu.memory_space<vmem>> -> memref<1024x32xf32, #tpu.memory_space<vmem>>
    %dma_start3A_715 = arith.constant 0 : i32
    %dma_start3A_716 = tpu.memref_slice %arg5[%dma_start3A_709, %dma_start3A_715] : memref<25x1024xi32, #tpu.memory_space<vmem>> -> memref<1x1024xi32, #tpu.memory_space<vmem>>
    %dma_start3A_717 = tpu.memref_squeeze %dma_start3A_716 : memref<1x1024xi32, #tpu.memory_space<vmem>> -> memref<1024xi32, #tpu.memory_space<vmem>>
    %dma_start3A_718 = arith.constant 0 : i32
    %dma_start3A_719 = arith.constant 0 : i32
    %dma_start3A_720 = tpu.memref_slice %arg3[%dma_start3A_718, %dma_start3A_719] : memref<1000000x32xf32, #tpu.memory_space<hbm>> -> memref<1000000x32xf32, #tpu.memory_space<hbm>>
    tpu.enqueue_indirect_dma source(%dma_start3A_720 : memref<1000000x32xf32, #tpu.memory_space<hbm>>) target(%dma_start3A_714 : memref<1024x32xf32, #tpu.memory_space<vmem>>) offsets(%dma_start3A_717 : memref<1024xi32, #tpu.memory_space<vmem>>) semaphore(%arg9 : memref<!tpu.dma_semaphore, #tpu.memory_space<semaphore_mem>>)
    %dma_wait3A_721 = arith.constant 0 : i32
    %dma_wait3A_722 = arith.constant 0 : i32
    %dma_wait3A_723 = arith.constant 0 : i32
    %dma_wait3A_724 = tpu.memref_slice %arg6[%dma_wait3A_721, %dma_wait3A_722, %dma_wait3A_723] : memref<3x1024x32xf32, #tpu.memory_space<vmem>> -> memref<1x1024x32xf32, #tpu.memory_space<vmem>>
    %dma_wait3A_725 = tpu.memref_squeeze %dma_wait3A_724 : memref<1x1024x32xf32, #tpu.memory_space<vmem>> -> memref<1024x32xf32, #tpu.memory_space<vmem>>
    %dma_wait3A_726 = arith.constant 0 : i32
    %dma_wait3A_727 = arith.constant 0 : i32
    %dma_wait3A_728 = tpu.memref_slice %arg3[%dma_wait3A_726, %dma_wait3A_727] : memref<1000000x32xf32, #tpu.memory_space<hbm>> -> memref<1024x32xf32, #tpu.memory_space<hbm>>
    %dma_wait3A_729 = arith.constant 0 : i32
    %dma_wait3A_730 = arith.constant 0 : i32
    %dma_wait3A_731 = tpu.memref_slice %arg6[%dma_wait3A_721, %dma_wait3A_729, %dma_wait3A_730] : memref<3x1024x32xf32, #tpu.memory_space<vmem>> -> memref<1x1024x32xf32, #tpu.memory_space<vmem>>
    %dma_wait3A_732 = tpu.memref_squeeze %dma_wait3A_731 : memref<1x1024x32xf32, #tpu.memory_space<vmem>> -> memref<1024x32xf32, #tpu.memory_space<vmem>>
    %dma_wait3A_733 = arith.constant 0 : i32
    %dma_wait3A_734 = arith.constant 0 : i32
    %dma_wait3A_735 = tpu.memref_slice %arg3[%dma_wait3A_733, %dma_wait3A_734] : memref<1000000x32xf32, #tpu.memory_space<hbm>> -> memref<1024x32xf32, #tpu.memory_space<hbm>>
    tpu.wait_dma2 semaphore(%arg7 : memref<!tpu.dma_semaphore, #tpu.memory_space<semaphore_mem>>) src(%dma_wait3A_735 : memref<1024x32xf32, #tpu.memory_space<hbm>>) dst(%dma_wait3A_732 : memref<1024x32xf32, #tpu.memory_space<vmem>>)
    %add3A_736 = arith.constant 12288 : i32
    %add3A_737 = arith.addi %mul3A_2, %add3A_736 : i32
    %dma_start3A_738 = arith.constant 0 : i32
    %dma_start3A_739 = arith.constant 0 : i32
    %dma_start3A_740 = arith.constant 0 : i32
    %dma_start3A_741 = tpu.memref_slice %arg6[%dma_start3A_738, %dma_start3A_739, %dma_start3A_740] : memref<3x1024x32xf32, #tpu.memory_space<vmem>> -> memref<1x1024x32xf32, #tpu.memory_space<vmem>>
    %dma_start3A_742 = tpu.memref_squeeze %dma_start3A_741 : memref<1x1024x32xf32, #tpu.memory_space<vmem>> -> memref<1024x32xf32, #tpu.memory_space<vmem>>
    %dma_start3A_743 = arith.constant 0 : i32
    %dma_start3A_744 = tpu.memref_slice %arg4[%add3A_737, %dma_start3A_743] : memref<819200x32xf32, #tpu.memory_space<hbm>> -> memref<1024x32xf32, #tpu.memory_space<hbm>>
    %dma_start3A_745 = arith.constant 0 : i32
    %dma_start3A_746 = tpu.memref_slice %arg4[%add3A_737, %dma_start3A_745] : memref<819200x32xf32, #tpu.memory_space<hbm>> -> memref<1024x32xf32, #tpu.memory_space<hbm>>
    %dma_start3A_747 = arith.constant 0 : i32
    %dma_start3A_748 = arith.constant 0 : i32
    %dma_start3A_749 = tpu.memref_slice %arg6[%dma_start3A_738, %dma_start3A_747, %dma_start3A_748] : memref<3x1024x32xf32, #tpu.memory_space<vmem>> -> memref<1x1024x32xf32, #tpu.memory_space<vmem>>
    %dma_start3A_750 = tpu.memref_squeeze %dma_start3A_749 : memref<1x1024x32xf32, #tpu.memory_space<vmem>> -> memref<1024x32xf32, #tpu.memory_space<vmem>>
    tpu.enqueue_dma source(%dma_start3A_750 : memref<1024x32xf32, #tpu.memory_space<vmem>>) target(%dma_start3A_746 : memref<1024x32xf32, #tpu.memory_space<hbm>>) target_semaphore(%arg10 : memref<!tpu.dma_semaphore, #tpu.memory_space<semaphore_mem>>)
    %dma_wait3A_751 = arith.constant 0 : i32
    %dma_wait3A_752 = arith.constant 0 : i32
    %dma_wait3A_753 = arith.constant 0 : i32
    %dma_wait3A_754 = tpu.memref_slice %arg6[%dma_wait3A_751, %dma_wait3A_752, %dma_wait3A_753] : memref<3x1024x32xf32, #tpu.memory_space<vmem>> -> memref<1x1024x32xf32, #tpu.memory_space<vmem>>
    %dma_wait3A_755 = tpu.memref_squeeze %dma_wait3A_754 : memref<1x1024x32xf32, #tpu.memory_space<vmem>> -> memref<1024x32xf32, #tpu.memory_space<vmem>>
    %dma_wait3A_756 = arith.constant 0 : i32
    %dma_wait3A_757 = arith.constant 0 : i32
    %dma_wait3A_758 = tpu.memref_slice %arg3[%dma_wait3A_756, %dma_wait3A_757] : memref<1000000x32xf32, #tpu.memory_space<hbm>> -> memref<1024x32xf32, #tpu.memory_space<hbm>>
    %dma_wait3A_759 = arith.constant 0 : i32
    %dma_wait3A_760 = arith.constant 0 : i32
    %dma_wait3A_761 = tpu.memref_slice %arg6[%dma_wait3A_751, %dma_wait3A_759, %dma_wait3A_760] : memref<3x1024x32xf32, #tpu.memory_space<vmem>> -> memref<1x1024x32xf32, #tpu.memory_space<vmem>>
    %dma_wait3A_762 = tpu.memref_squeeze %dma_wait3A_761 : memref<1x1024x32xf32, #tpu.memory_space<vmem>> -> memref<1024x32xf32, #tpu.memory_space<vmem>>
    %dma_wait3A_763 = arith.constant 0 : i32
    %dma_wait3A_764 = arith.constant 0 : i32
    %dma_wait3A_765 = tpu.memref_slice %arg3[%dma_wait3A_763, %dma_wait3A_764] : memref<1000000x32xf32, #tpu.memory_space<hbm>> -> memref<1024x32xf32, #tpu.memory_space<hbm>>
    tpu.wait_dma2 semaphore(%arg10 : memref<!tpu.dma_semaphore, #tpu.memory_space<semaphore_mem>>) src(%dma_wait3A_765 : memref<1024x32xf32, #tpu.memory_space<hbm>>) dst(%dma_wait3A_762 : memref<1024x32xf32, #tpu.memory_space<vmem>>)
    %dma_start3A_766 = arith.constant 15 : i32
    %dma_start3A_767 = arith.constant 0 : i32
    %dma_start3A_768 = arith.constant 0 : i32
    %dma_start3A_769 = arith.constant 0 : i32
    %dma_start3A_770 = tpu.memref_slice %arg6[%dma_start3A_767, %dma_start3A_768, %dma_start3A_769] : memref<3x1024x32xf32, #tpu.memory_space<vmem>> -> memref<1x1024x32xf32, #tpu.memory_space<vmem>>
    %dma_start3A_771 = tpu.memref_squeeze %dma_start3A_770 : memref<1x1024x32xf32, #tpu.memory_space<vmem>> -> memref<1024x32xf32, #tpu.memory_space<vmem>>
    %dma_start3A_772 = arith.constant 0 : i32
    %dma_start3A_773 = tpu.memref_slice %arg5[%dma_start3A_766, %dma_start3A_772] : memref<25x1024xi32, #tpu.memory_space<vmem>> -> memref<1x1024xi32, #tpu.memory_space<vmem>>
    %dma_start3A_774 = tpu.memref_squeeze %dma_start3A_773 : memref<1x1024xi32, #tpu.memory_space<vmem>> -> memref<1024xi32, #tpu.memory_space<vmem>>
    %dma_start3A_775 = arith.constant 0 : i32
    %dma_start3A_776 = arith.constant 0 : i32
    %dma_start3A_777 = tpu.memref_slice %arg3[%dma_start3A_775, %dma_start3A_776] : memref<1000000x32xf32, #tpu.memory_space<hbm>> -> memref<1000000x32xf32, #tpu.memory_space<hbm>>
    tpu.enqueue_indirect_dma source(%dma_start3A_777 : memref<1000000x32xf32, #tpu.memory_space<hbm>>) target(%dma_start3A_771 : memref<1024x32xf32, #tpu.memory_space<vmem>>) offsets(%dma_start3A_774 : memref<1024xi32, #tpu.memory_space<vmem>>) semaphore(%arg7 : memref<!tpu.dma_semaphore, #tpu.memory_space<semaphore_mem>>)
    %dma_wait3A_778 = arith.constant 1 : i32
    %dma_wait3A_779 = arith.constant 0 : i32
    %dma_wait3A_780 = arith.constant 0 : i32
    %dma_wait3A_781 = tpu.memref_slice %arg6[%dma_wait3A_778, %dma_wait3A_779, %dma_wait3A_780] : memref<3x1024x32xf32, #tpu.memory_space<vmem>> -> memref<1x1024x32xf32, #tpu.memory_space<vmem>>
    %dma_wait3A_782 = tpu.memref_squeeze %dma_wait3A_781 : memref<1x1024x32xf32, #tpu.memory_space<vmem>> -> memref<1024x32xf32, #tpu.memory_space<vmem>>
    %dma_wait3A_783 = arith.constant 0 : i32
    %dma_wait3A_784 = arith.constant 0 : i32
    %dma_wait3A_785 = tpu.memref_slice %arg3[%dma_wait3A_783, %dma_wait3A_784] : memref<1000000x32xf32, #tpu.memory_space<hbm>> -> memref<1024x32xf32, #tpu.memory_space<hbm>>
    %dma_wait3A_786 = arith.constant 0 : i32
    %dma_wait3A_787 = arith.constant 0 : i32
    %dma_wait3A_788 = tpu.memref_slice %arg6[%dma_wait3A_778, %dma_wait3A_786, %dma_wait3A_787] : memref<3x1024x32xf32, #tpu.memory_space<vmem>> -> memref<1x1024x32xf32, #tpu.memory_space<vmem>>
    %dma_wait3A_789 = tpu.memref_squeeze %dma_wait3A_788 : memref<1x1024x32xf32, #tpu.memory_space<vmem>> -> memref<1024x32xf32, #tpu.memory_space<vmem>>
    %dma_wait3A_790 = arith.constant 0 : i32
    %dma_wait3A_791 = arith.constant 0 : i32
    %dma_wait3A_792 = tpu.memref_slice %arg3[%dma_wait3A_790, %dma_wait3A_791] : memref<1000000x32xf32, #tpu.memory_space<hbm>> -> memref<1024x32xf32, #tpu.memory_space<hbm>>
    tpu.wait_dma2 semaphore(%arg8 : memref<!tpu.dma_semaphore, #tpu.memory_space<semaphore_mem>>) src(%dma_wait3A_792 : memref<1024x32xf32, #tpu.memory_space<hbm>>) dst(%dma_wait3A_789 : memref<1024x32xf32, #tpu.memory_space<vmem>>)
    %add3A_793 = arith.constant 13312 : i32
    %add3A_794 = arith.addi %mul3A_2, %add3A_793 : i32
    %dma_start3A_795 = arith.constant 1 : i32
    %dma_start3A_796 = arith.constant 0 : i32
    %dma_start3A_797 = arith.constant 0 : i32
    %dma_start3A_798 = tpu.memref_slice %arg6[%dma_start3A_795, %dma_start3A_796, %dma_start3A_797] : memref<3x1024x32xf32, #tpu.memory_space<vmem>> -> memref<1x1024x32xf32, #tpu.memory_space<vmem>>
    %dma_start3A_799 = tpu.memref_squeeze %dma_start3A_798 : memref<1x1024x32xf32, #tpu.memory_space<vmem>> -> memref<1024x32xf32, #tpu.memory_space<vmem>>
    %dma_start3A_800 = arith.constant 0 : i32
    %dma_start3A_801 = tpu.memref_slice %arg4[%add3A_794, %dma_start3A_800] : memref<819200x32xf32, #tpu.memory_space<hbm>> -> memref<1024x32xf32, #tpu.memory_space<hbm>>
    %dma_start3A_802 = arith.constant 0 : i32
    %dma_start3A_803 = tpu.memref_slice %arg4[%add3A_794, %dma_start3A_802] : memref<819200x32xf32, #tpu.memory_space<hbm>> -> memref<1024x32xf32, #tpu.memory_space<hbm>>
    %dma_start3A_804 = arith.constant 0 : i32
    %dma_start3A_805 = arith.constant 0 : i32
    %dma_start3A_806 = tpu.memref_slice %arg6[%dma_start3A_795, %dma_start3A_804, %dma_start3A_805] : memref<3x1024x32xf32, #tpu.memory_space<vmem>> -> memref<1x1024x32xf32, #tpu.memory_space<vmem>>
    %dma_start3A_807 = tpu.memref_squeeze %dma_start3A_806 : memref<1x1024x32xf32, #tpu.memory_space<vmem>> -> memref<1024x32xf32, #tpu.memory_space<vmem>>
    tpu.enqueue_dma source(%dma_start3A_807 : memref<1024x32xf32, #tpu.memory_space<vmem>>) target(%dma_start3A_803 : memref<1024x32xf32, #tpu.memory_space<hbm>>) target_semaphore(%arg11 : memref<!tpu.dma_semaphore, #tpu.memory_space<semaphore_mem>>)
    %dma_wait3A_808 = arith.constant 1 : i32
    %dma_wait3A_809 = arith.constant 0 : i32
    %dma_wait3A_810 = arith.constant 0 : i32
    %dma_wait3A_811 = tpu.memref_slice %arg6[%dma_wait3A_808, %dma_wait3A_809, %dma_wait3A_810] : memref<3x1024x32xf32, #tpu.memory_space<vmem>> -> memref<1x1024x32xf32, #tpu.memory_space<vmem>>
    %dma_wait3A_812 = tpu.memref_squeeze %dma_wait3A_811 : memref<1x1024x32xf32, #tpu.memory_space<vmem>> -> memref<1024x32xf32, #tpu.memory_space<vmem>>
    %dma_wait3A_813 = arith.constant 0 : i32
    %dma_wait3A_814 = arith.constant 0 : i32
    %dma_wait3A_815 = tpu.memref_slice %arg3[%dma_wait3A_813, %dma_wait3A_814] : memref<1000000x32xf32, #tpu.memory_space<hbm>> -> memref<1024x32xf32, #tpu.memory_space<hbm>>
    %dma_wait3A_816 = arith.constant 0 : i32
    %dma_wait3A_817 = arith.constant 0 : i32
    %dma_wait3A_818 = tpu.memref_slice %arg6[%dma_wait3A_808, %dma_wait3A_816, %dma_wait3A_817] : memref<3x1024x32xf32, #tpu.memory_space<vmem>> -> memref<1x1024x32xf32, #tpu.memory_space<vmem>>
    %dma_wait3A_819 = tpu.memref_squeeze %dma_wait3A_818 : memref<1x1024x32xf32, #tpu.memory_space<vmem>> -> memref<1024x32xf32, #tpu.memory_space<vmem>>
    %dma_wait3A_820 = arith.constant 0 : i32
    %dma_wait3A_821 = arith.constant 0 : i32
    %dma_wait3A_822 = tpu.memref_slice %arg3[%dma_wait3A_820, %dma_wait3A_821] : memref<1000000x32xf32, #tpu.memory_space<hbm>> -> memref<1024x32xf32, #tpu.memory_space<hbm>>
    tpu.wait_dma2 semaphore(%arg11 : memref<!tpu.dma_semaphore, #tpu.memory_space<semaphore_mem>>) src(%dma_wait3A_822 : memref<1024x32xf32, #tpu.memory_space<hbm>>) dst(%dma_wait3A_819 : memref<1024x32xf32, #tpu.memory_space<vmem>>)
    %dma_start3A_823 = arith.constant 16 : i32
    %dma_start3A_824 = arith.constant 1 : i32
    %dma_start3A_825 = arith.constant 0 : i32
    %dma_start3A_826 = arith.constant 0 : i32
    %dma_start3A_827 = tpu.memref_slice %arg6[%dma_start3A_824, %dma_start3A_825, %dma_start3A_826] : memref<3x1024x32xf32, #tpu.memory_space<vmem>> -> memref<1x1024x32xf32, #tpu.memory_space<vmem>>
    %dma_start3A_828 = tpu.memref_squeeze %dma_start3A_827 : memref<1x1024x32xf32, #tpu.memory_space<vmem>> -> memref<1024x32xf32, #tpu.memory_space<vmem>>
    %dma_start3A_829 = arith.constant 0 : i32
    %dma_start3A_830 = tpu.memref_slice %arg5[%dma_start3A_823, %dma_start3A_829] : memref<25x1024xi32, #tpu.memory_space<vmem>> -> memref<1x1024xi32, #tpu.memory_space<vmem>>
    %dma_start3A_831 = tpu.memref_squeeze %dma_start3A_830 : memref<1x1024xi32, #tpu.memory_space<vmem>> -> memref<1024xi32, #tpu.memory_space<vmem>>
    %dma_start3A_832 = arith.constant 0 : i32
    %dma_start3A_833 = arith.constant 0 : i32
    %dma_start3A_834 = tpu.memref_slice %arg3[%dma_start3A_832, %dma_start3A_833] : memref<1000000x32xf32, #tpu.memory_space<hbm>> -> memref<1000000x32xf32, #tpu.memory_space<hbm>>
    tpu.enqueue_indirect_dma source(%dma_start3A_834 : memref<1000000x32xf32, #tpu.memory_space<hbm>>) target(%dma_start3A_828 : memref<1024x32xf32, #tpu.memory_space<vmem>>) offsets(%dma_start3A_831 : memref<1024xi32, #tpu.memory_space<vmem>>) semaphore(%arg8 : memref<!tpu.dma_semaphore, #tpu.memory_space<semaphore_mem>>)
    %dma_wait3A_835 = arith.constant 2 : i32
    %dma_wait3A_836 = arith.constant 0 : i32
    %dma_wait3A_837 = arith.constant 0 : i32
    %dma_wait3A_838 = tpu.memref_slice %arg6[%dma_wait3A_835, %dma_wait3A_836, %dma_wait3A_837] : memref<3x1024x32xf32, #tpu.memory_space<vmem>> -> memref<1x1024x32xf32, #tpu.memory_space<vmem>>
    %dma_wait3A_839 = tpu.memref_squeeze %dma_wait3A_838 : memref<1x1024x32xf32, #tpu.memory_space<vmem>> -> memref<1024x32xf32, #tpu.memory_space<vmem>>
    %dma_wait3A_840 = arith.constant 0 : i32
    %dma_wait3A_841 = arith.constant 0 : i32
    %dma_wait3A_842 = tpu.memref_slice %arg3[%dma_wait3A_840, %dma_wait3A_841] : memref<1000000x32xf32, #tpu.memory_space<hbm>> -> memref<1024x32xf32, #tpu.memory_space<hbm>>
    %dma_wait3A_843 = arith.constant 0 : i32
    %dma_wait3A_844 = arith.constant 0 : i32
    %dma_wait3A_845 = tpu.memref_slice %arg6[%dma_wait3A_835, %dma_wait3A_843, %dma_wait3A_844] : memref<3x1024x32xf32, #tpu.memory_space<vmem>> -> memref<1x1024x32xf32, #tpu.memory_space<vmem>>
    %dma_wait3A_846 = tpu.memref_squeeze %dma_wait3A_845 : memref<1x1024x32xf32, #tpu.memory_space<vmem>> -> memref<1024x32xf32, #tpu.memory_space<vmem>>
    %dma_wait3A_847 = arith.constant 0 : i32
    %dma_wait3A_848 = arith.constant 0 : i32
    %dma_wait3A_849 = tpu.memref_slice %arg3[%dma_wait3A_847, %dma_wait3A_848] : memref<1000000x32xf32, #tpu.memory_space<hbm>> -> memref<1024x32xf32, #tpu.memory_space<hbm>>
    tpu.wait_dma2 semaphore(%arg9 : memref<!tpu.dma_semaphore, #tpu.memory_space<semaphore_mem>>) src(%dma_wait3A_849 : memref<1024x32xf32, #tpu.memory_space<hbm>>) dst(%dma_wait3A_846 : memref<1024x32xf32, #tpu.memory_space<vmem>>)
    %add3A_850 = arith.constant 14336 : i32
    %add3A_851 = arith.addi %mul3A_2, %add3A_850 : i32
    %dma_start3A_852 = arith.constant 2 : i32
    %dma_start3A_853 = arith.constant 0 : i32
    %dma_start3A_854 = arith.constant 0 : i32
    %dma_start3A_855 = tpu.memref_slice %arg6[%dma_start3A_852, %dma_start3A_853, %dma_start3A_854] : memref<3x1024x32xf32, #tpu.memory_space<vmem>> -> memref<1x1024x32xf32, #tpu.memory_space<vmem>>
    %dma_start3A_856 = tpu.memref_squeeze %dma_start3A_855 : memref<1x1024x32xf32, #tpu.memory_space<vmem>> -> memref<1024x32xf32, #tpu.memory_space<vmem>>
    %dma_start3A_857 = arith.constant 0 : i32
    %dma_start3A_858 = tpu.memref_slice %arg4[%add3A_851, %dma_start3A_857] : memref<819200x32xf32, #tpu.memory_space<hbm>> -> memref<1024x32xf32, #tpu.memory_space<hbm>>
    %dma_start3A_859 = arith.constant 0 : i32
    %dma_start3A_860 = tpu.memref_slice %arg4[%add3A_851, %dma_start3A_859] : memref<819200x32xf32, #tpu.memory_space<hbm>> -> memref<1024x32xf32, #tpu.memory_space<hbm>>
    %dma_start3A_861 = arith.constant 0 : i32
    %dma_start3A_862 = arith.constant 0 : i32
    %dma_start3A_863 = tpu.memref_slice %arg6[%dma_start3A_852, %dma_start3A_861, %dma_start3A_862] : memref<3x1024x32xf32, #tpu.memory_space<vmem>> -> memref<1x1024x32xf32, #tpu.memory_space<vmem>>
    %dma_start3A_864 = tpu.memref_squeeze %dma_start3A_863 : memref<1x1024x32xf32, #tpu.memory_space<vmem>> -> memref<1024x32xf32, #tpu.memory_space<vmem>>
    tpu.enqueue_dma source(%dma_start3A_864 : memref<1024x32xf32, #tpu.memory_space<vmem>>) target(%dma_start3A_860 : memref<1024x32xf32, #tpu.memory_space<hbm>>) target_semaphore(%arg12 : memref<!tpu.dma_semaphore, #tpu.memory_space<semaphore_mem>>)
    %dma_wait3A_865 = arith.constant 2 : i32
    %dma_wait3A_866 = arith.constant 0 : i32
    %dma_wait3A_867 = arith.constant 0 : i32
    %dma_wait3A_868 = tpu.memref_slice %arg6[%dma_wait3A_865, %dma_wait3A_866, %dma_wait3A_867] : memref<3x1024x32xf32, #tpu.memory_space<vmem>> -> memref<1x1024x32xf32, #tpu.memory_space<vmem>>
    %dma_wait3A_869 = tpu.memref_squeeze %dma_wait3A_868 : memref<1x1024x32xf32, #tpu.memory_space<vmem>> -> memref<1024x32xf32, #tpu.memory_space<vmem>>
    %dma_wait3A_870 = arith.constant 0 : i32
    %dma_wait3A_871 = arith.constant 0 : i32
    %dma_wait3A_872 = tpu.memref_slice %arg3[%dma_wait3A_870, %dma_wait3A_871] : memref<1000000x32xf32, #tpu.memory_space<hbm>> -> memref<1024x32xf32, #tpu.memory_space<hbm>>
    %dma_wait3A_873 = arith.constant 0 : i32
    %dma_wait3A_874 = arith.constant 0 : i32
    %dma_wait3A_875 = tpu.memref_slice %arg6[%dma_wait3A_865, %dma_wait3A_873, %dma_wait3A_874] : memref<3x1024x32xf32, #tpu.memory_space<vmem>> -> memref<1x1024x32xf32, #tpu.memory_space<vmem>>
    %dma_wait3A_876 = tpu.memref_squeeze %dma_wait3A_875 : memref<1x1024x32xf32, #tpu.memory_space<vmem>> -> memref<1024x32xf32, #tpu.memory_space<vmem>>
    %dma_wait3A_877 = arith.constant 0 : i32
    %dma_wait3A_878 = arith.constant 0 : i32
    %dma_wait3A_879 = tpu.memref_slice %arg3[%dma_wait3A_877, %dma_wait3A_878] : memref<1000000x32xf32, #tpu.memory_space<hbm>> -> memref<1024x32xf32, #tpu.memory_space<hbm>>
    tpu.wait_dma2 semaphore(%arg12 : memref<!tpu.dma_semaphore, #tpu.memory_space<semaphore_mem>>) src(%dma_wait3A_879 : memref<1024x32xf32, #tpu.memory_space<hbm>>) dst(%dma_wait3A_876 : memref<1024x32xf32, #tpu.memory_space<vmem>>)
    %dma_start3A_880 = arith.constant 17 : i32
    %dma_start3A_881 = arith.constant 2 : i32
    %dma_start3A_882 = arith.constant 0 : i32
    %dma_start3A_883 = arith.constant 0 : i32
    %dma_start3A_884 = tpu.memref_slice %arg6[%dma_start3A_881, %dma_start3A_882, %dma_start3A_883] : memref<3x1024x32xf32, #tpu.memory_space<vmem>> -> memref<1x1024x32xf32, #tpu.memory_space<vmem>>
    %dma_start3A_885 = tpu.memref_squeeze %dma_start3A_884 : memref<1x1024x32xf32, #tpu.memory_space<vmem>> -> memref<1024x32xf32, #tpu.memory_space<vmem>>
    %dma_start3A_886 = arith.constant 0 : i32
    %dma_start3A_887 = tpu.memref_slice %arg5[%dma_start3A_880, %dma_start3A_886] : memref<25x1024xi32, #tpu.memory_space<vmem>> -> memref<1x1024xi32, #tpu.memory_space<vmem>>
    %dma_start3A_888 = tpu.memref_squeeze %dma_start3A_887 : memref<1x1024xi32, #tpu.memory_space<vmem>> -> memref<1024xi32, #tpu.memory_space<vmem>>
    %dma_start3A_889 = arith.constant 0 : i32
    %dma_start3A_890 = arith.constant 0 : i32
    %dma_start3A_891 = tpu.memref_slice %arg3[%dma_start3A_889, %dma_start3A_890] : memref<1000000x32xf32, #tpu.memory_space<hbm>> -> memref<1000000x32xf32, #tpu.memory_space<hbm>>
    tpu.enqueue_indirect_dma source(%dma_start3A_891 : memref<1000000x32xf32, #tpu.memory_space<hbm>>) target(%dma_start3A_885 : memref<1024x32xf32, #tpu.memory_space<vmem>>) offsets(%dma_start3A_888 : memref<1024xi32, #tpu.memory_space<vmem>>) semaphore(%arg9 : memref<!tpu.dma_semaphore, #tpu.memory_space<semaphore_mem>>)
    %dma_wait3A_892 = arith.constant 0 : i32
    %dma_wait3A_893 = arith.constant 0 : i32
    %dma_wait3A_894 = arith.constant 0 : i32
    %dma_wait3A_895 = tpu.memref_slice %arg6[%dma_wait3A_892, %dma_wait3A_893, %dma_wait3A_894] : memref<3x1024x32xf32, #tpu.memory_space<vmem>> -> memref<1x1024x32xf32, #tpu.memory_space<vmem>>
    %dma_wait3A_896 = tpu.memref_squeeze %dma_wait3A_895 : memref<1x1024x32xf32, #tpu.memory_space<vmem>> -> memref<1024x32xf32, #tpu.memory_space<vmem>>
    %dma_wait3A_897 = arith.constant 0 : i32
    %dma_wait3A_898 = arith.constant 0 : i32
    %dma_wait3A_899 = tpu.memref_slice %arg3[%dma_wait3A_897, %dma_wait3A_898] : memref<1000000x32xf32, #tpu.memory_space<hbm>> -> memref<1024x32xf32, #tpu.memory_space<hbm>>
    %dma_wait3A_900 = arith.constant 0 : i32
    %dma_wait3A_901 = arith.constant 0 : i32
    %dma_wait3A_902 = tpu.memref_slice %arg6[%dma_wait3A_892, %dma_wait3A_900, %dma_wait3A_901] : memref<3x1024x32xf32, #tpu.memory_space<vmem>> -> memref<1x1024x32xf32, #tpu.memory_space<vmem>>
    %dma_wait3A_903 = tpu.memref_squeeze %dma_wait3A_902 : memref<1x1024x32xf32, #tpu.memory_space<vmem>> -> memref<1024x32xf32, #tpu.memory_space<vmem>>
    %dma_wait3A_904 = arith.constant 0 : i32
    %dma_wait3A_905 = arith.constant 0 : i32
    %dma_wait3A_906 = tpu.memref_slice %arg3[%dma_wait3A_904, %dma_wait3A_905] : memref<1000000x32xf32, #tpu.memory_space<hbm>> -> memref<1024x32xf32, #tpu.memory_space<hbm>>
    tpu.wait_dma2 semaphore(%arg7 : memref<!tpu.dma_semaphore, #tpu.memory_space<semaphore_mem>>) src(%dma_wait3A_906 : memref<1024x32xf32, #tpu.memory_space<hbm>>) dst(%dma_wait3A_903 : memref<1024x32xf32, #tpu.memory_space<vmem>>)
    %add3A_907 = arith.constant 15360 : i32
    %add3A_908 = arith.addi %mul3A_2, %add3A_907 : i32
    %dma_start3A_909 = arith.constant 0 : i32
    %dma_start3A_910 = arith.constant 0 : i32
    %dma_start3A_911 = arith.constant 0 : i32
    %dma_start3A_912 = tpu.memref_slice %arg6[%dma_start3A_909, %dma_start3A_910, %dma_start3A_911] : memref<3x1024x32xf32, #tpu.memory_space<vmem>> -> memref<1x1024x32xf32, #tpu.memory_space<vmem>>
    %dma_start3A_913 = tpu.memref_squeeze %dma_start3A_912 : memref<1x1024x32xf32, #tpu.memory_space<vmem>> -> memref<1024x32xf32, #tpu.memory_space<vmem>>
    %dma_start3A_914 = arith.constant 0 : i32
    %dma_start3A_915 = tpu.memref_slice %arg4[%add3A_908, %dma_start3A_914] : memref<819200x32xf32, #tpu.memory_space<hbm>> -> memref<1024x32xf32, #tpu.memory_space<hbm>>
    %dma_start3A_916 = arith.constant 0 : i32
    %dma_start3A_917 = tpu.memref_slice %arg4[%add3A_908, %dma_start3A_916] : memref<819200x32xf32, #tpu.memory_space<hbm>> -> memref<1024x32xf32, #tpu.memory_space<hbm>>
    %dma_start3A_918 = arith.constant 0 : i32
    %dma_start3A_919 = arith.constant 0 : i32
    %dma_start3A_920 = tpu.memref_slice %arg6[%dma_start3A_909, %dma_start3A_918, %dma_start3A_919] : memref<3x1024x32xf32, #tpu.memory_space<vmem>> -> memref<1x1024x32xf32, #tpu.memory_space<vmem>>
    %dma_start3A_921 = tpu.memref_squeeze %dma_start3A_920 : memref<1x1024x32xf32, #tpu.memory_space<vmem>> -> memref<1024x32xf32, #tpu.memory_space<vmem>>
    tpu.enqueue_dma source(%dma_start3A_921 : memref<1024x32xf32, #tpu.memory_space<vmem>>) target(%dma_start3A_917 : memref<1024x32xf32, #tpu.memory_space<hbm>>) target_semaphore(%arg10 : memref<!tpu.dma_semaphore, #tpu.memory_space<semaphore_mem>>)
    %dma_wait3A_922 = arith.constant 0 : i32
    %dma_wait3A_923 = arith.constant 0 : i32
    %dma_wait3A_924 = arith.constant 0 : i32
    %dma_wait3A_925 = tpu.memref_slice %arg6[%dma_wait3A_922, %dma_wait3A_923, %dma_wait3A_924] : memref<3x1024x32xf32, #tpu.memory_space<vmem>> -> memref<1x1024x32xf32, #tpu.memory_space<vmem>>
    %dma_wait3A_926 = tpu.memref_squeeze %dma_wait3A_925 : memref<1x1024x32xf32, #tpu.memory_space<vmem>> -> memref<1024x32xf32, #tpu.memory_space<vmem>>
    %dma_wait3A_927 = arith.constant 0 : i32
    %dma_wait3A_928 = arith.constant 0 : i32
    %dma_wait3A_929 = tpu.memref_slice %arg3[%dma_wait3A_927, %dma_wait3A_928] : memref<1000000x32xf32, #tpu.memory_space<hbm>> -> memref<1024x32xf32, #tpu.memory_space<hbm>>
    %dma_wait3A_930 = arith.constant 0 : i32
    %dma_wait3A_931 = arith.constant 0 : i32
    %dma_wait3A_932 = tpu.memref_slice %arg6[%dma_wait3A_922, %dma_wait3A_930, %dma_wait3A_931] : memref<3x1024x32xf32, #tpu.memory_space<vmem>> -> memref<1x1024x32xf32, #tpu.memory_space<vmem>>
    %dma_wait3A_933 = tpu.memref_squeeze %dma_wait3A_932 : memref<1x1024x32xf32, #tpu.memory_space<vmem>> -> memref<1024x32xf32, #tpu.memory_space<vmem>>
    %dma_wait3A_934 = arith.constant 0 : i32
    %dma_wait3A_935 = arith.constant 0 : i32
    %dma_wait3A_936 = tpu.memref_slice %arg3[%dma_wait3A_934, %dma_wait3A_935] : memref<1000000x32xf32, #tpu.memory_space<hbm>> -> memref<1024x32xf32, #tpu.memory_space<hbm>>
    tpu.wait_dma2 semaphore(%arg10 : memref<!tpu.dma_semaphore, #tpu.memory_space<semaphore_mem>>) src(%dma_wait3A_936 : memref<1024x32xf32, #tpu.memory_space<hbm>>) dst(%dma_wait3A_933 : memref<1024x32xf32, #tpu.memory_space<vmem>>)
    %dma_start3A_937 = arith.constant 18 : i32
    %dma_start3A_938 = arith.constant 0 : i32
    %dma_start3A_939 = arith.constant 0 : i32
    %dma_start3A_940 = arith.constant 0 : i32
    %dma_start3A_941 = tpu.memref_slice %arg6[%dma_start3A_938, %dma_start3A_939, %dma_start3A_940] : memref<3x1024x32xf32, #tpu.memory_space<vmem>> -> memref<1x1024x32xf32, #tpu.memory_space<vmem>>
    %dma_start3A_942 = tpu.memref_squeeze %dma_start3A_941 : memref<1x1024x32xf32, #tpu.memory_space<vmem>> -> memref<1024x32xf32, #tpu.memory_space<vmem>>
    %dma_start3A_943 = arith.constant 0 : i32
    %dma_start3A_944 = tpu.memref_slice %arg5[%dma_start3A_937, %dma_start3A_943] : memref<25x1024xi32, #tpu.memory_space<vmem>> -> memref<1x1024xi32, #tpu.memory_space<vmem>>
    %dma_start3A_945 = tpu.memref_squeeze %dma_start3A_944 : memref<1x1024xi32, #tpu.memory_space<vmem>> -> memref<1024xi32, #tpu.memory_space<vmem>>
    %dma_start3A_946 = arith.constant 0 : i32
    %dma_start3A_947 = arith.constant 0 : i32
    %dma_start3A_948 = tpu.memref_slice %arg3[%dma_start3A_946, %dma_start3A_947] : memref<1000000x32xf32, #tpu.memory_space<hbm>> -> memref<1000000x32xf32, #tpu.memory_space<hbm>>
    tpu.enqueue_indirect_dma source(%dma_start3A_948 : memref<1000000x32xf32, #tpu.memory_space<hbm>>) target(%dma_start3A_942 : memref<1024x32xf32, #tpu.memory_space<vmem>>) offsets(%dma_start3A_945 : memref<1024xi32, #tpu.memory_space<vmem>>) semaphore(%arg7 : memref<!tpu.dma_semaphore, #tpu.memory_space<semaphore_mem>>)
    %dma_wait3A_949 = arith.constant 1 : i32
    %dma_wait3A_950 = arith.constant 0 : i32
    %dma_wait3A_951 = arith.constant 0 : i32
    %dma_wait3A_952 = tpu.memref_slice %arg6[%dma_wait3A_949, %dma_wait3A_950, %dma_wait3A_951] : memref<3x1024x32xf32, #tpu.memory_space<vmem>> -> memref<1x1024x32xf32, #tpu.memory_space<vmem>>
    %dma_wait3A_953 = tpu.memref_squeeze %dma_wait3A_952 : memref<1x1024x32xf32, #tpu.memory_space<vmem>> -> memref<1024x32xf32, #tpu.memory_space<vmem>>
    %dma_wait3A_954 = arith.constant 0 : i32
    %dma_wait3A_955 = arith.constant 0 : i32
    %dma_wait3A_956 = tpu.memref_slice %arg3[%dma_wait3A_954, %dma_wait3A_955] : memref<1000000x32xf32, #tpu.memory_space<hbm>> -> memref<1024x32xf32, #tpu.memory_space<hbm>>
    %dma_wait3A_957 = arith.constant 0 : i32
    %dma_wait3A_958 = arith.constant 0 : i32
    %dma_wait3A_959 = tpu.memref_slice %arg6[%dma_wait3A_949, %dma_wait3A_957, %dma_wait3A_958] : memref<3x1024x32xf32, #tpu.memory_space<vmem>> -> memref<1x1024x32xf32, #tpu.memory_space<vmem>>
    %dma_wait3A_960 = tpu.memref_squeeze %dma_wait3A_959 : memref<1x1024x32xf32, #tpu.memory_space<vmem>> -> memref<1024x32xf32, #tpu.memory_space<vmem>>
    %dma_wait3A_961 = arith.constant 0 : i32
    %dma_wait3A_962 = arith.constant 0 : i32
    %dma_wait3A_963 = tpu.memref_slice %arg3[%dma_wait3A_961, %dma_wait3A_962] : memref<1000000x32xf32, #tpu.memory_space<hbm>> -> memref<1024x32xf32, #tpu.memory_space<hbm>>
    tpu.wait_dma2 semaphore(%arg8 : memref<!tpu.dma_semaphore, #tpu.memory_space<semaphore_mem>>) src(%dma_wait3A_963 : memref<1024x32xf32, #tpu.memory_space<hbm>>) dst(%dma_wait3A_960 : memref<1024x32xf32, #tpu.memory_space<vmem>>)
    %add3A_964 = arith.constant 16384 : i32
    %add3A_965 = arith.addi %mul3A_2, %add3A_964 : i32
    %dma_start3A_966 = arith.constant 1 : i32
    %dma_start3A_967 = arith.constant 0 : i32
    %dma_start3A_968 = arith.constant 0 : i32
    %dma_start3A_969 = tpu.memref_slice %arg6[%dma_start3A_966, %dma_start3A_967, %dma_start3A_968] : memref<3x1024x32xf32, #tpu.memory_space<vmem>> -> memref<1x1024x32xf32, #tpu.memory_space<vmem>>
    %dma_start3A_970 = tpu.memref_squeeze %dma_start3A_969 : memref<1x1024x32xf32, #tpu.memory_space<vmem>> -> memref<1024x32xf32, #tpu.memory_space<vmem>>
    %dma_start3A_971 = arith.constant 0 : i32
    %dma_start3A_972 = tpu.memref_slice %arg4[%add3A_965, %dma_start3A_971] : memref<819200x32xf32, #tpu.memory_space<hbm>> -> memref<1024x32xf32, #tpu.memory_space<hbm>>
    %dma_start3A_973 = arith.constant 0 : i32
    %dma_start3A_974 = tpu.memref_slice %arg4[%add3A_965, %dma_start3A_973] : memref<819200x32xf32, #tpu.memory_space<hbm>> -> memref<1024x32xf32, #tpu.memory_space<hbm>>
    %dma_start3A_975 = arith.constant 0 : i32
    %dma_start3A_976 = arith.constant 0 : i32
    %dma_start3A_977 = tpu.memref_slice %arg6[%dma_start3A_966, %dma_start3A_975, %dma_start3A_976] : memref<3x1024x32xf32, #tpu.memory_space<vmem>> -> memref<1x1024x32xf32, #tpu.memory_space<vmem>>
    %dma_start3A_978 = tpu.memref_squeeze %dma_start3A_977 : memref<1x1024x32xf32, #tpu.memory_space<vmem>> -> memref<1024x32xf32, #tpu.memory_space<vmem>>
    tpu.enqueue_dma source(%dma_start3A_978 : memref<1024x32xf32, #tpu.memory_space<vmem>>) target(%dma_start3A_974 : memref<1024x32xf32, #tpu.memory_space<hbm>>) target_semaphore(%arg11 : memref<!tpu.dma_semaphore, #tpu.memory_space<semaphore_mem>>)
    %dma_wait3A_979 = arith.constant 1 : i32
    %dma_wait3A_980 = arith.constant 0 : i32
    %dma_wait3A_981 = arith.constant 0 : i32
    %dma_wait3A_982 = tpu.memref_slice %arg6[%dma_wait3A_979, %dma_wait3A_980, %dma_wait3A_981] : memref<3x1024x32xf32, #tpu.memory_space<vmem>> -> memref<1x1024x32xf32, #tpu.memory_space<vmem>>
    %dma_wait3A_983 = tpu.memref_squeeze %dma_wait3A_982 : memref<1x1024x32xf32, #tpu.memory_space<vmem>> -> memref<1024x32xf32, #tpu.memory_space<vmem>>
    %dma_wait3A_984 = arith.constant 0 : i32
    %dma_wait3A_985 = arith.constant 0 : i32
    %dma_wait3A_986 = tpu.memref_slice %arg3[%dma_wait3A_984, %dma_wait3A_985] : memref<1000000x32xf32, #tpu.memory_space<hbm>> -> memref<1024x32xf32, #tpu.memory_space<hbm>>
    %dma_wait3A_987 = arith.constant 0 : i32
    %dma_wait3A_988 = arith.constant 0 : i32
    %dma_wait3A_989 = tpu.memref_slice %arg6[%dma_wait3A_979, %dma_wait3A_987, %dma_wait3A_988] : memref<3x1024x32xf32, #tpu.memory_space<vmem>> -> memref<1x1024x32xf32, #tpu.memory_space<vmem>>
    %dma_wait3A_990 = tpu.memref_squeeze %dma_wait3A_989 : memref<1x1024x32xf32, #tpu.memory_space<vmem>> -> memref<1024x32xf32, #tpu.memory_space<vmem>>
    %dma_wait3A_991 = arith.constant 0 : i32
    %dma_wait3A_992 = arith.constant 0 : i32
    %dma_wait3A_993 = tpu.memref_slice %arg3[%dma_wait3A_991, %dma_wait3A_992] : memref<1000000x32xf32, #tpu.memory_space<hbm>> -> memref<1024x32xf32, #tpu.memory_space<hbm>>
    tpu.wait_dma2 semaphore(%arg11 : memref<!tpu.dma_semaphore, #tpu.memory_space<semaphore_mem>>) src(%dma_wait3A_993 : memref<1024x32xf32, #tpu.memory_space<hbm>>) dst(%dma_wait3A_990 : memref<1024x32xf32, #tpu.memory_space<vmem>>)
    %dma_start3A_994 = arith.constant 19 : i32
    %dma_start3A_995 = arith.constant 1 : i32
    %dma_start3A_996 = arith.constant 0 : i32
    %dma_start3A_997 = arith.constant 0 : i32
    %dma_start3A_998 = tpu.memref_slice %arg6[%dma_start3A_995, %dma_start3A_996, %dma_start3A_997] : memref<3x1024x32xf32, #tpu.memory_space<vmem>> -> memref<1x1024x32xf32, #tpu.memory_space<vmem>>
    %dma_start3A_999 = tpu.memref_squeeze %dma_start3A_998 : memref<1x1024x32xf32, #tpu.memory_space<vmem>> -> memref<1024x32xf32, #tpu.memory_space<vmem>>
    %dma_start3A_1000 = arith.constant 0 : i32
    %dma_start3A_1001 = tpu.memref_slice %arg5[%dma_start3A_994, %dma_start3A_1000] : memref<25x1024xi32, #tpu.memory_space<vmem>> -> memref<1x1024xi32, #tpu.memory_space<vmem>>
    %dma_start3A_1002 = tpu.memref_squeeze %dma_start3A_1001 : memref<1x1024xi32, #tpu.memory_space<vmem>> -> memref<1024xi32, #tpu.memory_space<vmem>>
    %dma_start3A_1003 = arith.constant 0 : i32
    %dma_start3A_1004 = arith.constant 0 : i32
    %dma_start3A_1005 = tpu.memref_slice %arg3[%dma_start3A_1003, %dma_start3A_1004] : memref<1000000x32xf32, #tpu.memory_space<hbm>> -> memref<1000000x32xf32, #tpu.memory_space<hbm>>
    tpu.enqueue_indirect_dma source(%dma_start3A_1005 : memref<1000000x32xf32, #tpu.memory_space<hbm>>) target(%dma_start3A_999 : memref<1024x32xf32, #tpu.memory_space<vmem>>) offsets(%dma_start3A_1002 : memref<1024xi32, #tpu.memory_space<vmem>>) semaphore(%arg8 : memref<!tpu.dma_semaphore, #tpu.memory_space<semaphore_mem>>)
    %dma_wait3A_1006 = arith.constant 2 : i32
    %dma_wait3A_1007 = arith.constant 0 : i32
    %dma_wait3A_1008 = arith.constant 0 : i32
    %dma_wait3A_1009 = tpu.memref_slice %arg6[%dma_wait3A_1006, %dma_wait3A_1007, %dma_wait3A_1008] : memref<3x1024x32xf32, #tpu.memory_space<vmem>> -> memref<1x1024x32xf32, #tpu.memory_space<vmem>>
    %dma_wait3A_1010 = tpu.memref_squeeze %dma_wait3A_1009 : memref<1x1024x32xf32, #tpu.memory_space<vmem>> -> memref<1024x32xf32, #tpu.memory_space<vmem>>
    %dma_wait3A_1011 = arith.constant 0 : i32
    %dma_wait3A_1012 = arith.constant 0 : i32
    %dma_wait3A_1013 = tpu.memref_slice %arg3[%dma_wait3A_1011, %dma_wait3A_1012] : memref<1000000x32xf32, #tpu.memory_space<hbm>> -> memref<1024x32xf32, #tpu.memory_space<hbm>>
    %dma_wait3A_1014 = arith.constant 0 : i32
    %dma_wait3A_1015 = arith.constant 0 : i32
    %dma_wait3A_1016 = tpu.memref_slice %arg6[%dma_wait3A_1006, %dma_wait3A_1014, %dma_wait3A_1015] : memref<3x1024x32xf32, #tpu.memory_space<vmem>> -> memref<1x1024x32xf32, #tpu.memory_space<vmem>>
    %dma_wait3A_1017 = tpu.memref_squeeze %dma_wait3A_1016 : memref<1x1024x32xf32, #tpu.memory_space<vmem>> -> memref<1024x32xf32, #tpu.memory_space<vmem>>
    %dma_wait3A_1018 = arith.constant 0 : i32
    %dma_wait3A_1019 = arith.constant 0 : i32
    %dma_wait3A_1020 = tpu.memref_slice %arg3[%dma_wait3A_1018, %dma_wait3A_1019] : memref<1000000x32xf32, #tpu.memory_space<hbm>> -> memref<1024x32xf32, #tpu.memory_space<hbm>>
    tpu.wait_dma2 semaphore(%arg9 : memref<!tpu.dma_semaphore, #tpu.memory_space<semaphore_mem>>) src(%dma_wait3A_1020 : memref<1024x32xf32, #tpu.memory_space<hbm>>) dst(%dma_wait3A_1017 : memref<1024x32xf32, #tpu.memory_space<vmem>>)
    %add3A_1021 = arith.constant 17408 : i32
    %add3A_1022 = arith.addi %mul3A_2, %add3A_1021 : i32
    %dma_start3A_1023 = arith.constant 2 : i32
    %dma_start3A_1024 = arith.constant 0 : i32
    %dma_start3A_1025 = arith.constant 0 : i32
    %dma_start3A_1026 = tpu.memref_slice %arg6[%dma_start3A_1023, %dma_start3A_1024, %dma_start3A_1025] : memref<3x1024x32xf32, #tpu.memory_space<vmem>> -> memref<1x1024x32xf32, #tpu.memory_space<vmem>>
    %dma_start3A_1027 = tpu.memref_squeeze %dma_start3A_1026 : memref<1x1024x32xf32, #tpu.memory_space<vmem>> -> memref<1024x32xf32, #tpu.memory_space<vmem>>
    %dma_start3A_1028 = arith.constant 0 : i32
    %dma_start3A_1029 = tpu.memref_slice %arg4[%add3A_1022, %dma_start3A_1028] : memref<819200x32xf32, #tpu.memory_space<hbm>> -> memref<1024x32xf32, #tpu.memory_space<hbm>>
    %dma_start3A_1030 = arith.constant 0 : i32
    %dma_start3A_1031 = tpu.memref_slice %arg4[%add3A_1022, %dma_start3A_1030] : memref<819200x32xf32, #tpu.memory_space<hbm>> -> memref<1024x32xf32, #tpu.memory_space<hbm>>
    %dma_start3A_1032 = arith.constant 0 : i32
    %dma_start3A_1033 = arith.constant 0 : i32
    %dma_start3A_1034 = tpu.memref_slice %arg6[%dma_start3A_1023, %dma_start3A_1032, %dma_start3A_1033] : memref<3x1024x32xf32, #tpu.memory_space<vmem>> -> memref<1x1024x32xf32, #tpu.memory_space<vmem>>
    %dma_start3A_1035 = tpu.memref_squeeze %dma_start3A_1034 : memref<1x1024x32xf32, #tpu.memory_space<vmem>> -> memref<1024x32xf32, #tpu.memory_space<vmem>>
    tpu.enqueue_dma source(%dma_start3A_1035 : memref<1024x32xf32, #tpu.memory_space<vmem>>) target(%dma_start3A_1031 : memref<1024x32xf32, #tpu.memory_space<hbm>>) target_semaphore(%arg12 : memref<!tpu.dma_semaphore, #tpu.memory_space<semaphore_mem>>)
    %dma_wait3A_1036 = arith.constant 2 : i32
    %dma_wait3A_1037 = arith.constant 0 : i32
    %dma_wait3A_1038 = arith.constant 0 : i32
    %dma_wait3A_1039 = tpu.memref_slice %arg6[%dma_wait3A_1036, %dma_wait3A_1037, %dma_wait3A_1038] : memref<3x1024x32xf32, #tpu.memory_space<vmem>> -> memref<1x1024x32xf32, #tpu.memory_space<vmem>>
    %dma_wait3A_1040 = tpu.memref_squeeze %dma_wait3A_1039 : memref<1x1024x32xf32, #tpu.memory_space<vmem>> -> memref<1024x32xf32, #tpu.memory_space<vmem>>
    %dma_wait3A_1041 = arith.constant 0 : i32
    %dma_wait3A_1042 = arith.constant 0 : i32
    %dma_wait3A_1043 = tpu.memref_slice %arg3[%dma_wait3A_1041, %dma_wait3A_1042] : memref<1000000x32xf32, #tpu.memory_space<hbm>> -> memref<1024x32xf32, #tpu.memory_space<hbm>>
    %dma_wait3A_1044 = arith.constant 0 : i32
    %dma_wait3A_1045 = arith.constant 0 : i32
    %dma_wait3A_1046 = tpu.memref_slice %arg6[%dma_wait3A_1036, %dma_wait3A_1044, %dma_wait3A_1045] : memref<3x1024x32xf32, #tpu.memory_space<vmem>> -> memref<1x1024x32xf32, #tpu.memory_space<vmem>>
    %dma_wait3A_1047 = tpu.memref_squeeze %dma_wait3A_1046 : memref<1x1024x32xf32, #tpu.memory_space<vmem>> -> memref<1024x32xf32, #tpu.memory_space<vmem>>
    %dma_wait3A_1048 = arith.constant 0 : i32
    %dma_wait3A_1049 = arith.constant 0 : i32
    %dma_wait3A_1050 = tpu.memref_slice %arg3[%dma_wait3A_1048, %dma_wait3A_1049] : memref<1000000x32xf32, #tpu.memory_space<hbm>> -> memref<1024x32xf32, #tpu.memory_space<hbm>>
    tpu.wait_dma2 semaphore(%arg12 : memref<!tpu.dma_semaphore, #tpu.memory_space<semaphore_mem>>) src(%dma_wait3A_1050 : memref<1024x32xf32, #tpu.memory_space<hbm>>) dst(%dma_wait3A_1047 : memref<1024x32xf32, #tpu.memory_space<vmem>>)
    %dma_start3A_1051 = arith.constant 20 : i32
    %dma_start3A_1052 = arith.constant 2 : i32
    %dma_start3A_1053 = arith.constant 0 : i32
    %dma_start3A_1054 = arith.constant 0 : i32
    %dma_start3A_1055 = tpu.memref_slice %arg6[%dma_start3A_1052, %dma_start3A_1053, %dma_start3A_1054] : memref<3x1024x32xf32, #tpu.memory_space<vmem>> -> memref<1x1024x32xf32, #tpu.memory_space<vmem>>
    %dma_start3A_1056 = tpu.memref_squeeze %dma_start3A_1055 : memref<1x1024x32xf32, #tpu.memory_space<vmem>> -> memref<1024x32xf32, #tpu.memory_space<vmem>>
    %dma_start3A_1057 = arith.constant 0 : i32
    %dma_start3A_1058 = tpu.memref_slice %arg5[%dma_start3A_1051, %dma_start3A_1057] : memref<25x1024xi32, #tpu.memory_space<vmem>> -> memref<1x1024xi32, #tpu.memory_space<vmem>>
    %dma_start3A_1059 = tpu.memref_squeeze %dma_start3A_1058 : memref<1x1024xi32, #tpu.memory_space<vmem>> -> memref<1024xi32, #tpu.memory_space<vmem>>
    %dma_start3A_1060 = arith.constant 0 : i32
    %dma_start3A_1061 = arith.constant 0 : i32
    %dma_start3A_1062 = tpu.memref_slice %arg3[%dma_start3A_1060, %dma_start3A_1061] : memref<1000000x32xf32, #tpu.memory_space<hbm>> -> memref<1000000x32xf32, #tpu.memory_space<hbm>>
    tpu.enqueue_indirect_dma source(%dma_start3A_1062 : memref<1000000x32xf32, #tpu.memory_space<hbm>>) target(%dma_start3A_1056 : memref<1024x32xf32, #tpu.memory_space<vmem>>) offsets(%dma_start3A_1059 : memref<1024xi32, #tpu.memory_space<vmem>>) semaphore(%arg9 : memref<!tpu.dma_semaphore, #tpu.memory_space<semaphore_mem>>)
    %dma_wait3A_1063 = arith.constant 0 : i32
    %dma_wait3A_1064 = arith.constant 0 : i32
    %dma_wait3A_1065 = arith.constant 0 : i32
    %dma_wait3A_1066 = tpu.memref_slice %arg6[%dma_wait3A_1063, %dma_wait3A_1064, %dma_wait3A_1065] : memref<3x1024x32xf32, #tpu.memory_space<vmem>> -> memref<1x1024x32xf32, #tpu.memory_space<vmem>>
    %dma_wait3A_1067 = tpu.memref_squeeze %dma_wait3A_1066 : memref<1x1024x32xf32, #tpu.memory_space<vmem>> -> memref<1024x32xf32, #tpu.memory_space<vmem>>
    %dma_wait3A_1068 = arith.constant 0 : i32
    %dma_wait3A_1069 = arith.constant 0 : i32
    %dma_wait3A_1070 = tpu.memref_slice %arg3[%dma_wait3A_1068, %dma_wait3A_1069] : memref<1000000x32xf32, #tpu.memory_space<hbm>> -> memref<1024x32xf32, #tpu.memory_space<hbm>>
    %dma_wait3A_1071 = arith.constant 0 : i32
    %dma_wait3A_1072 = arith.constant 0 : i32
    %dma_wait3A_1073 = tpu.memref_slice %arg6[%dma_wait3A_1063, %dma_wait3A_1071, %dma_wait3A_1072] : memref<3x1024x32xf32, #tpu.memory_space<vmem>> -> memref<1x1024x32xf32, #tpu.memory_space<vmem>>
    %dma_wait3A_1074 = tpu.memref_squeeze %dma_wait3A_1073 : memref<1x1024x32xf32, #tpu.memory_space<vmem>> -> memref<1024x32xf32, #tpu.memory_space<vmem>>
    %dma_wait3A_1075 = arith.constant 0 : i32
    %dma_wait3A_1076 = arith.constant 0 : i32
    %dma_wait3A_1077 = tpu.memref_slice %arg3[%dma_wait3A_1075, %dma_wait3A_1076] : memref<1000000x32xf32, #tpu.memory_space<hbm>> -> memref<1024x32xf32, #tpu.memory_space<hbm>>
    tpu.wait_dma2 semaphore(%arg7 : memref<!tpu.dma_semaphore, #tpu.memory_space<semaphore_mem>>) src(%dma_wait3A_1077 : memref<1024x32xf32, #tpu.memory_space<hbm>>) dst(%dma_wait3A_1074 : memref<1024x32xf32, #tpu.memory_space<vmem>>)
    %add3A_1078 = arith.constant 18432 : i32
    %add3A_1079 = arith.addi %mul3A_2, %add3A_1078 : i32
    %dma_start3A_1080 = arith.constant 0 : i32
    %dma_start3A_1081 = arith.constant 0 : i32
    %dma_start3A_1082 = arith.constant 0 : i32
    %dma_start3A_1083 = tpu.memref_slice %arg6[%dma_start3A_1080, %dma_start3A_1081, %dma_start3A_1082] : memref<3x1024x32xf32, #tpu.memory_space<vmem>> -> memref<1x1024x32xf32, #tpu.memory_space<vmem>>
    %dma_start3A_1084 = tpu.memref_squeeze %dma_start3A_1083 : memref<1x1024x32xf32, #tpu.memory_space<vmem>> -> memref<1024x32xf32, #tpu.memory_space<vmem>>
    %dma_start3A_1085 = arith.constant 0 : i32
    %dma_start3A_1086 = tpu.memref_slice %arg4[%add3A_1079, %dma_start3A_1085] : memref<819200x32xf32, #tpu.memory_space<hbm>> -> memref<1024x32xf32, #tpu.memory_space<hbm>>
    %dma_start3A_1087 = arith.constant 0 : i32
    %dma_start3A_1088 = tpu.memref_slice %arg4[%add3A_1079, %dma_start3A_1087] : memref<819200x32xf32, #tpu.memory_space<hbm>> -> memref<1024x32xf32, #tpu.memory_space<hbm>>
    %dma_start3A_1089 = arith.constant 0 : i32
    %dma_start3A_1090 = arith.constant 0 : i32
    %dma_start3A_1091 = tpu.memref_slice %arg6[%dma_start3A_1080, %dma_start3A_1089, %dma_start3A_1090] : memref<3x1024x32xf32, #tpu.memory_space<vmem>> -> memref<1x1024x32xf32, #tpu.memory_space<vmem>>
    %dma_start3A_1092 = tpu.memref_squeeze %dma_start3A_1091 : memref<1x1024x32xf32, #tpu.memory_space<vmem>> -> memref<1024x32xf32, #tpu.memory_space<vmem>>
    tpu.enqueue_dma source(%dma_start3A_1092 : memref<1024x32xf32, #tpu.memory_space<vmem>>) target(%dma_start3A_1088 : memref<1024x32xf32, #tpu.memory_space<hbm>>) target_semaphore(%arg10 : memref<!tpu.dma_semaphore, #tpu.memory_space<semaphore_mem>>)
    %dma_wait3A_1093 = arith.constant 0 : i32
    %dma_wait3A_1094 = arith.constant 0 : i32
    %dma_wait3A_1095 = arith.constant 0 : i32
    %dma_wait3A_1096 = tpu.memref_slice %arg6[%dma_wait3A_1093, %dma_wait3A_1094, %dma_wait3A_1095] : memref<3x1024x32xf32, #tpu.memory_space<vmem>> -> memref<1x1024x32xf32, #tpu.memory_space<vmem>>
    %dma_wait3A_1097 = tpu.memref_squeeze %dma_wait3A_1096 : memref<1x1024x32xf32, #tpu.memory_space<vmem>> -> memref<1024x32xf32, #tpu.memory_space<vmem>>
    %dma_wait3A_1098 = arith.constant 0 : i32
    %dma_wait3A_1099 = arith.constant 0 : i32
    %dma_wait3A_1100 = tpu.memref_slice %arg3[%dma_wait3A_1098, %dma_wait3A_1099] : memref<1000000x32xf32, #tpu.memory_space<hbm>> -> memref<1024x32xf32, #tpu.memory_space<hbm>>
    %dma_wait3A_1101 = arith.constant 0 : i32
    %dma_wait3A_1102 = arith.constant 0 : i32
    %dma_wait3A_1103 = tpu.memref_slice %arg6[%dma_wait3A_1093, %dma_wait3A_1101, %dma_wait3A_1102] : memref<3x1024x32xf32, #tpu.memory_space<vmem>> -> memref<1x1024x32xf32, #tpu.memory_space<vmem>>
    %dma_wait3A_1104 = tpu.memref_squeeze %dma_wait3A_1103 : memref<1x1024x32xf32, #tpu.memory_space<vmem>> -> memref<1024x32xf32, #tpu.memory_space<vmem>>
    %dma_wait3A_1105 = arith.constant 0 : i32
    %dma_wait3A_1106 = arith.constant 0 : i32
    %dma_wait3A_1107 = tpu.memref_slice %arg3[%dma_wait3A_1105, %dma_wait3A_1106] : memref<1000000x32xf32, #tpu.memory_space<hbm>> -> memref<1024x32xf32, #tpu.memory_space<hbm>>
    tpu.wait_dma2 semaphore(%arg10 : memref<!tpu.dma_semaphore, #tpu.memory_space<semaphore_mem>>) src(%dma_wait3A_1107 : memref<1024x32xf32, #tpu.memory_space<hbm>>) dst(%dma_wait3A_1104 : memref<1024x32xf32, #tpu.memory_space<vmem>>)
    %dma_start3A_1108 = arith.constant 21 : i32
    %dma_start3A_1109 = arith.constant 0 : i32
    %dma_start3A_1110 = arith.constant 0 : i32
    %dma_start3A_1111 = arith.constant 0 : i32
    %dma_start3A_1112 = tpu.memref_slice %arg6[%dma_start3A_1109, %dma_start3A_1110, %dma_start3A_1111] : memref<3x1024x32xf32, #tpu.memory_space<vmem>> -> memref<1x1024x32xf32, #tpu.memory_space<vmem>>
    %dma_start3A_1113 = tpu.memref_squeeze %dma_start3A_1112 : memref<1x1024x32xf32, #tpu.memory_space<vmem>> -> memref<1024x32xf32, #tpu.memory_space<vmem>>
    %dma_start3A_1114 = arith.constant 0 : i32
    %dma_start3A_1115 = tpu.memref_slice %arg5[%dma_start3A_1108, %dma_start3A_1114] : memref<25x1024xi32, #tpu.memory_space<vmem>> -> memref<1x1024xi32, #tpu.memory_space<vmem>>
    %dma_start3A_1116 = tpu.memref_squeeze %dma_start3A_1115 : memref<1x1024xi32, #tpu.memory_space<vmem>> -> memref<1024xi32, #tpu.memory_space<vmem>>
    %dma_start3A_1117 = arith.constant 0 : i32
    %dma_start3A_1118 = arith.constant 0 : i32
    %dma_start3A_1119 = tpu.memref_slice %arg3[%dma_start3A_1117, %dma_start3A_1118] : memref<1000000x32xf32, #tpu.memory_space<hbm>> -> memref<1000000x32xf32, #tpu.memory_space<hbm>>
    tpu.enqueue_indirect_dma source(%dma_start3A_1119 : memref<1000000x32xf32, #tpu.memory_space<hbm>>) target(%dma_start3A_1113 : memref<1024x32xf32, #tpu.memory_space<vmem>>) offsets(%dma_start3A_1116 : memref<1024xi32, #tpu.memory_space<vmem>>) semaphore(%arg7 : memref<!tpu.dma_semaphore, #tpu.memory_space<semaphore_mem>>)
    %dma_wait3A_1120 = arith.constant 1 : i32
    %dma_wait3A_1121 = arith.constant 0 : i32
    %dma_wait3A_1122 = arith.constant 0 : i32
    %dma_wait3A_1123 = tpu.memref_slice %arg6[%dma_wait3A_1120, %dma_wait3A_1121, %dma_wait3A_1122] : memref<3x1024x32xf32, #tpu.memory_space<vmem>> -> memref<1x1024x32xf32, #tpu.memory_space<vmem>>
    %dma_wait3A_1124 = tpu.memref_squeeze %dma_wait3A_1123 : memref<1x1024x32xf32, #tpu.memory_space<vmem>> -> memref<1024x32xf32, #tpu.memory_space<vmem>>
    %dma_wait3A_1125 = arith.constant 0 : i32
    %dma_wait3A_1126 = arith.constant 0 : i32
    %dma_wait3A_1127 = tpu.memref_slice %arg3[%dma_wait3A_1125, %dma_wait3A_1126] : memref<1000000x32xf32, #tpu.memory_space<hbm>> -> memref<1024x32xf32, #tpu.memory_space<hbm>>
    %dma_wait3A_1128 = arith.constant 0 : i32
    %dma_wait3A_1129 = arith.constant 0 : i32
    %dma_wait3A_1130 = tpu.memref_slice %arg6[%dma_wait3A_1120, %dma_wait3A_1128, %dma_wait3A_1129] : memref<3x1024x32xf32, #tpu.memory_space<vmem>> -> memref<1x1024x32xf32, #tpu.memory_space<vmem>>
    %dma_wait3A_1131 = tpu.memref_squeeze %dma_wait3A_1130 : memref<1x1024x32xf32, #tpu.memory_space<vmem>> -> memref<1024x32xf32, #tpu.memory_space<vmem>>
    %dma_wait3A_1132 = arith.constant 0 : i32
    %dma_wait3A_1133 = arith.constant 0 : i32
    %dma_wait3A_1134 = tpu.memref_slice %arg3[%dma_wait3A_1132, %dma_wait3A_1133] : memref<1000000x32xf32, #tpu.memory_space<hbm>> -> memref<1024x32xf32, #tpu.memory_space<hbm>>
    tpu.wait_dma2 semaphore(%arg8 : memref<!tpu.dma_semaphore, #tpu.memory_space<semaphore_mem>>) src(%dma_wait3A_1134 : memref<1024x32xf32, #tpu.memory_space<hbm>>) dst(%dma_wait3A_1131 : memref<1024x32xf32, #tpu.memory_space<vmem>>)
    %add3A_1135 = arith.constant 19456 : i32
    %add3A_1136 = arith.addi %mul3A_2, %add3A_1135 : i32
    %dma_start3A_1137 = arith.constant 1 : i32
    %dma_start3A_1138 = arith.constant 0 : i32
    %dma_start3A_1139 = arith.constant 0 : i32
    %dma_start3A_1140 = tpu.memref_slice %arg6[%dma_start3A_1137, %dma_start3A_1138, %dma_start3A_1139] : memref<3x1024x32xf32, #tpu.memory_space<vmem>> -> memref<1x1024x32xf32, #tpu.memory_space<vmem>>
    %dma_start3A_1141 = tpu.memref_squeeze %dma_start3A_1140 : memref<1x1024x32xf32, #tpu.memory_space<vmem>> -> memref<1024x32xf32, #tpu.memory_space<vmem>>
    %dma_start3A_1142 = arith.constant 0 : i32
    %dma_start3A_1143 = tpu.memref_slice %arg4[%add3A_1136, %dma_start3A_1142] : memref<819200x32xf32, #tpu.memory_space<hbm>> -> memref<1024x32xf32, #tpu.memory_space<hbm>>
    %dma_start3A_1144 = arith.constant 0 : i32
    %dma_start3A_1145 = tpu.memref_slice %arg4[%add3A_1136, %dma_start3A_1144] : memref<819200x32xf32, #tpu.memory_space<hbm>> -> memref<1024x32xf32, #tpu.memory_space<hbm>>
    %dma_start3A_1146 = arith.constant 0 : i32
    %dma_start3A_1147 = arith.constant 0 : i32
    %dma_start3A_1148 = tpu.memref_slice %arg6[%dma_start3A_1137, %dma_start3A_1146, %dma_start3A_1147] : memref<3x1024x32xf32, #tpu.memory_space<vmem>> -> memref<1x1024x32xf32, #tpu.memory_space<vmem>>
    %dma_start3A_1149 = tpu.memref_squeeze %dma_start3A_1148 : memref<1x1024x32xf32, #tpu.memory_space<vmem>> -> memref<1024x32xf32, #tpu.memory_space<vmem>>
    tpu.enqueue_dma source(%dma_start3A_1149 : memref<1024x32xf32, #tpu.memory_space<vmem>>) target(%dma_start3A_1145 : memref<1024x32xf32, #tpu.memory_space<hbm>>) target_semaphore(%arg11 : memref<!tpu.dma_semaphore, #tpu.memory_space<semaphore_mem>>)
    %dma_wait3A_1150 = arith.constant 1 : i32
    %dma_wait3A_1151 = arith.constant 0 : i32
    %dma_wait3A_1152 = arith.constant 0 : i32
    %dma_wait3A_1153 = tpu.memref_slice %arg6[%dma_wait3A_1150, %dma_wait3A_1151, %dma_wait3A_1152] : memref<3x1024x32xf32, #tpu.memory_space<vmem>> -> memref<1x1024x32xf32, #tpu.memory_space<vmem>>
    %dma_wait3A_1154 = tpu.memref_squeeze %dma_wait3A_1153 : memref<1x1024x32xf32, #tpu.memory_space<vmem>> -> memref<1024x32xf32, #tpu.memory_space<vmem>>
    %dma_wait3A_1155 = arith.constant 0 : i32
    %dma_wait3A_1156 = arith.constant 0 : i32
    %dma_wait3A_1157 = tpu.memref_slice %arg3[%dma_wait3A_1155, %dma_wait3A_1156] : memref<1000000x32xf32, #tpu.memory_space<hbm>> -> memref<1024x32xf32, #tpu.memory_space<hbm>>
    %dma_wait3A_1158 = arith.constant 0 : i32
    %dma_wait3A_1159 = arith.constant 0 : i32
    %dma_wait3A_1160 = tpu.memref_slice %arg6[%dma_wait3A_1150, %dma_wait3A_1158, %dma_wait3A_1159] : memref<3x1024x32xf32, #tpu.memory_space<vmem>> -> memref<1x1024x32xf32, #tpu.memory_space<vmem>>
    %dma_wait3A_1161 = tpu.memref_squeeze %dma_wait3A_1160 : memref<1x1024x32xf32, #tpu.memory_space<vmem>> -> memref<1024x32xf32, #tpu.memory_space<vmem>>
    %dma_wait3A_1162 = arith.constant 0 : i32
    %dma_wait3A_1163 = arith.constant 0 : i32
    %dma_wait3A_1164 = tpu.memref_slice %arg3[%dma_wait3A_1162, %dma_wait3A_1163] : memref<1000000x32xf32, #tpu.memory_space<hbm>> -> memref<1024x32xf32, #tpu.memory_space<hbm>>
    tpu.wait_dma2 semaphore(%arg11 : memref<!tpu.dma_semaphore, #tpu.memory_space<semaphore_mem>>) src(%dma_wait3A_1164 : memref<1024x32xf32, #tpu.memory_space<hbm>>) dst(%dma_wait3A_1161 : memref<1024x32xf32, #tpu.memory_space<vmem>>)
    %dma_start3A_1165 = arith.constant 22 : i32
    %dma_start3A_1166 = arith.constant 1 : i32
    %dma_start3A_1167 = arith.constant 0 : i32
    %dma_start3A_1168 = arith.constant 0 : i32
    %dma_start3A_1169 = tpu.memref_slice %arg6[%dma_start3A_1166, %dma_start3A_1167, %dma_start3A_1168] : memref<3x1024x32xf32, #tpu.memory_space<vmem>> -> memref<1x1024x32xf32, #tpu.memory_space<vmem>>
    %dma_start3A_1170 = tpu.memref_squeeze %dma_start3A_1169 : memref<1x1024x32xf32, #tpu.memory_space<vmem>> -> memref<1024x32xf32, #tpu.memory_space<vmem>>
    %dma_start3A_1171 = arith.constant 0 : i32
    %dma_start3A_1172 = tpu.memref_slice %arg5[%dma_start3A_1165, %dma_start3A_1171] : memref<25x1024xi32, #tpu.memory_space<vmem>> -> memref<1x1024xi32, #tpu.memory_space<vmem>>
    %dma_start3A_1173 = tpu.memref_squeeze %dma_start3A_1172 : memref<1x1024xi32, #tpu.memory_space<vmem>> -> memref<1024xi32, #tpu.memory_space<vmem>>
    %dma_start3A_1174 = arith.constant 0 : i32
    %dma_start3A_1175 = arith.constant 0 : i32
    %dma_start3A_1176 = tpu.memref_slice %arg3[%dma_start3A_1174, %dma_start3A_1175] : memref<1000000x32xf32, #tpu.memory_space<hbm>> -> memref<1000000x32xf32, #tpu.memory_space<hbm>>
    tpu.enqueue_indirect_dma source(%dma_start3A_1176 : memref<1000000x32xf32, #tpu.memory_space<hbm>>) target(%dma_start3A_1170 : memref<1024x32xf32, #tpu.memory_space<vmem>>) offsets(%dma_start3A_1173 : memref<1024xi32, #tpu.memory_space<vmem>>) semaphore(%arg8 : memref<!tpu.dma_semaphore, #tpu.memory_space<semaphore_mem>>)
    %dma_wait3A_1177 = arith.constant 2 : i32
    %dma_wait3A_1178 = arith.constant 0 : i32
    %dma_wait3A_1179 = arith.constant 0 : i32
    %dma_wait3A_1180 = tpu.memref_slice %arg6[%dma_wait3A_1177, %dma_wait3A_1178, %dma_wait3A_1179] : memref<3x1024x32xf32, #tpu.memory_space<vmem>> -> memref<1x1024x32xf32, #tpu.memory_space<vmem>>
    %dma_wait3A_1181 = tpu.memref_squeeze %dma_wait3A_1180 : memref<1x1024x32xf32, #tpu.memory_space<vmem>> -> memref<1024x32xf32, #tpu.memory_space<vmem>>
    %dma_wait3A_1182 = arith.constant 0 : i32
    %dma_wait3A_1183 = arith.constant 0 : i32
    %dma_wait3A_1184 = tpu.memref_slice %arg3[%dma_wait3A_1182, %dma_wait3A_1183] : memref<1000000x32xf32, #tpu.memory_space<hbm>> -> memref<1024x32xf32, #tpu.memory_space<hbm>>
    %dma_wait3A_1185 = arith.constant 0 : i32
    %dma_wait3A_1186 = arith.constant 0 : i32
    %dma_wait3A_1187 = tpu.memref_slice %arg6[%dma_wait3A_1177, %dma_wait3A_1185, %dma_wait3A_1186] : memref<3x1024x32xf32, #tpu.memory_space<vmem>> -> memref<1x1024x32xf32, #tpu.memory_space<vmem>>
    %dma_wait3A_1188 = tpu.memref_squeeze %dma_wait3A_1187 : memref<1x1024x32xf32, #tpu.memory_space<vmem>> -> memref<1024x32xf32, #tpu.memory_space<vmem>>
    %dma_wait3A_1189 = arith.constant 0 : i32
    %dma_wait3A_1190 = arith.constant 0 : i32
    %dma_wait3A_1191 = tpu.memref_slice %arg3[%dma_wait3A_1189, %dma_wait3A_1190] : memref<1000000x32xf32, #tpu.memory_space<hbm>> -> memref<1024x32xf32, #tpu.memory_space<hbm>>
    tpu.wait_dma2 semaphore(%arg9 : memref<!tpu.dma_semaphore, #tpu.memory_space<semaphore_mem>>) src(%dma_wait3A_1191 : memref<1024x32xf32, #tpu.memory_space<hbm>>) dst(%dma_wait3A_1188 : memref<1024x32xf32, #tpu.memory_space<vmem>>)
    %add3A_1192 = arith.constant 20480 : i32
    %add3A_1193 = arith.addi %mul3A_2, %add3A_1192 : i32
    %dma_start3A_1194 = arith.constant 2 : i32
    %dma_start3A_1195 = arith.constant 0 : i32
    %dma_start3A_1196 = arith.constant 0 : i32
    %dma_start3A_1197 = tpu.memref_slice %arg6[%dma_start3A_1194, %dma_start3A_1195, %dma_start3A_1196] : memref<3x1024x32xf32, #tpu.memory_space<vmem>> -> memref<1x1024x32xf32, #tpu.memory_space<vmem>>
    %dma_start3A_1198 = tpu.memref_squeeze %dma_start3A_1197 : memref<1x1024x32xf32, #tpu.memory_space<vmem>> -> memref<1024x32xf32, #tpu.memory_space<vmem>>
    %dma_start3A_1199 = arith.constant 0 : i32
    %dma_start3A_1200 = tpu.memref_slice %arg4[%add3A_1193, %dma_start3A_1199] : memref<819200x32xf32, #tpu.memory_space<hbm>> -> memref<1024x32xf32, #tpu.memory_space<hbm>>
    %dma_start3A_1201 = arith.constant 0 : i32
    %dma_start3A_1202 = tpu.memref_slice %arg4[%add3A_1193, %dma_start3A_1201] : memref<819200x32xf32, #tpu.memory_space<hbm>> -> memref<1024x32xf32, #tpu.memory_space<hbm>>
    %dma_start3A_1203 = arith.constant 0 : i32
    %dma_start3A_1204 = arith.constant 0 : i32
    %dma_start3A_1205 = tpu.memref_slice %arg6[%dma_start3A_1194, %dma_start3A_1203, %dma_start3A_1204] : memref<3x1024x32xf32, #tpu.memory_space<vmem>> -> memref<1x1024x32xf32, #tpu.memory_space<vmem>>
    %dma_start3A_1206 = tpu.memref_squeeze %dma_start3A_1205 : memref<1x1024x32xf32, #tpu.memory_space<vmem>> -> memref<1024x32xf32, #tpu.memory_space<vmem>>
    tpu.enqueue_dma source(%dma_start3A_1206 : memref<1024x32xf32, #tpu.memory_space<vmem>>) target(%dma_start3A_1202 : memref<1024x32xf32, #tpu.memory_space<hbm>>) target_semaphore(%arg12 : memref<!tpu.dma_semaphore, #tpu.memory_space<semaphore_mem>>)
    %dma_wait3A_1207 = arith.constant 2 : i32
    %dma_wait3A_1208 = arith.constant 0 : i32
    %dma_wait3A_1209 = arith.constant 0 : i32
    %dma_wait3A_1210 = tpu.memref_slice %arg6[%dma_wait3A_1207, %dma_wait3A_1208, %dma_wait3A_1209] : memref<3x1024x32xf32, #tpu.memory_space<vmem>> -> memref<1x1024x32xf32, #tpu.memory_space<vmem>>
    %dma_wait3A_1211 = tpu.memref_squeeze %dma_wait3A_1210 : memref<1x1024x32xf32, #tpu.memory_space<vmem>> -> memref<1024x32xf32, #tpu.memory_space<vmem>>
    %dma_wait3A_1212 = arith.constant 0 : i32
    %dma_wait3A_1213 = arith.constant 0 : i32
    %dma_wait3A_1214 = tpu.memref_slice %arg3[%dma_wait3A_1212, %dma_wait3A_1213] : memref<1000000x32xf32, #tpu.memory_space<hbm>> -> memref<1024x32xf32, #tpu.memory_space<hbm>>
    %dma_wait3A_1215 = arith.constant 0 : i32
    %dma_wait3A_1216 = arith.constant 0 : i32
    %dma_wait3A_1217 = tpu.memref_slice %arg6[%dma_wait3A_1207, %dma_wait3A_1215, %dma_wait3A_1216] : memref<3x1024x32xf32, #tpu.memory_space<vmem>> -> memref<1x1024x32xf32, #tpu.memory_space<vmem>>
    %dma_wait3A_1218 = tpu.memref_squeeze %dma_wait3A_1217 : memref<1x1024x32xf32, #tpu.memory_space<vmem>> -> memref<1024x32xf32, #tpu.memory_space<vmem>>
    %dma_wait3A_1219 = arith.constant 0 : i32
    %dma_wait3A_1220 = arith.constant 0 : i32
    %dma_wait3A_1221 = tpu.memref_slice %arg3[%dma_wait3A_1219, %dma_wait3A_1220] : memref<1000000x32xf32, #tpu.memory_space<hbm>> -> memref<1024x32xf32, #tpu.memory_space<hbm>>
    tpu.wait_dma2 semaphore(%arg12 : memref<!tpu.dma_semaphore, #tpu.memory_space<semaphore_mem>>) src(%dma_wait3A_1221 : memref<1024x32xf32, #tpu.memory_space<hbm>>) dst(%dma_wait3A_1218 : memref<1024x32xf32, #tpu.memory_space<vmem>>)
    %dma_start3A_1222 = arith.constant 23 : i32
    %dma_start3A_1223 = arith.constant 2 : i32
    %dma_start3A_1224 = arith.constant 0 : i32
    %dma_start3A_1225 = arith.constant 0 : i32
    %dma_start3A_1226 = tpu.memref_slice %arg6[%dma_start3A_1223, %dma_start3A_1224, %dma_start3A_1225] : memref<3x1024x32xf32, #tpu.memory_space<vmem>> -> memref<1x1024x32xf32, #tpu.memory_space<vmem>>
    %dma_start3A_1227 = tpu.memref_squeeze %dma_start3A_1226 : memref<1x1024x32xf32, #tpu.memory_space<vmem>> -> memref<1024x32xf32, #tpu.memory_space<vmem>>
    %dma_start3A_1228 = arith.constant 0 : i32
    %dma_start3A_1229 = tpu.memref_slice %arg5[%dma_start3A_1222, %dma_start3A_1228] : memref<25x1024xi32, #tpu.memory_space<vmem>> -> memref<1x1024xi32, #tpu.memory_space<vmem>>
    %dma_start3A_1230 = tpu.memref_squeeze %dma_start3A_1229 : memref<1x1024xi32, #tpu.memory_space<vmem>> -> memref<1024xi32, #tpu.memory_space<vmem>>
    %dma_start3A_1231 = arith.constant 0 : i32
    %dma_start3A_1232 = arith.constant 0 : i32
    %dma_start3A_1233 = tpu.memref_slice %arg3[%dma_start3A_1231, %dma_start3A_1232] : memref<1000000x32xf32, #tpu.memory_space<hbm>> -> memref<1000000x32xf32, #tpu.memory_space<hbm>>
    tpu.enqueue_indirect_dma source(%dma_start3A_1233 : memref<1000000x32xf32, #tpu.memory_space<hbm>>) target(%dma_start3A_1227 : memref<1024x32xf32, #tpu.memory_space<vmem>>) offsets(%dma_start3A_1230 : memref<1024xi32, #tpu.memory_space<vmem>>) semaphore(%arg9 : memref<!tpu.dma_semaphore, #tpu.memory_space<semaphore_mem>>)
    %dma_wait3A_1234 = arith.constant 0 : i32
    %dma_wait3A_1235 = arith.constant 0 : i32
    %dma_wait3A_1236 = arith.constant 0 : i32
    %dma_wait3A_1237 = tpu.memref_slice %arg6[%dma_wait3A_1234, %dma_wait3A_1235, %dma_wait3A_1236] : memref<3x1024x32xf32, #tpu.memory_space<vmem>> -> memref<1x1024x32xf32, #tpu.memory_space<vmem>>
    %dma_wait3A_1238 = tpu.memref_squeeze %dma_wait3A_1237 : memref<1x1024x32xf32, #tpu.memory_space<vmem>> -> memref<1024x32xf32, #tpu.memory_space<vmem>>
    %dma_wait3A_1239 = arith.constant 0 : i32
    %dma_wait3A_1240 = arith.constant 0 : i32
    %dma_wait3A_1241 = tpu.memref_slice %arg3[%dma_wait3A_1239, %dma_wait3A_1240] : memref<1000000x32xf32, #tpu.memory_space<hbm>> -> memref<1024x32xf32, #tpu.memory_space<hbm>>
    %dma_wait3A_1242 = arith.constant 0 : i32
    %dma_wait3A_1243 = arith.constant 0 : i32
    %dma_wait3A_1244 = tpu.memref_slice %arg6[%dma_wait3A_1234, %dma_wait3A_1242, %dma_wait3A_1243] : memref<3x1024x32xf32, #tpu.memory_space<vmem>> -> memref<1x1024x32xf32, #tpu.memory_space<vmem>>
    %dma_wait3A_1245 = tpu.memref_squeeze %dma_wait3A_1244 : memref<1x1024x32xf32, #tpu.memory_space<vmem>> -> memref<1024x32xf32, #tpu.memory_space<vmem>>
    %dma_wait3A_1246 = arith.constant 0 : i32
    %dma_wait3A_1247 = arith.constant 0 : i32
    %dma_wait3A_1248 = tpu.memref_slice %arg3[%dma_wait3A_1246, %dma_wait3A_1247] : memref<1000000x32xf32, #tpu.memory_space<hbm>> -> memref<1024x32xf32, #tpu.memory_space<hbm>>
    tpu.wait_dma2 semaphore(%arg7 : memref<!tpu.dma_semaphore, #tpu.memory_space<semaphore_mem>>) src(%dma_wait3A_1248 : memref<1024x32xf32, #tpu.memory_space<hbm>>) dst(%dma_wait3A_1245 : memref<1024x32xf32, #tpu.memory_space<vmem>>)
    %add3A_1249 = arith.constant 21504 : i32
    %add3A_1250 = arith.addi %mul3A_2, %add3A_1249 : i32
    %dma_start3A_1251 = arith.constant 0 : i32
    %dma_start3A_1252 = arith.constant 0 : i32
    %dma_start3A_1253 = arith.constant 0 : i32
    %dma_start3A_1254 = tpu.memref_slice %arg6[%dma_start3A_1251, %dma_start3A_1252, %dma_start3A_1253] : memref<3x1024x32xf32, #tpu.memory_space<vmem>> -> memref<1x1024x32xf32, #tpu.memory_space<vmem>>
    %dma_start3A_1255 = tpu.memref_squeeze %dma_start3A_1254 : memref<1x1024x32xf32, #tpu.memory_space<vmem>> -> memref<1024x32xf32, #tpu.memory_space<vmem>>
    %dma_start3A_1256 = arith.constant 0 : i32
    %dma_start3A_1257 = tpu.memref_slice %arg4[%add3A_1250, %dma_start3A_1256] : memref<819200x32xf32, #tpu.memory_space<hbm>> -> memref<1024x32xf32, #tpu.memory_space<hbm>>
    %dma_start3A_1258 = arith.constant 0 : i32
    %dma_start3A_1259 = tpu.memref_slice %arg4[%add3A_1250, %dma_start3A_1258] : memref<819200x32xf32, #tpu.memory_space<hbm>> -> memref<1024x32xf32, #tpu.memory_space<hbm>>
    %dma_start3A_1260 = arith.constant 0 : i32
    %dma_start3A_1261 = arith.constant 0 : i32
    %dma_start3A_1262 = tpu.memref_slice %arg6[%dma_start3A_1251, %dma_start3A_1260, %dma_start3A_1261] : memref<3x1024x32xf32, #tpu.memory_space<vmem>> -> memref<1x1024x32xf32, #tpu.memory_space<vmem>>
    %dma_start3A_1263 = tpu.memref_squeeze %dma_start3A_1262 : memref<1x1024x32xf32, #tpu.memory_space<vmem>> -> memref<1024x32xf32, #tpu.memory_space<vmem>>
    tpu.enqueue_dma source(%dma_start3A_1263 : memref<1024x32xf32, #tpu.memory_space<vmem>>) target(%dma_start3A_1259 : memref<1024x32xf32, #tpu.memory_space<hbm>>) target_semaphore(%arg10 : memref<!tpu.dma_semaphore, #tpu.memory_space<semaphore_mem>>)
    %dma_wait3A_1264 = arith.constant 0 : i32
    %dma_wait3A_1265 = arith.constant 0 : i32
    %dma_wait3A_1266 = arith.constant 0 : i32
    %dma_wait3A_1267 = tpu.memref_slice %arg6[%dma_wait3A_1264, %dma_wait3A_1265, %dma_wait3A_1266] : memref<3x1024x32xf32, #tpu.memory_space<vmem>> -> memref<1x1024x32xf32, #tpu.memory_space<vmem>>
    %dma_wait3A_1268 = tpu.memref_squeeze %dma_wait3A_1267 : memref<1x1024x32xf32, #tpu.memory_space<vmem>> -> memref<1024x32xf32, #tpu.memory_space<vmem>>
    %dma_wait3A_1269 = arith.constant 0 : i32
    %dma_wait3A_1270 = arith.constant 0 : i32
    %dma_wait3A_1271 = tpu.memref_slice %arg3[%dma_wait3A_1269, %dma_wait3A_1270] : memref<1000000x32xf32, #tpu.memory_space<hbm>> -> memref<1024x32xf32, #tpu.memory_space<hbm>>
    %dma_wait3A_1272 = arith.constant 0 : i32
    %dma_wait3A_1273 = arith.constant 0 : i32
    %dma_wait3A_1274 = tpu.memref_slice %arg6[%dma_wait3A_1264, %dma_wait3A_1272, %dma_wait3A_1273] : memref<3x1024x32xf32, #tpu.memory_space<vmem>> -> memref<1x1024x32xf32, #tpu.memory_space<vmem>>
    %dma_wait3A_1275 = tpu.memref_squeeze %dma_wait3A_1274 : memref<1x1024x32xf32, #tpu.memory_space<vmem>> -> memref<1024x32xf32, #tpu.memory_space<vmem>>
    %dma_wait3A_1276 = arith.constant 0 : i32
    %dma_wait3A_1277 = arith.constant 0 : i32
    %dma_wait3A_1278 = tpu.memref_slice %arg3[%dma_wait3A_1276, %dma_wait3A_1277] : memref<1000000x32xf32, #tpu.memory_space<hbm>> -> memref<1024x32xf32, #tpu.memory_space<hbm>>
    tpu.wait_dma2 semaphore(%arg10 : memref<!tpu.dma_semaphore, #tpu.memory_space<semaphore_mem>>) src(%dma_wait3A_1278 : memref<1024x32xf32, #tpu.memory_space<hbm>>) dst(%dma_wait3A_1275 : memref<1024x32xf32, #tpu.memory_space<vmem>>)
    %dma_start3A_1279 = arith.constant 24 : i32
    %dma_start3A_1280 = arith.constant 0 : i32
    %dma_start3A_1281 = arith.constant 0 : i32
    %dma_start3A_1282 = arith.constant 0 : i32
    %dma_start3A_1283 = tpu.memref_slice %arg6[%dma_start3A_1280, %dma_start3A_1281, %dma_start3A_1282] : memref<3x1024x32xf32, #tpu.memory_space<vmem>> -> memref<1x1024x32xf32, #tpu.memory_space<vmem>>
    %dma_start3A_1284 = tpu.memref_squeeze %dma_start3A_1283 : memref<1x1024x32xf32, #tpu.memory_space<vmem>> -> memref<1024x32xf32, #tpu.memory_space<vmem>>
    %dma_start3A_1285 = arith.constant 0 : i32
    %dma_start3A_1286 = tpu.memref_slice %arg5[%dma_start3A_1279, %dma_start3A_1285] : memref<25x1024xi32, #tpu.memory_space<vmem>> -> memref<1x1024xi32, #tpu.memory_space<vmem>>
    %dma_start3A_1287 = tpu.memref_squeeze %dma_start3A_1286 : memref<1x1024xi32, #tpu.memory_space<vmem>> -> memref<1024xi32, #tpu.memory_space<vmem>>
    %dma_start3A_1288 = arith.constant 0 : i32
    %dma_start3A_1289 = arith.constant 0 : i32
    %dma_start3A_1290 = tpu.memref_slice %arg3[%dma_start3A_1288, %dma_start3A_1289] : memref<1000000x32xf32, #tpu.memory_space<hbm>> -> memref<1000000x32xf32, #tpu.memory_space<hbm>>
    tpu.enqueue_indirect_dma source(%dma_start3A_1290 : memref<1000000x32xf32, #tpu.memory_space<hbm>>) target(%dma_start3A_1284 : memref<1024x32xf32, #tpu.memory_space<vmem>>) offsets(%dma_start3A_1287 : memref<1024xi32, #tpu.memory_space<vmem>>) semaphore(%arg7 : memref<!tpu.dma_semaphore, #tpu.memory_space<semaphore_mem>>)
    %dma_wait3A_1291 = arith.constant 1 : i32
    %dma_wait3A_1292 = arith.constant 0 : i32
    %dma_wait3A_1293 = arith.constant 0 : i32
    %dma_wait3A_1294 = tpu.memref_slice %arg6[%dma_wait3A_1291, %dma_wait3A_1292, %dma_wait3A_1293] : memref<3x1024x32xf32, #tpu.memory_space<vmem>> -> memref<1x1024x32xf32, #tpu.memory_space<vmem>>
    %dma_wait3A_1295 = tpu.memref_squeeze %dma_wait3A_1294 : memref<1x1024x32xf32, #tpu.memory_space<vmem>> -> memref<1024x32xf32, #tpu.memory_space<vmem>>
    %dma_wait3A_1296 = arith.constant 0 : i32
    %dma_wait3A_1297 = arith.constant 0 : i32
    %dma_wait3A_1298 = tpu.memref_slice %arg3[%dma_wait3A_1296, %dma_wait3A_1297] : memref<1000000x32xf32, #tpu.memory_space<hbm>> -> memref<1024x32xf32, #tpu.memory_space<hbm>>
    %dma_wait3A_1299 = arith.constant 0 : i32
    %dma_wait3A_1300 = arith.constant 0 : i32
    %dma_wait3A_1301 = tpu.memref_slice %arg6[%dma_wait3A_1291, %dma_wait3A_1299, %dma_wait3A_1300] : memref<3x1024x32xf32, #tpu.memory_space<vmem>> -> memref<1x1024x32xf32, #tpu.memory_space<vmem>>
    %dma_wait3A_1302 = tpu.memref_squeeze %dma_wait3A_1301 : memref<1x1024x32xf32, #tpu.memory_space<vmem>> -> memref<1024x32xf32, #tpu.memory_space<vmem>>
    %dma_wait3A_1303 = arith.constant 0 : i32
    %dma_wait3A_1304 = arith.constant 0 : i32
    %dma_wait3A_1305 = tpu.memref_slice %arg3[%dma_wait3A_1303, %dma_wait3A_1304] : memref<1000000x32xf32, #tpu.memory_space<hbm>> -> memref<1024x32xf32, #tpu.memory_space<hbm>>
    tpu.wait_dma2 semaphore(%arg8 : memref<!tpu.dma_semaphore, #tpu.memory_space<semaphore_mem>>) src(%dma_wait3A_1305 : memref<1024x32xf32, #tpu.memory_space<hbm>>) dst(%dma_wait3A_1302 : memref<1024x32xf32, #tpu.memory_space<vmem>>)
    %add3A_1306 = arith.constant 22528 : i32
    %add3A_1307 = arith.addi %mul3A_2, %add3A_1306 : i32
    %dma_start3A_1308 = arith.constant 1 : i32
    %dma_start3A_1309 = arith.constant 0 : i32
    %dma_start3A_1310 = arith.constant 0 : i32
    %dma_start3A_1311 = tpu.memref_slice %arg6[%dma_start3A_1308, %dma_start3A_1309, %dma_start3A_1310] : memref<3x1024x32xf32, #tpu.memory_space<vmem>> -> memref<1x1024x32xf32, #tpu.memory_space<vmem>>
    %dma_start3A_1312 = tpu.memref_squeeze %dma_start3A_1311 : memref<1x1024x32xf32, #tpu.memory_space<vmem>> -> memref<1024x32xf32, #tpu.memory_space<vmem>>
    %dma_start3A_1313 = arith.constant 0 : i32
    %dma_start3A_1314 = tpu.memref_slice %arg4[%add3A_1307, %dma_start3A_1313] : memref<819200x32xf32, #tpu.memory_space<hbm>> -> memref<1024x32xf32, #tpu.memory_space<hbm>>
    %dma_start3A_1315 = arith.constant 0 : i32
    %dma_start3A_1316 = tpu.memref_slice %arg4[%add3A_1307, %dma_start3A_1315] : memref<819200x32xf32, #tpu.memory_space<hbm>> -> memref<1024x32xf32, #tpu.memory_space<hbm>>
    %dma_start3A_1317 = arith.constant 0 : i32
    %dma_start3A_1318 = arith.constant 0 : i32
    %dma_start3A_1319 = tpu.memref_slice %arg6[%dma_start3A_1308, %dma_start3A_1317, %dma_start3A_1318] : memref<3x1024x32xf32, #tpu.memory_space<vmem>> -> memref<1x1024x32xf32, #tpu.memory_space<vmem>>
    %dma_start3A_1320 = tpu.memref_squeeze %dma_start3A_1319 : memref<1x1024x32xf32, #tpu.memory_space<vmem>> -> memref<1024x32xf32, #tpu.memory_space<vmem>>
    tpu.enqueue_dma source(%dma_start3A_1320 : memref<1024x32xf32, #tpu.memory_space<vmem>>) target(%dma_start3A_1316 : memref<1024x32xf32, #tpu.memory_space<hbm>>) target_semaphore(%arg11 : memref<!tpu.dma_semaphore, #tpu.memory_space<semaphore_mem>>)
    %dma_wait3A_1321 = arith.constant 2 : i32
    %dma_wait3A_1322 = arith.constant 0 : i32
    %dma_wait3A_1323 = arith.constant 0 : i32
    %dma_wait3A_1324 = tpu.memref_slice %arg6[%dma_wait3A_1321, %dma_wait3A_1322, %dma_wait3A_1323] : memref<3x1024x32xf32, #tpu.memory_space<vmem>> -> memref<1x1024x32xf32, #tpu.memory_space<vmem>>
    %dma_wait3A_1325 = tpu.memref_squeeze %dma_wait3A_1324 : memref<1x1024x32xf32, #tpu.memory_space<vmem>> -> memref<1024x32xf32, #tpu.memory_space<vmem>>
    %dma_wait3A_1326 = arith.constant 0 : i32
    %dma_wait3A_1327 = arith.constant 0 : i32
    %dma_wait3A_1328 = tpu.memref_slice %arg3[%dma_wait3A_1326, %dma_wait3A_1327] : memref<1000000x32xf32, #tpu.memory_space<hbm>> -> memref<1024x32xf32, #tpu.memory_space<hbm>>
    %dma_wait3A_1329 = arith.constant 0 : i32
    %dma_wait3A_1330 = arith.constant 0 : i32
    %dma_wait3A_1331 = tpu.memref_slice %arg6[%dma_wait3A_1321, %dma_wait3A_1329, %dma_wait3A_1330] : memref<3x1024x32xf32, #tpu.memory_space<vmem>> -> memref<1x1024x32xf32, #tpu.memory_space<vmem>>
    %dma_wait3A_1332 = tpu.memref_squeeze %dma_wait3A_1331 : memref<1x1024x32xf32, #tpu.memory_space<vmem>> -> memref<1024x32xf32, #tpu.memory_space<vmem>>
    %dma_wait3A_1333 = arith.constant 0 : i32
    %dma_wait3A_1334 = arith.constant 0 : i32
    %dma_wait3A_1335 = tpu.memref_slice %arg3[%dma_wait3A_1333, %dma_wait3A_1334] : memref<1000000x32xf32, #tpu.memory_space<hbm>> -> memref<1024x32xf32, #tpu.memory_space<hbm>>
    tpu.wait_dma2 semaphore(%arg9 : memref<!tpu.dma_semaphore, #tpu.memory_space<semaphore_mem>>) src(%dma_wait3A_1335 : memref<1024x32xf32, #tpu.memory_space<hbm>>) dst(%dma_wait3A_1332 : memref<1024x32xf32, #tpu.memory_space<vmem>>)
    %add3A_1336 = arith.constant 23552 : i32
    %add3A_1337 = arith.addi %mul3A_2, %add3A_1336 : i32
    %dma_start3A_1338 = arith.constant 2 : i32
    %dma_start3A_1339 = arith.constant 0 : i32
    %dma_start3A_1340 = arith.constant 0 : i32
    %dma_start3A_1341 = tpu.memref_slice %arg6[%dma_start3A_1338, %dma_start3A_1339, %dma_start3A_1340] : memref<3x1024x32xf32, #tpu.memory_space<vmem>> -> memref<1x1024x32xf32, #tpu.memory_space<vmem>>
    %dma_start3A_1342 = tpu.memref_squeeze %dma_start3A_1341 : memref<1x1024x32xf32, #tpu.memory_space<vmem>> -> memref<1024x32xf32, #tpu.memory_space<vmem>>
    %dma_start3A_1343 = arith.constant 0 : i32
    %dma_start3A_1344 = tpu.memref_slice %arg4[%add3A_1337, %dma_start3A_1343] : memref<819200x32xf32, #tpu.memory_space<hbm>> -> memref<1024x32xf32, #tpu.memory_space<hbm>>
    %dma_start3A_1345 = arith.constant 0 : i32
    %dma_start3A_1346 = tpu.memref_slice %arg4[%add3A_1337, %dma_start3A_1345] : memref<819200x32xf32, #tpu.memory_space<hbm>> -> memref<1024x32xf32, #tpu.memory_space<hbm>>
    %dma_start3A_1347 = arith.constant 0 : i32
    %dma_start3A_1348 = arith.constant 0 : i32
    %dma_start3A_1349 = tpu.memref_slice %arg6[%dma_start3A_1338, %dma_start3A_1347, %dma_start3A_1348] : memref<3x1024x32xf32, #tpu.memory_space<vmem>> -> memref<1x1024x32xf32, #tpu.memory_space<vmem>>
    %dma_start3A_1350 = tpu.memref_squeeze %dma_start3A_1349 : memref<1x1024x32xf32, #tpu.memory_space<vmem>> -> memref<1024x32xf32, #tpu.memory_space<vmem>>
    tpu.enqueue_dma source(%dma_start3A_1350 : memref<1024x32xf32, #tpu.memory_space<vmem>>) target(%dma_start3A_1346 : memref<1024x32xf32, #tpu.memory_space<hbm>>) target_semaphore(%arg12 : memref<!tpu.dma_semaphore, #tpu.memory_space<semaphore_mem>>)
    %dma_wait3A_1351 = arith.constant 0 : i32
    %dma_wait3A_1352 = arith.constant 0 : i32
    %dma_wait3A_1353 = arith.constant 0 : i32
    %dma_wait3A_1354 = tpu.memref_slice %arg6[%dma_wait3A_1351, %dma_wait3A_1352, %dma_wait3A_1353] : memref<3x1024x32xf32, #tpu.memory_space<vmem>> -> memref<1x1024x32xf32, #tpu.memory_space<vmem>>
    %dma_wait3A_1355 = tpu.memref_squeeze %dma_wait3A_1354 : memref<1x1024x32xf32, #tpu.memory_space<vmem>> -> memref<1024x32xf32, #tpu.memory_space<vmem>>
    %dma_wait3A_1356 = arith.constant 0 : i32
    %dma_wait3A_1357 = arith.constant 0 : i32
    %dma_wait3A_1358 = tpu.memref_slice %arg3[%dma_wait3A_1356, %dma_wait3A_1357] : memref<1000000x32xf32, #tpu.memory_space<hbm>> -> memref<1024x32xf32, #tpu.memory_space<hbm>>
    %dma_wait3A_1359 = arith.constant 0 : i32
    %dma_wait3A_1360 = arith.constant 0 : i32
    %dma_wait3A_1361 = tpu.memref_slice %arg6[%dma_wait3A_1351, %dma_wait3A_1359, %dma_wait3A_1360] : memref<3x1024x32xf32, #tpu.memory_space<vmem>> -> memref<1x1024x32xf32, #tpu.memory_space<vmem>>
    %dma_wait3A_1362 = tpu.memref_squeeze %dma_wait3A_1361 : memref<1x1024x32xf32, #tpu.memory_space<vmem>> -> memref<1024x32xf32, #tpu.memory_space<vmem>>
    %dma_wait3A_1363 = arith.constant 0 : i32
    %dma_wait3A_1364 = arith.constant 0 : i32
    %dma_wait3A_1365 = tpu.memref_slice %arg3[%dma_wait3A_1363, %dma_wait3A_1364] : memref<1000000x32xf32, #tpu.memory_space<hbm>> -> memref<1024x32xf32, #tpu.memory_space<hbm>>
    tpu.wait_dma2 semaphore(%arg7 : memref<!tpu.dma_semaphore, #tpu.memory_space<semaphore_mem>>) src(%dma_wait3A_1365 : memref<1024x32xf32, #tpu.memory_space<hbm>>) dst(%dma_wait3A_1362 : memref<1024x32xf32, #tpu.memory_space<vmem>>)
    %add3A_1366 = arith.constant 24576 : i32
    %add3A_1367 = arith.addi %mul3A_2, %add3A_1366 : i32
    %dma_start3A_1368 = arith.constant 0 : i32
    %dma_start3A_1369 = arith.constant 0 : i32
    %dma_start3A_1370 = arith.constant 0 : i32
    %dma_start3A_1371 = tpu.memref_slice %arg6[%dma_start3A_1368, %dma_start3A_1369, %dma_start3A_1370] : memref<3x1024x32xf32, #tpu.memory_space<vmem>> -> memref<1x1024x32xf32, #tpu.memory_space<vmem>>
    %dma_start3A_1372 = tpu.memref_squeeze %dma_start3A_1371 : memref<1x1024x32xf32, #tpu.memory_space<vmem>> -> memref<1024x32xf32, #tpu.memory_space<vmem>>
    %dma_start3A_1373 = arith.constant 0 : i32
    %dma_start3A_1374 = tpu.memref_slice %arg4[%add3A_1367, %dma_start3A_1373] : memref<819200x32xf32, #tpu.memory_space<hbm>> -> memref<1024x32xf32, #tpu.memory_space<hbm>>
    %dma_start3A_1375 = arith.constant 0 : i32
    %dma_start3A_1376 = tpu.memref_slice %arg4[%add3A_1367, %dma_start3A_1375] : memref<819200x32xf32, #tpu.memory_space<hbm>> -> memref<1024x32xf32, #tpu.memory_space<hbm>>
    %dma_start3A_1377 = arith.constant 0 : i32
    %dma_start3A_1378 = arith.constant 0 : i32
    %dma_start3A_1379 = tpu.memref_slice %arg6[%dma_start3A_1368, %dma_start3A_1377, %dma_start3A_1378] : memref<3x1024x32xf32, #tpu.memory_space<vmem>> -> memref<1x1024x32xf32, #tpu.memory_space<vmem>>
    %dma_start3A_1380 = tpu.memref_squeeze %dma_start3A_1379 : memref<1x1024x32xf32, #tpu.memory_space<vmem>> -> memref<1024x32xf32, #tpu.memory_space<vmem>>
    tpu.enqueue_dma source(%dma_start3A_1380 : memref<1024x32xf32, #tpu.memory_space<vmem>>) target(%dma_start3A_1376 : memref<1024x32xf32, #tpu.memory_space<hbm>>) target_semaphore(%arg10 : memref<!tpu.dma_semaphore, #tpu.memory_space<semaphore_mem>>)
    %dma_wait3A_1381 = arith.constant 1 : i32
    %dma_wait3A_1382 = arith.constant 0 : i32
    %dma_wait3A_1383 = arith.constant 0 : i32
    %dma_wait3A_1384 = tpu.memref_slice %arg6[%dma_wait3A_1381, %dma_wait3A_1382, %dma_wait3A_1383] : memref<3x1024x32xf32, #tpu.memory_space<vmem>> -> memref<1x1024x32xf32, #tpu.memory_space<vmem>>
    %dma_wait3A_1385 = tpu.memref_squeeze %dma_wait3A_1384 : memref<1x1024x32xf32, #tpu.memory_space<vmem>> -> memref<1024x32xf32, #tpu.memory_space<vmem>>
    %dma_wait3A_1386 = arith.constant 0 : i32
    %dma_wait3A_1387 = arith.constant 0 : i32
    %dma_wait3A_1388 = tpu.memref_slice %arg3[%dma_wait3A_1386, %dma_wait3A_1387] : memref<1000000x32xf32, #tpu.memory_space<hbm>> -> memref<1024x32xf32, #tpu.memory_space<hbm>>
    %dma_wait3A_1389 = arith.constant 0 : i32
    %dma_wait3A_1390 = arith.constant 0 : i32
    %dma_wait3A_1391 = tpu.memref_slice %arg6[%dma_wait3A_1381, %dma_wait3A_1389, %dma_wait3A_1390] : memref<3x1024x32xf32, #tpu.memory_space<vmem>> -> memref<1x1024x32xf32, #tpu.memory_space<vmem>>
    %dma_wait3A_1392 = tpu.memref_squeeze %dma_wait3A_1391 : memref<1x1024x32xf32, #tpu.memory_space<vmem>> -> memref<1024x32xf32, #tpu.memory_space<vmem>>
    %dma_wait3A_1393 = arith.constant 0 : i32
    %dma_wait3A_1394 = arith.constant 0 : i32
    %dma_wait3A_1395 = tpu.memref_slice %arg3[%dma_wait3A_1393, %dma_wait3A_1394] : memref<1000000x32xf32, #tpu.memory_space<hbm>> -> memref<1024x32xf32, #tpu.memory_space<hbm>>
    tpu.wait_dma2 semaphore(%arg11 : memref<!tpu.dma_semaphore, #tpu.memory_space<semaphore_mem>>) src(%dma_wait3A_1395 : memref<1024x32xf32, #tpu.memory_space<hbm>>) dst(%dma_wait3A_1392 : memref<1024x32xf32, #tpu.memory_space<vmem>>)
    %dma_wait3A_1396 = arith.constant 2 : i32
    %dma_wait3A_1397 = arith.constant 0 : i32
    %dma_wait3A_1398 = arith.constant 0 : i32
    %dma_wait3A_1399 = tpu.memref_slice %arg6[%dma_wait3A_1396, %dma_wait3A_1397, %dma_wait3A_1398] : memref<3x1024x32xf32, #tpu.memory_space<vmem>> -> memref<1x1024x32xf32, #tpu.memory_space<vmem>>
    %dma_wait3A_1400 = tpu.memref_squeeze %dma_wait3A_1399 : memref<1x1024x32xf32, #tpu.memory_space<vmem>> -> memref<1024x32xf32, #tpu.memory_space<vmem>>
    %dma_wait3A_1401 = arith.constant 0 : i32
    %dma_wait3A_1402 = arith.constant 0 : i32
    %dma_wait3A_1403 = tpu.memref_slice %arg3[%dma_wait3A_1401, %dma_wait3A_1402] : memref<1000000x32xf32, #tpu.memory_space<hbm>> -> memref<1024x32xf32, #tpu.memory_space<hbm>>
    %dma_wait3A_1404 = arith.constant 0 : i32
    %dma_wait3A_1405 = arith.constant 0 : i32
    %dma_wait3A_1406 = tpu.memref_slice %arg6[%dma_wait3A_1396, %dma_wait3A_1404, %dma_wait3A_1405] : memref<3x1024x32xf32, #tpu.memory_space<vmem>> -> memref<1x1024x32xf32, #tpu.memory_space<vmem>>
    %dma_wait3A_1407 = tpu.memref_squeeze %dma_wait3A_1406 : memref<1x1024x32xf32, #tpu.memory_space<vmem>> -> memref<1024x32xf32, #tpu.memory_space<vmem>>
    %dma_wait3A_1408 = arith.constant 0 : i32
    %dma_wait3A_1409 = arith.constant 0 : i32
    %dma_wait3A_1410 = tpu.memref_slice %arg3[%dma_wait3A_1408, %dma_wait3A_1409] : memref<1000000x32xf32, #tpu.memory_space<hbm>> -> memref<1024x32xf32, #tpu.memory_space<hbm>>
    tpu.wait_dma2 semaphore(%arg12 : memref<!tpu.dma_semaphore, #tpu.memory_space<semaphore_mem>>) src(%dma_wait3A_1410 : memref<1024x32xf32, #tpu.memory_space<hbm>>) dst(%dma_wait3A_1407 : memref<1024x32xf32, #tpu.memory_space<vmem>>)
    %dma_wait3A_1411 = arith.constant 0 : i32
    %dma_wait3A_1412 = arith.constant 0 : i32
    %dma_wait3A_1413 = arith.constant 0 : i32
    %dma_wait3A_1414 = tpu.memref_slice %arg6[%dma_wait3A_1411, %dma_wait3A_1412, %dma_wait3A_1413] : memref<3x1024x32xf32, #tpu.memory_space<vmem>> -> memref<1x1024x32xf32, #tpu.memory_space<vmem>>
    %dma_wait3A_1415 = tpu.memref_squeeze %dma_wait3A_1414 : memref<1x1024x32xf32, #tpu.memory_space<vmem>> -> memref<1024x32xf32, #tpu.memory_space<vmem>>
    %dma_wait3A_1416 = arith.constant 0 : i32
    %dma_wait3A_1417 = arith.constant 0 : i32
    %dma_wait3A_1418 = tpu.memref_slice %arg3[%dma_wait3A_1416, %dma_wait3A_1417] : memref<1000000x32xf32, #tpu.memory_space<hbm>> -> memref<1024x32xf32, #tpu.memory_space<hbm>>
    %dma_wait3A_1419 = arith.constant 0 : i32
    %dma_wait3A_1420 = arith.constant 0 : i32
    %dma_wait3A_1421 = tpu.memref_slice %arg6[%dma_wait3A_1411, %dma_wait3A_1419, %dma_wait3A_1420] : memref<3x1024x32xf32, #tpu.memory_space<vmem>> -> memref<1x1024x32xf32, #tpu.memory_space<vmem>>
    %dma_wait3A_1422 = tpu.memref_squeeze %dma_wait3A_1421 : memref<1x1024x32xf32, #tpu.memory_space<vmem>> -> memref<1024x32xf32, #tpu.memory_space<vmem>>
    %dma_wait3A_1423 = arith.constant 0 : i32
    %dma_wait3A_1424 = arith.constant 0 : i32
    %dma_wait3A_1425 = tpu.memref_slice %arg3[%dma_wait3A_1423, %dma_wait3A_1424] : memref<1000000x32xf32, #tpu.memory_space<hbm>> -> memref<1024x32xf32, #tpu.memory_space<hbm>>
    tpu.wait_dma2 semaphore(%arg10 : memref<!tpu.dma_semaphore, #tpu.memory_space<semaphore_mem>>) src(%dma_wait3A_1425 : memref<1024x32xf32, #tpu.memory_space<hbm>>) dst(%dma_wait3A_1422 : memref<1024x32xf32, #tpu.memory_space<vmem>>)
    return
  }
}

</mosaic_0001>

<sc_bundles>
// kernel: kernel.3.cloned.1.call-start
scs
__scs_entry_jumppad:
0x0: {  	(pc) =	sbr.rel $0x88, $3  }
0x1: {  	(tag) =	ssettag $0x0;
	lr =	simm.s32 $0x1  }
0x2: {  	[smem:$0x3F9F] =	sst lr;
	_ =	strace $0xD0000000  }
0x3: {  	_ = 	snop  }
0x4: {  	_ = 	snop  }
0x5: {  	_ = 	snop  }
0x6: {  	_ = 	snop  }
0x7: {  	_ = 	snop  }
__scs_overlays_trampoline_lowered:
0x8: {  	[smem:$0x3FAE] =	sst s0  }
0x9: {  	[smem:$0x3FAF] =	sst s1  }
0xa: {  	[smem:$0x3FB0] =	sst s2  }
0xb: {  	[smem:$0x3FB1] =	sst s3  }
0xc: {  	[smem:$0x3FB2] =	sst s4  }
0xd: {  	[smem:$0x3FB3] =	sst s5  }
0xe: {  	[smem:$0x3FB4] =	sst s6  }
0xf: {  	[smem:$0x3FB5] =	sst s7  }
0x10: {  	[smem:$0x3FB6] =	sst s8  }
0x11: {  	[smem:$0x3FB7] =	sst s9;
	s0 =	simm.s32 @!p0 $0x0  }
0x12: {  	s1 =	sld [smem:$0x3F9D];
	s0 =	simm.s32 @p0 $0x1  }
0x13: {  	[smem:$0x3FB8] =	sst s0;
	s0 =	simm.s32 @!p1 $0x0  }
0x14: {  	s2 =	sld [smem:$0x3F9C];
	s0 =	simm.s32 @p1 $0x1  }
0x15: {  	[smem:$0x3FB9] =	sst s0;
	s0 =	simm.s32 @!p2 $0x0  }
0x16: {  	s3 =	sld [smem:$0x3FDB];
	s0 =	simm.s32 @p2 $0x1  }
0x17: {  	s4 =	simm.s32 $0x1BF5;
	[smem:$0x3FBB] =	sst s0  }
0x18: {  	s0 =	sld [smem:$0x3F9E];
	_ =	swait.ge [sflag:s4], $0x0  }
0x19: {  	s7 =	sld [smem:$0x3F9F]  }
0x1a: {  	s8 =	sadd.s32 $0xFFFFE003, lr  }
0x1b: {  	s9 =	sadd.s32 $0xFFFFFEF7, lr;
	s5 =	simm.s32 $0xFFFFFFFF;
	p2 =	slt.u32 s8, $0xFFFFF086  }
0x1c: {  	p1 =	slt.u32 s9, $0xF7A;
	s5 =	simm.s32 @!p2 $0x0  }
0x1d: {  	s5 =	simm.s32 @p1 $0x1;
	p0 =	seq.s32 s7, s2  }
0x1e: {  	s7 =	smul.u32 @!p0 $0xF7A, s2;
	p2 =	seq.s32 @!p0 s5, $0x0  }
0x1f: {  	s9 =	smul.u32 $0xF7A, s1;
	s8 =	simm.s32 @!p0 $0x1BF5;
	p2 =	por !p2, p0  }
0x20: {  	[sflag:s8] =	ssyncset.s32 @!p0 $0xFFFFF086;
	s6 =	sadd.s32 @!p0 s3, s7;
	s7 =	simm.s32 @!p0 $0x108  }
0x21: {  	s3 =	sadd.s32 s3, s9;
	s6 =	sadd.s32 @!p0 $0x88, s6;
	s7 =	simm.s32 @p2 $0x1082  }
0x22: {  	[simem:s7], [sflag:s8] =	dma.local @!p0 [hbm:s6], $0xF7A  }
0x23: {  	s9 =	sor.u32 $0xD0000000, s2;
	s6 =	simm.s32 $0x108;
	_ =	swait.ge @!p0 [sflag:s8], $0x0  }
0x24: {  	s3 =	sadd.s32 $0x88, s3;
	s6 =	simm.s32 @!p1 $0x1082;
	[sflag:s4] =	ssyncset.s32 $0xFFFFF086  }
0x25: {  	[simem:s6], [sflag:s4] =	dma.local [hbm:s3], $0xF7A  }
0x26: {  	[smem:$0x3F9F] =	sst s1;
	(tag) =	ssettag s2;
	_ =	strace s9  }
0x27: {  	s1 =	sld [smem:$0x3FAF]  }
0x28: {  	s2 =	sld [smem:$0x3FB0]  }
0x29: {  	s4 =	sld [smem:$0x3FB2]  }
0x2a: {  	p0 =	seq.s32 s5, $0x0;
	s5 =	sld [smem:$0x3FB3]  }
0x2b: {  	s6 =	sld [smem:$0x3FB4]  }
0x2c: {  	s7 =	sld [smem:$0x3FB5]  }
0x2d: {  	s3 =	simm.s32 $0x108;
	s8 =	sld [smem:$0x3FB6]  }
0x2e: {  	s3 =	simm.s32 @!p0 $0x1082;
	s9 =	sld [smem:$0x3FB7]  }
0x2f: {  	lr =	sadd.s32 s0, s3;
	s0 =	sld [smem:$0x3FAE]  }
0x30: {  	s3 =	sld [smem:$0x3FB1]  }
0x31: {  	[smem:$0x3FBA] =	sst s10  }
0x32: {  	s10 =	sld [smem:$0x3FB8];
	_ =	sdelay $0x3  }
0x33: {  	p0 =	seq.s32 s10, $0x1;
	s10 =	sld [smem:$0x3FBA];
	_ =	sdelay $0x3  }
0x34: {  	[smem:$0x3FBA] =	sst s10  }
0x35: {  	s10 =	sld [smem:$0x3FB9];
	_ =	sdelay $0x3  }
0x36: {  	p1 =	seq.s32 s10, $0x1;
	s10 =	sld [smem:$0x3FBA];
	_ =	sdelay $0x3  }
0x37: {  	[smem:$0x3FBA] =	sst s10  }
0x38: {  	s10 =	sld [smem:$0x3FBB]  }
0x39: {  	_ = 	snop;
	(pc) =	sbr.ind lr, $3  }
0x3a: {  	_ = 	snop  }
0x3b: {  	_ = 	snop  }
0x3c: {  	p2 =	seq.s32 s10, $0x1;
	s10 =	sld [smem:$0x3FBA]  }
0x3d: {  	_ =	shalt  }
0x3e: {  	_ =	shalt  }
0x3f: {  	_ =	shalt  }
0x40: {  	_ =	shalt  }
0x41: {  	_ =	shalt  }
0x42: {  	_ =	shalt  }
0x43: {  	_ =	shalt  }
0x44: {  	_ =	shalt  }
0x45: {  	_ =	shalt  }
0x46: {  	_ =	shalt  }
0x47: {  	_ =	shalt  }
0x48: {  	_ =	shalt  }
0x49: {  	_ =	shalt  }
0x4a: {  	_ =	shalt  }
0x4b: {  	_ =	shalt  }
0x4c: {  	_ =	shalt  }
0x4d: {  	_ =	shalt  }
0x4e: {  	_ =	shalt  }
0x4f: {  	_ =	shalt  }
0x50: {  	_ =	shalt  }
0x51: {  	_ =	shalt  }
0x52: {  	_ =	shalt  }
0x53: {  	_ =	shalt  }
0x54: {  	_ =	shalt  }
0x55: {  	_ =	shalt  }
0x56: {  	_ =	shalt  }
0x57: {  	_ =	shalt  }
0x58: {  	_ =	shalt  }
0x59: {  	_ =	shalt  }
0x5a: {  	_ =	shalt  }
0x5b: {  	_ =	shalt  }
0x5c: {  	_ =	shalt  }
0x5d: {  	_ =	shalt  }
0x5e: {  	_ =	shalt  }
0x5f: {  	_ =	shalt  }
0x60: {  	_ =	shalt  }
0x61: {  	_ =	shalt  }
0x62: {  	_ =	shalt  }
0x63: {  	_ =	shalt  }
0x64: {  	_ =	shalt  }
0x65: {  	_ =	shalt  }
0x66: {  	_ =	shalt  }
0x67: {  	_ =	shalt  }
0x68: {  	_ =	shalt  }
0x69: {  	_ =	shalt  }
0x6a: {  	_ =	shalt  }
0x6b: {  	_ =	shalt  }
0x6c: {  	_ =	shalt  }
0x6d: {  	_ =	shalt  }
0x6e: {  	_ =	shalt  }
0x6f: {  	_ =	shalt  }
0x70: {  	_ =	shalt  }
0x71: {  	_ =	shalt  }
0x72: {  	_ =	shalt  }
0x73: {  	_ =	shalt  }
0x74: {  	_ =	shalt  }
0x75: {  	_ =	shalt  }
0x76: {  	_ =	shalt  }
0x77: {  	_ =	shalt  }
0x78: {  	_ =	shalt  }
0x79: {  	_ =	shalt  }
0x7a: {  	_ =	shalt  }
0x7b: {  	_ =	shalt  }
0x7c: {  	_ =	shalt  }
0x7d: {  	_ =	shalt  }
0x7e: {  	_ =	shalt  }
0x7f: {  	_ =	shalt  }
0x80: {  	_ =	shalt  }
0x81: {  	_ =	shalt  }
0x82: {  	_ =	shalt  }
0x83: {  	_ =	shalt  }
0x84: {  	_ =	shalt  }
0x85: {  	_ =	shalt  }
0x86: {  	_ =	shalt  }
0x87: {  	_ =	shalt  }
.Lfunc_end0:
.L_simem_size_0:
called_computation.2_lowered:
.L_overlay_start_0:
0x88: {  	s2 =	sld [smem:$0x3FD9]  }
0x89: {  	s3 =	sld [smem:$0x3FFE];
	_ =	sdelay $0x1  }
0x8a: {  	s1 =	srdreg.scid  }
0x8b: {  	s0 =	sand.u32 $0x1, s1  }
0x8c: {  	s17 =	sshll.u32 s0, $0xA;
	s2 =	sadd.s32 s3, s2  }
0x8d: {  	s2 =	sadd.s32 s2, s17  }
0x8e: {  	[smem:$0x3FC6] =	sst s2  }
0x8f: {  	_ = 	snop  }
0x90: {  	s2 =	sld [smem:$0x3FD0];
	(tm) =	ssettm $0x1  }
0x91: {  	s18 =	sld [smem:$0x3FFB];
	_ =	sdelay $0x3  }
0x92: {  	_ =	strace s18  }
0x93: {  	s3 =	sld [smem:$0x3FFC];
	_ =	sdelay $0x3  }
0x94: {  	_ =	strace s3  }
0x95: {  	s3 =	sld [smem:$0x3FFD];
	_ =	sdelay $0x3  }
0x96: {  	_ =	strace s3  }
0x97: {  	_ =	strace $0x8FFFFFFF  }
0x98: {  	s19 =	sld [smem:$0x3FDB];
	_ =	sdelay $0x1  }
0x99: {  	s4 =	simm.s32 $_scs_section_size  }
0x9a: {  	s5 =	simm.s32 $_size__tile_overlayer_lowered;
	s6 =	simm.s32 $_tile_overlayer_lowered  }
0x9b: {  	s22 =	simm.s32 $0x1BFF;
	s21 =	sshll.u32 s6, $0x1;
	s3 =	sadd.s32 s4, s19  }
0x9c: {  	s7 =	simm.s32 $0x0;
	s20 =	sshll.u32 s5, $0x1;
	s5 =	sadd.s32 s21, s3  }
0x9d: {  	[timem:s7], [sflag:s22] =	dma.local [hbm:s5], s20  }
0x9e: {  	_ =	swait.ge [sflag:s22], s20  }
0x9f: {  	s4 =	ssub.s32 $0x0, s20;
	[sflag:s22] =	ssyncset.done $0x0  }
0xa0: {  	[sflag:s22] =	ssyncadd.s32 s4;
	_ =	sdelay $0x1  }
0xa1: {  	s23 =	simm.s32 $0x1B8B  }
0xa2: {  	_ =	swait.ge [sflag:s23], $0x1  }
0xa3: {  	[sflag:s23] =	ssyncset.done $0x0  }
0xa4: {  	s25 =	simm.s32 $0x1B8E;
	s24 =	sld [smem:$0x3FFE];
	[sflag:s23] =	ssyncadd.s32 $0xFFFFFFFF  }
0xa5: {  	s26 =	simm.s32 $execute0_lowered;
	[smem:$0x3FD2] =	sst s25  }
0xa6: {  	s5 =	sshll.u32 s26, $0x1;
	_ =	strace $0x80000046;
	[dreg:$0x1] =	wrdreg $0xFFFFFFFF  }
0xa7: {  	s28 =	simm.s32 $_size_execute0_lowered;
	s3 =	sadd.s32 s3, s5;
	[dreg:$0x0] =	wrdreg $0x0  }
0xa8: {  	s5 =	sshll.u32 s28, $0x1;
	[dreg:$0x2] =	wrdreg s3  }
0xa9: {  	[dreg:$0x3] =	wrdreg s5  }
0xaa: {  	[dreg:$0x4] =	wrdreg $0xC0  }
0xab: {  	_ =	task [dreg:s7], $0x5FFFF  }
0xac: {  	[dreg:$0x1] =	wrdreg $0xFFFFFFFF  }
0xad: {  	[dreg:$0x0] =	wrdreg $0x60  }
0xae: {  	[dreg:$0x2] =	wrdreg s24  }
0xaf: {  	[dreg:$0x3] =	wrdreg s2  }
0xb0: {  	[dreg:$0x4] =	wrdreg $0x9  }
0xb1: {  	_ =	task.clear_ibuf [dreg:s7], $0x5FFFF;
	_ =	strace $0x90000046  }
0xb2: {  	s29 =	simm.s32 $0x9;
	_ =	strace $0x80000048  }
0xb3: {  	_ =	swait.ge [sflag:s29], $0x1  }
0xb4: {  	[sflag:s29] =	ssyncadd.s32 $0xFFFFFFFF  }
0xb5: {  	_ =	strace $0x90000048  }
0xb6: {  	_ =	sfence  }
0xb7: {  	s30 =	sld [smem:$0x0];
	_ =	sdelay $0x2  }
0xb8: {  	s31 =	sshll.u32 s1, $0xD;
	s1 =	sshrl.u32 s1, $0x2  }
0xb9: {  	s3 =	sand.u32 $0x4000, s31;
	s1 =	sadd.s32 s1, s30  }
0xba: {  	s0 =	sor.u32 s3, s0;
	s1 =	sshll.u32 s1, $0x11  }
0xbb: {  	s0 =	sor.u32 s1, s0  }
0xbc: {  	s0 =	sadd.s32 $0x8F2B, s0  }
0xbd: {  	[sflag:s0] =	ssyncadd.remote.s32 $0x1  }
0xbe: {  	_ =	sfence.sel $0xFFFF  }
0xbf: {  	[dreg:$0x0] =	wrdreg $0xFFFFFFFF;
	(pc) =	sbr.abs _section_cstart, $3  }
0xc0: {  	[dreg:$0x1] =	wrdreg $0xFFFFFFFF  }
0xc1: {  	_ =	task.clear_ibuf [dreg:s7], $0x2FFFF;
	_ =	strace $0x9FFFFFFF  }
0xc2: {  	(tm) =	ssettm $0x7FFFFFFF  }
0xc3: {  	_ =	shalt  }
tec
execute0_lowered:
.L_overlay_start_1:
0x0: {  	(tag) =	ssettag $0x1  }
0x1: {  	s0 =	srdreg.scid;
	s1 =	stileid.u32  }
0x2: {  	s0 =	sand.u32 $0x1, s0;
	s2 =	sshll.u32 s1, $0x1  }
0x3: {  	s3 =	sor.u32 s0, s2  }
0x4: {  	s5 =	smul.u32 $0xC80, s3  }
0x5: {  	s4 =	rddreg [dreg:$0x1];
	s2 =	simm.s32 $0x0;
	s6 =	smul.u32 $0xC8000, s3  }
0x6: {  	[smem:$0x7FF] =	sst s2;
	s3 =	smul.u32 $0x19000, s3  }
0x7: {  	s1 =	rddreg [dreg:$0x0];
	_ =	strace $0x80000047  }
0x8: {  	s5 =	sadd.s32 s5, s1;
	s6 =	sshrl.u32 s6, $0x3;
	s3 =	sadd.s32 s4, s3  }
0x9: {  	s5 =	sadd.s32 $0xE00, s5;
	s4 =	sadd.s32 s4, s6;
	[dreg:$0x4] =	wrdreg s3  }
0xa: {  	[dreg:$0x3] =	wrdreg s5;
	s17 =	sadd.s32 $0x1000, s4  }
0xb: {  	s18 =	sadd.s32 $0x2000, s4;
	[dreg:$0x5] =	wrdreg s17  }
0xc: {  	s19 =	sadd.s32 $0x3000, s4;
	[dreg:$0x6] =	wrdreg s18  }
0xd: {  	s20 =	sadd.s32 $0x4000, s4;
	[dreg:$0x7] =	wrdreg s19  }
0xe: {  	s21 =	sadd.s32 $0x5000, s4;
	[dreg:$0x8] =	wrdreg s20  }
0xf: {  	s22 =	sadd.s32 $0x6000, s4;
	[dreg:$0x9] =	wrdreg s21  }
0x10: {  	s23 =	sadd.s32 $0x7000, s4;
	[dreg:$0xa] =	wrdreg s22  }
0x11: {  	s24 =	sadd.s32 $0x8000, s4;
	[dreg:$0xb] =	wrdreg s23  }
0x12: {  	s25 =	sadd.s32 $0x9000, s4;
	[dreg:$0xc] =	wrdreg s24  }
0x13: {  	s26 =	sadd.s32 $0xA000, s4;
	[dreg:$0xd] =	wrdreg s25  }
0x14: {  	s5 =	sadd.s32 $0xB000, s4;
	[dreg:$0xe] =	wrdreg s26  }
0x15: {  	s6 =	sadd.s32 $0xC000, s4;
	[dreg:$0xf] =	wrdreg s5  }
0x16: {  	s7 =	sadd.s32 $0xD000, s4;
	[dreg:$0x10] =	wrdreg s6  }
0x17: {  	s8 =	sadd.s32 $0xE000, s4;
	[dreg:$0x11] =	wrdreg s7  }
0x18: {  	s31 =	simm.s32 $0x7;
	s9 =	sadd.s32 $0xF000, s4;
	[dreg:$0x12] =	wrdreg s8  }
0x19: {  	s30 =	simm.s32 $0x2400;
	s10 =	sadd.s32 $0x10000, s4;
	[dreg:$0x13] =	wrdreg s9  }
0x1a: {  	s29 =	simm.s32 $0x2800;
	s11 =	sadd.s32 $0x11000, s4;
	[dreg:$0x14] =	wrdreg s10  }
0x1b: {  	s28 =	simm.s32 $0x2C00;
	s12 =	sadd.s32 $0x12000, s4;
	[dreg:$0x15] =	wrdreg s11  }
0x1c: {  	p0 =	por $0x0, $0x0;
	s13 =	sadd.s32 $0x13000, s4;
	[dreg:$0x16] =	wrdreg s12  }
0x1d: {  	s0 =	ssub.s32 $0x2, s0;
	s14 =	sadd.s32 $0x14000, s4;
	[dreg:$0x17] =	wrdreg s13  }
0x1e: {  	s3 =	simm.s32 $0x4;
	s15 =	sadd.s32 $0x15000, s4;
	[dreg:$0x18] =	wrdreg s14  }
0x1f: {  	s16 =	sadd.s32 $0x16000, s4;
	[dreg:$0x19] =	wrdreg s15;
	s17 =	sshrl.u32 s0, $0x1  }
0x20: {  	[dreg:$0x1a] =	wrdreg s16;
	s18 =	sadd.s32 $0x17000, s4;
	s19 =	sadd.s32 $0x18000, s4  }
0x21: {  	s7 =	sadd.s32 $0xF43200, s1;
	s11 =	simm.s32 $0x400;
	s20 =	simm.s32 $0x800  }
0x22: {  	s4 =	simm.s32 $0x6400;
	s9 =	simm.s32 $0xE400;
	s6 =	simm.s32 $0x16400  }
0x23: {  	s5 =	simm.s32 $0x1;
	s21 =	simm.s32 $0xC00;
	[dreg:$0x1b] =	wrdreg s18  }
0x24: {  	s22 =	simm.s32 $0x1000;
	s12 =	simm.s32 $0x2;
	[dreg:$0x1c] =	wrdreg s19  }
0x25: {  	s23 =	simm.s32 $0x1400;
	s8 =	simm.s32 $0x5;
	[dreg:$0x1d] =	wrdreg s20  }
0x26: {  	s24 =	simm.s32 $0x1800;
	s13 =	simm.s32 $0x3;
	[dreg:$0x1e] =	wrdreg s21  }
0x27: {  	s25 =	simm.s32 $0x1C00;
	s10 =	simm.s32 $0x6;
	[dreg:$0x1f] =	wrdreg s22  }
0x28: {  	s26 =	simm.s32 $0x2000;
	s0 =	ssub.s32 s0, s17;
	[smem:$0x7FA] =	sst s23  }
0x29: {  	s16 =	simm.s32 $0x5800;
	[smem:$0x7FB] =	sst s24;
	s0 =	smax.u32 s0, $0x1  }
0x2a: {  	s15 =	simm.s32 $0x5C00;
	[smem:$0x7FC] =	sst s25;
	p1 =	sne.s32 s0, $0x1  }
.Ltmp0:
0x2b: {  	s14 =	simm.s32 $0x6000;
	[smem:$0x7FD] =	sst s26;
	(pc) =	sbr.rel @!p1 .LBB2_3-.Ltmp0, $4  }
0x2c: {  	s26 =	simm.s32 $0x3000;
	s25 =	simm.s32 $0x3400;
	s24 =	simm.s32 $0x3800  }
0x2d: {  	s23 =	simm.s32 $0x3C00;
	s22 =	simm.s32 $0x4000;
	s21 =	simm.s32 $0x4400  }
0x2e: {  	s20 =	simm.s32 $0x4800;
	s19 =	simm.s32 $0x4C00;
	s18 =	simm.s32 $0x5000  }
0x2f: {  	s17 =	simm.s32 $0x5400;
	s1 =	sadd.s32 $0xFFFFFFFF, s0;
	s0 =	rddreg [dreg:$0x3]  }
0x30: {  	[tilespmem:s2], [sflag:$0x7] =	stream.linear.gather [hbm4b:s0+s2], $0x6400, $0x38;
	[tilespmem:$0x1E400] =	vst v63  }
0x31: {  	_ =	swait.ge [sflag:s31], $0x6400  }
0x32: {  	[sflag:s31] =	ssyncset.done $0x0  }
0x33: {  	[sflag:s31] =	ssyncadd.s32 $0xFFFF9C00  }
0x34: {  	[tilespmem:s4], [sflag:$0x1] =	stream.indirect.gather [hbm4b:s7+s11], $0x20, s2, s11, $0xb8;
	[tilespmem:$0x1E400] =	vst v63  }
0x35: {  	_ = 	snop  }
0x36: {  	[tilespmem:s9], [sflag:$0x2] =	stream.indirect.gather [hbm4b:s7+s11], $0x20, s11, s11, $0xb8;
	[tilespmem:$0x1E400] =	vst v63  }
0x37: {  	s0 =	rddreg [dreg:$0x1d]  }
0x38: {  	[tilespmem:s6], [sflag:$0x3] =	stream.indirect.gather [hbm4b:s7+s11], $0x20, s0, s11, $0xb8;
	[tilespmem:$0x1E400] =	vst v63  }
0x39: {  	_ =	swait.ge [sflag:s5], $0x8000  }
0x3a: {  	[sflag:s5] =	ssyncset.done $0x0  }
0x3b: {  	s0 =	rddreg [dreg:$0x4];
	[sflag:s5] =	ssyncadd.s32 $0xFFFF8000  }
0x3c: {  	[hbm4b:s0+s2] =	stream.linear.scatter [tilespmem:s4], [sflag:$0x4], $0x8000, $0x38;
	[tilespmem:$0x1E400] =	vst v63  }
0x3d: {  	_ =	swait.ge [sflag:s3], $0x8000  }
0x3e: {  	[sflag:s3] =	ssyncset.done $0x0  }
0x3f: {  	s0 =	rddreg [dreg:$0x1e];
	[sflag:s3] =	ssyncadd.s32 $0xFFFF8000  }
0x40: {  	[tilespmem:s4], [sflag:$0x1] =	stream.indirect.gather [hbm4b:s7+s11], $0x20, s0, s11, $0xb8;
	[tilespmem:$0x1E400] =	vst v63  }
0x41: {  	_ =	swait.ge [sflag:s12], $0x8000  }
0x42: {  	[sflag:s12] =	ssyncset.done $0x0  }
0x43: {  	s0 =	rddreg [dreg:$0x5];
	[sflag:s12] =	ssyncadd.s32 $0xFFFF8000  }
0x44: {  	[hbm4b:s0+s2] =	stream.linear.scatter [tilespmem:s9], [sflag:$0x5], $0x8000, $0x38;
	[tilespmem:$0x1E400] =	vst v63  }
0x45: {  	_ =	swait.ge [sflag:s8], $0x8000  }
0x46: {  	[sflag:s8] =	ssyncset.done $0x0  }
0x47: {  	s0 =	rddreg [dreg:$0x1f];
	[sflag:s8] =	ssyncadd.s32 $0xFFFF8000  }
0x48: {  	[tilespmem:s9], [sflag:$0x2] =	stream.indirect.gather [hbm4b:s7+s11], $0x20, s0, s11, $0xb8;
	[tilespmem:$0x1E400] =	vst v63  }
0x49: {  	_ =	swait.ge [sflag:s13], $0x8000  }
0x4a: {  	[sflag:s13] =	ssyncset.done $0x0  }
0x4b: {  	s0 =	rddreg [dreg:$0x6];
	[sflag:s13] =	ssyncadd.s32 $0xFFFF8000  }
0x4c: {  	[hbm4b:s0+s2] =	stream.linear.scatter [tilespmem:s6], [sflag:$0x6], $0x8000, $0x38;
	[tilespmem:$0x1E400] =	vst v63  }
0x4d: {  	_ =	swait.ge [sflag:s10], $0x8000  }
0x4e: {  	s0 =	sld [smem:$0x7FA]  }
0x4f: {  	[sflag:s10] =	ssyncset.done $0x0  }
0x50: {  	[sflag:s10] =	ssyncadd.s32 $0xFFFF8000  }
0x51: {  	[tilespmem:s6], [sflag:$0x3] =	stream.indirect.gather [hbm4b:s7+s11], $0x20, s0, s11, $0xb8;
	[tilespmem:$0x1E400] =	vst v63  }
0x52: {  	_ =	swait.ge [sflag:s5], $0x8000  }
0x53: {  	[sflag:s5] =	ssyncset.done $0x0  }
0x54: {  	s0 =	rddreg [dreg:$0x7];
	[sflag:s5] =	ssyncadd.s32 $0xFFFF8000  }
0x55: {  	[hbm4b:s0+s2] =	stream.linear.scatter [tilespmem:s4], [sflag:$0x4], $0x8000, $0x38;
	[tilespmem:$0x1E400] =	vst v63  }
0x56: {  	_ =	swait.ge [sflag:s3], $0x8000  }
0x57: {  	s0 =	sld [smem:$0x7FB]  }
0x58: {  	[sflag:s3] =	ssyncset.done $0x0  }
0x59: {  	[sflag:s3] =	ssyncadd.s32 $0xFFFF8000  }
0x5a: {  	[tilespmem:s4], [sflag:$0x1] =	stream.indirect.gather [hbm4b:s7+s11], $0x20, s0, s11, $0xb8;
	[tilespmem:$0x1E400] =	vst v63  }
0x5b: {  	_ =	swait.ge [sflag:s12], $0x8000  }
0x5c: {  	[sflag:s12] =	ssyncset.done $0x0  }
0x5d: {  	s0 =	rddreg [dreg:$0x8];
	[sflag:s12] =	ssyncadd.s32 $0xFFFF8000  }
0x5e: {  	[hbm4b:s0+s2] =	stream.linear.scatter [tilespmem:s9], [sflag:$0x5], $0x8000, $0x38;
	[tilespmem:$0x1E400] =	vst v63  }
0x5f: {  	_ =	swait.ge [sflag:s8], $0x8000  }
0x60: {  	s0 =	sld [smem:$0x7FC]  }
0x61: {  	[sflag:s8] =	ssyncset.done $0x0  }
0x62: {  	[sflag:s8] =	ssyncadd.s32 $0xFFFF8000  }
0x63: {  	[tilespmem:s9], [sflag:$0x2] =	stream.indirect.gather [hbm4b:s7+s11], $0x20, s0, s11, $0xb8;
	[tilespmem:$0x1E400] =	vst v63  }
0x64: {  	_ =	swait.ge [sflag:s13], $0x8000  }
0x65: {  	[sflag:s13] =	ssyncset.done $0x0  }
0x66: {  	s0 =	rddreg [dreg:$0x9];
	[sflag:s13] =	ssyncadd.s32 $0xFFFF8000  }
0x67: {  	[hbm4b:s0+s2] =	stream.linear.scatter [tilespmem:s6], [sflag:$0x6], $0x8000, $0x38;
	[tilespmem:$0x1E400] =	vst v63  }
0x68: {  	_ =	swait.ge [sflag:s10], $0x8000  }
0x69: {  	s0 =	sld [smem:$0x7FD]  }
0x6a: {  	[sflag:s10] =	ssyncset.done $0x0  }
0x6b: {  	[sflag:s10] =	ssyncadd.s32 $0xFFFF8000  }
0x6c: {  	[tilespmem:s6], [sflag:$0x3] =	stream.indirect.gather [hbm4b:s7+s11], $0x20, s0, s11, $0xb8;
	[tilespmem:$0x1E400] =	vst v63  }
0x6d: {  	_ =	swait.ge [sflag:s5], $0x8000  }
0x6e: {  	[sflag:s5] =	ssyncset.done $0x0  }
0x6f: {  	s0 =	rddreg [dreg:$0xa];
	[sflag:s5] =	ssyncadd.s32 $0xFFFF8000  }
0x70: {  	[hbm4b:s0+s2] =	stream.linear.scatter [tilespmem:s4], [sflag:$0x4], $0x8000, $0x38;
	[tilespmem:$0x1E400] =	vst v63  }
0x71: {  	_ =	swait.ge [sflag:s3], $0x8000  }
0x72: {  	[sflag:s3] =	ssyncset.done $0x0  }
0x73: {  	[sflag:s3] =	ssyncadd.s32 $0xFFFF8000  }
0x74: {  	[tilespmem:s4], [sflag:$0x1] =	stream.indirect.gather [hbm4b:s7+s11], $0x20, s30, s11, $0xb8;
	[tilespmem:$0x1E400] =	vst v63  }
0x75: {  	_ =	swait.ge [sflag:s12], $0x8000  }
0x76: {  	[sflag:s12] =	ssyncset.done $0x0  }
0x77: {  	s0 =	rddreg [dreg:$0xb];
	[sflag:s12] =	ssyncadd.s32 $0xFFFF8000  }
0x78: {  	[hbm4b:s0+s2] =	stream.linear.scatter [tilespmem:s9], [sflag:$0x5], $0x8000, $0x38;
	[tilespmem:$0x1E400] =	vst v63  }
0x79: {  	_ =	swait.ge [sflag:s8], $0x8000  }
0x7a: {  	[sflag:s8] =	ssyncset.done $0x0  }
0x7b: {  	[sflag:s8] =	ssyncadd.s32 $0xFFFF8000  }
0x7c: {  	[tilespmem:s9], [sflag:$0x2] =	stream.indirect.gather [hbm4b:s7+s11], $0x20, s29, s11, $0xb8;
	[tilespmem:$0x1E400] =	vst v63  }
0x7d: {  	_ =	swait.ge [sflag:s13], $0x8000  }
0x7e: {  	[sflag:s13] =	ssyncset.done $0x0  }
0x7f: {  	s0 =	rddreg [dreg:$0xc];
	[sflag:s13] =	ssyncadd.s32 $0xFFFF8000  }
0x80: {  	[hbm4b:s0+s2] =	stream.linear.scatter [tilespmem:s6], [sflag:$0x6], $0x8000, $0x38;
	[tilespmem:$0x1E400] =	vst v63  }
0x81: {  	_ =	swait.ge [sflag:s10], $0x8000  }
0x82: {  	[sflag:s10] =	ssyncset.done $0x0  }
0x83: {  	[sflag:s10] =	ssyncadd.s32 $0xFFFF8000  }
0x84: {  	[tilespmem:s6], [sflag:$0x3] =	stream.indirect.gather [hbm4b:s7+s11], $0x20, s28, s11, $0xb8;
	[tilespmem:$0x1E400] =	vst v63  }
0x85: {  	_ =	swait.ge [sflag:s5], $0x8000  }
0x86: {  	[sflag:s5] =	ssyncset.done $0x0  }
0x87: {  	s0 =	rddreg [dreg:$0xd];
	[sflag:s5] =	ssyncadd.s32 $0xFFFF8000  }
0x88: {  	[hbm4b:s0+s2] =	stream.linear.scatter [tilespmem:s4], [sflag:$0x4], $0x8000, $0x38;
	[tilespmem:$0x1E400] =	vst v63  }
0x89: {  	_ =	swait.ge [sflag:s3], $0x8000  }
0x8a: {  	[sflag:s3] =	ssyncset.done $0x0  }
0x8b: {  	[sflag:s3] =	ssyncadd.s32 $0xFFFF8000  }
0x8c: {  	[tilespmem:s4], [sflag:$0x1] =	stream.indirect.gather [hbm4b:s7+s11], $0x20, s26, s11, $0xb8;
	[tilespmem:$0x1E400] =	vst v63  }
0x8d: {  	_ =	swait.ge [sflag:s12], $0x8000  }
0x8e: {  	[sflag:s12] =	ssyncset.done $0x0  }
0x8f: {  	s0 =	rddreg [dreg:$0xe];
	[sflag:s12] =	ssyncadd.s32 $0xFFFF8000  }
0x90: {  	[hbm4b:s0+s2] =	stream.linear.scatter [tilespmem:s9], [sflag:$0x5], $0x8000, $0x38;
	[tilespmem:$0x1E400] =	vst v63  }
0x91: {  	_ =	swait.ge [sflag:s8], $0x8000  }
0x92: {  	[sflag:s8] =	ssyncset.done $0x0  }
0x93: {  	[sflag:s8] =	ssyncadd.s32 $0xFFFF8000  }
0x94: {  	[tilespmem:s9], [sflag:$0x2] =	stream.indirect.gather [hbm4b:s7+s11], $0x20, s25, s11, $0xb8;
	[tilespmem:$0x1E400] =	vst v63  }
0x95: {  	_ =	swait.ge [sflag:s13], $0x8000  }
0x96: {  	[sflag:s13] =	ssyncset.done $0x0  }
0x97: {  	s0 =	rddreg [dreg:$0xf];
	[sflag:s13] =	ssyncadd.s32 $0xFFFF8000  }
0x98: {  	[hbm4b:s0+s2] =	stream.linear.scatter [tilespmem:s6], [sflag:$0x6], $0x8000, $0x38;
	[tilespmem:$0x1E400] =	vst v63  }
0x99: {  	_ =	swait.ge [sflag:s10], $0x8000  }
0x9a: {  	[sflag:s10] =	ssyncset.done $0x0  }
0x9b: {  	[sflag:s10] =	ssyncadd.s32 $0xFFFF8000  }
0x9c: {  	[tilespmem:s6], [sflag:$0x3] =	stream.indirect.gather [hbm4b:s7+s11], $0x20, s24, s11, $0xb8;
	[tilespmem:$0x1E400] =	vst v63  }
0x9d: {  	_ =	swait.ge [sflag:s5], $0x8000  }
0x9e: {  	[sflag:s5] =	ssyncset.done $0x0  }
0x9f: {  	s0 =	rddreg [dreg:$0x10];
	[sflag:s5] =	ssyncadd.s32 $0xFFFF8000  }
0xa0: {  	[hbm4b:s0+s2] =	stream.linear.scatter [tilespmem:s4], [sflag:$0x4], $0x8000, $0x38;
	[tilespmem:$0x1E400] =	vst v63  }
0xa1: {  	_ =	swait.ge [sflag:s3], $0x8000  }
0xa2: {  	[sflag:s3] =	ssyncset.done $0x0  }
0xa3: {  	[sflag:s3] =	ssyncadd.s32 $0xFFFF8000  }
0xa4: {  	[tilespmem:s4], [sflag:$0x1] =	stream.indirect.gather [hbm4b:s7+s11], $0x20, s23, s11, $0xb8;
	[tilespmem:$0x1E400] =	vst v63  }
0xa5: {  	_ =	swait.ge [sflag:s12], $0x8000  }
0xa6: {  	[sflag:s12] =	ssyncset.done $0x0  }
0xa7: {  	s0 =	rddreg [dreg:$0x11];
	[sflag:s12] =	ssyncadd.s32 $0xFFFF8000  }
0xa8: {  	[hbm4b:s0+s2] =	stream.linear.scatter [tilespmem:s9], [sflag:$0x5], $0x8000, $0x38;
	[tilespmem:$0x1E400] =	vst v63  }
0xa9: {  	_ =	swait.ge [sflag:s8], $0x8000  }
0xaa: {  	[sflag:s8] =	ssyncset.done $0x0  }
0xab: {  	[sflag:s8] =	ssyncadd.s32 $0xFFFF8000  }
0xac: {  	[tilespmem:s9], [sflag:$0x2] =	stream.indirect.gather [hbm4b:s7+s11], $0x20, s22, s11, $0xb8;
	[tilespmem:$0x1E400] =	vst v63  }
0xad: {  	_ =	swait.ge [sflag:s13], $0x8000  }
0xae: {  	[sflag:s13] =	ssyncset.done $0x0  }
0xaf: {  	s0 =	rddreg [dreg:$0x12];
	[sflag:s13] =	ssyncadd.s32 $0xFFFF8000  }
0xb0: {  	[hbm4b:s0+s2] =	stream.linear.scatter [tilespmem:s6], [sflag:$0x6], $0x8000, $0x38;
	[tilespmem:$0x1E400] =	vst v63  }
0xb1: {  	_ =	swait.ge [sflag:s10], $0x8000  }
0xb2: {  	[sflag:s10] =	ssyncset.done $0x0  }
0xb3: {  	[sflag:s10] =	ssyncadd.s32 $0xFFFF8000  }
0xb4: {  	[tilespmem:s6], [sflag:$0x3] =	stream.indirect.gather [hbm4b:s7+s11], $0x20, s21, s11, $0xb8;
	[tilespmem:$0x1E400] =	vst v63  }
0xb5: {  	_ =	swait.ge [sflag:s5], $0x8000  }
0xb6: {  	[sflag:s5] =	ssyncset.done $0x0  }
0xb7: {  	s0 =	rddreg [dreg:$0x13];
	[sflag:s5] =	ssyncadd.s32 $0xFFFF8000  }
0xb8: {  	[hbm4b:s0+s2] =	stream.linear.scatter [tilespmem:s4], [sflag:$0x4], $0x8000, $0x38;
	[tilespmem:$0x1E400] =	vst v63  }
0xb9: {  	_ =	swait.ge [sflag:s3], $0x8000  }
0xba: {  	[sflag:s3] =	ssyncset.done $0x0  }
0xbb: {  	[sflag:s3] =	ssyncadd.s32 $0xFFFF8000  }
0xbc: {  	[tilespmem:s4], [sflag:$0x1] =	stream.indirect.gather [hbm4b:s7+s11], $0x20, s20, s11, $0xb8;
	[tilespmem:$0x1E400] =	vst v63  }
0xbd: {  	_ =	swait.ge [sflag:s12], $0x8000  }
0xbe: {  	[sflag:s12] =	ssyncset.done $0x0  }
0xbf: {  	s0 =	rddreg [dreg:$0x14];
	[sflag:s12] =	ssyncadd.s32 $0xFFFF8000  }
0xc0: {  	[hbm4b:s0+s2] =	stream.linear.scatter [tilespmem:s9], [sflag:$0x5], $0x8000, $0x38;
	[tilespmem:$0x1E400] =	vst v63  }
0xc1: {  	_ =	swait.ge [sflag:s8], $0x8000  }
0xc2: {  	[sflag:s8] =	ssyncset.done $0x0  }
0xc3: {  	[sflag:s8] =	ssyncadd.s32 $0xFFFF8000  }
0xc4: {  	[tilespmem:s9], [sflag:$0x2] =	stream.indirect.gather [hbm4b:s7+s11], $0x20, s19, s11, $0xb8;
	[tilespmem:$0x1E400] =	vst v63  }
0xc5: {  	_ =	swait.ge [sflag:s13], $0x8000  }
0xc6: {  	[sflag:s13] =	ssyncset.done $0x0  }
0xc7: {  	s0 =	rddreg [dreg:$0x15];
	[sflag:s13] =	ssyncadd.s32 $0xFFFF8000  }
0xc8: {  	[hbm4b:s0+s2] =	stream.linear.scatter [tilespmem:s6], [sflag:$0x6], $0x8000, $0x38;
	[tilespmem:$0x1E400] =	vst v63  }
0xc9: {  	_ =	swait.ge [sflag:s10], $0x8000  }
0xca: {  	[sflag:s10] =	ssyncset.done $0x0  }
0xcb: {  	[sflag:s10] =	ssyncadd.s32 $0xFFFF8000  }
0xcc: {  	[tilespmem:s6], [sflag:$0x3] =	stream.indirect.gather [hbm4b:s7+s11], $0x20, s18, s11, $0xb8;
	[tilespmem:$0x1E400] =	vst v63  }
0xcd: {  	_ =	swait.ge [sflag:s5], $0x8000  }
0xce: {  	[sflag:s5] =	ssyncset.done $0x0  }
0xcf: {  	s0 =	rddreg [dreg:$0x16];
	[sflag:s5] =	ssyncadd.s32 $0xFFFF8000  }
0xd0: {  	[hbm4b:s0+s2] =	stream.linear.scatter [tilespmem:s4], [sflag:$0x4], $0x8000, $0x38;
	[tilespmem:$0x1E400] =	vst v63  }
0xd1: {  	_ =	swait.ge [sflag:s3], $0x8000  }
0xd2: {  	[sflag:s3] =	ssyncset.done $0x0  }
0xd3: {  	[sflag:s3] =	ssyncadd.s32 $0xFFFF8000  }
0xd4: {  	[tilespmem:s4], [sflag:$0x1] =	stream.indirect.gather [hbm4b:s7+s11], $0x20, s17, s11, $0xb8;
	[tilespmem:$0x1E400] =	vst v63  }
0xd5: {  	_ =	swait.ge [sflag:s12], $0x8000  }
0xd6: {  	[sflag:s12] =	ssyncset.done $0x0  }
0xd7: {  	s0 =	rddreg [dreg:$0x17];
	[sflag:s12] =	ssyncadd.s32 $0xFFFF8000  }
0xd8: {  	[hbm4b:s0+s2] =	stream.linear.scatter [tilespmem:s9], [sflag:$0x5], $0x8000, $0x38;
	[tilespmem:$0x1E400] =	vst v63  }
0xd9: {  	_ =	swait.ge [sflag:s8], $0x8000  }
0xda: {  	[sflag:s8] =	ssyncset.done $0x0  }
0xdb: {  	[sflag:s8] =	ssyncadd.s32 $0xFFFF8000  }
0xdc: {  	[tilespmem:s9], [sflag:$0x2] =	stream.indirect.gather [hbm4b:s7+s11], $0x20, s16, s11, $0xb8;
	[tilespmem:$0x1E400] =	vst v63  }
0xdd: {  	_ =	swait.ge [sflag:s13], $0x8000  }
0xde: {  	[sflag:s13] =	ssyncset.done $0x0  }
0xdf: {  	s0 =	rddreg [dreg:$0x18];
	[sflag:s13] =	ssyncadd.s32 $0xFFFF8000  }
0xe0: {  	[hbm4b:s0+s2] =	stream.linear.scatter [tilespmem:s6], [sflag:$0x6], $0x8000, $0x38;
	[tilespmem:$0x1E400] =	vst v63  }
0xe1: {  	_ =	swait.ge [sflag:s10], $0x8000  }
0xe2: {  	[sflag:s10] =	ssyncset.done $0x0  }
0xe3: {  	[sflag:s10] =	ssyncadd.s32 $0xFFFF8000  }
0xe4: {  	[tilespmem:s6], [sflag:$0x3] =	stream.indirect.gather [hbm4b:s7+s11], $0x20, s15, s11, $0xb8;
	[tilespmem:$0x1E400] =	vst v63  }
0xe5: {  	_ =	swait.ge [sflag:s5], $0x8000  }
0xe6: {  	[sflag:s5] =	ssyncset.done $0x0  }
0xe7: {  	s0 =	rddreg [dreg:$0x19];
	[sflag:s5] =	ssyncadd.s32 $0xFFFF8000  }
0xe8: {  	[hbm4b:s0+s2] =	stream.linear.scatter [tilespmem:s4], [sflag:$0x4], $0x8000, $0x38;
	[tilespmem:$0x1E400] =	vst v63  }
0xe9: {  	_ =	swait.ge [sflag:s3], $0x8000  }
0xea: {  	[sflag:s3] =	ssyncset.done $0x0  }
0xeb: {  	[sflag:s3] =	ssyncadd.s32 $0xFFFF8000  }
0xec: {  	[tilespmem:s4], [sflag:$0x1] =	stream.indirect.gather [hbm4b:s7+s11], $0x20, s14, s11, $0xb8;
	[tilespmem:$0x1E400] =	vst v63  }
0xed: {  	_ =	swait.ge [sflag:s12], $0x8000  }
0xee: {  	[sflag:s12] =	ssyncset.done $0x0  }
0xef: {  	s0 =	rddreg [dreg:$0x1a];
	[sflag:s12] =	ssyncadd.s32 $0xFFFF8000  }
0xf0: {  	[hbm4b:s0+s2] =	stream.linear.scatter [tilespmem:s9], [sflag:$0x5], $0x8000, $0x38;
	[tilespmem:$0x1E400] =	vst v63  }
0xf1: {  	_ =	swait.ge [sflag:s13], $0x8000  }
0xf2: {  	[sflag:s13] =	ssyncset.done $0x0  }
0xf3: {  	s0 =	rddreg [dreg:$0x1b];
	[sflag:s13] =	ssyncadd.s32 $0xFFFF8000  }
0xf4: {  	[hbm4b:s0+s2] =	stream.linear.scatter [tilespmem:s6], [sflag:$0x6], $0x8000, $0x38;
	[tilespmem:$0x1E400] =	vst v63  }
0xf5: {  	_ =	swait.ge [sflag:s5], $0x8000  }
0xf6: {  	[sflag:s5] =	ssyncset.done $0x0  }
0xf7: {  	s0 =	rddreg [dreg:$0x1c];
	[sflag:s5] =	ssyncadd.s32 $0xFFFF8000  }
0xf8: {  	[hbm4b:s0+s2] =	stream.linear.scatter [tilespmem:s4], [sflag:$0x4], $0x8000, $0x38;
	[tilespmem:$0x1E400] =	vst v63  }
0xf9: {  	_ =	swait.ge [sflag:s8], $0x8000  }
0xfa: {  	[sflag:s8] =	ssyncset.done $0x0  }
0xfb: {  	p1 =	sne.s32 s1, $0x1;
	[sflag:s8] =	ssyncadd.s32 $0xFFFF8000  }
.Ltmp1:
0xfc: {  	_ =	swait.ge [sflag:s10], $0x8000;
	(pc) =	sbr.rel @!p1 .LBB2_3-.Ltmp1, $4  }
0xfd: {  	[sflag:s10] =	ssyncset.done $0x0  }
0xfe: {  	[sflag:s10] =	ssyncadd.s32 $0xFFFF8000  }
0xff: {  	s1 =	sadd.s32 $0xFFFFFFFF, s1;
	_ =	swait.ge [sflag:s3], $0x8000  }
0x100: {  	p0 =	por $0x1, $0x1;
	s0 =	rddreg [dreg:$0x3];
	[sflag:s3] =	ssyncset.done $0x0  }
.LBB2_2:
0x101: {  	[sflag:s3] =	ssyncadd.s32 $0xFFFF8000  }
0x102: {  	[tilespmem:s2], [sflag:$0x7] =	stream.linear.gather [hbm4b:s0+s2], $0x6400, $0x38;
	[tilespmem:$0x1E400] =	vst v63  }
0x103: {  	_ =	swait.ge [sflag:s31], $0x6400  }
0x104: {  	[sflag:s31] =	ssyncset.done $0x0  }
0x105: {  	[sflag:s31] =	ssyncadd.s32 $0xFFFF9C00  }
0x106: {  	[tilespmem:s4], [sflag:$0x1] =	stream.indirect.gather [hbm4b:s7+s11], $0x20, s2, s11, $0xb8;
	[tilespmem:$0x1E400] =	vst v63  }
0x107: {  	_ = 	snop  }
0x108: {  	[tilespmem:s9], [sflag:$0x2] =	stream.indirect.gather [hbm4b:s7+s11], $0x20, s11, s11, $0xb8;
	[tilespmem:$0x1E400] =	vst v63  }
0x109: {  	s0 =	rddreg [dreg:$0x1d]  }
0x10a: {  	[tilespmem:s6], [sflag:$0x3] =	stream.indirect.gather [hbm4b:s7+s11], $0x20, s0, s11, $0xb8;
	[tilespmem:$0x1E400] =	vst v63  }
0x10b: {  	_ =	swait.ge [sflag:s5], $0x8000  }
0x10c: {  	[sflag:s5] =	ssyncset.done $0x0  }
0x10d: {  	s0 =	rddreg [dreg:$0x4];
	[sflag:s5] =	ssyncadd.s32 $0xFFFF8000  }
0x10e: {  	[hbm4b:s0+s2] =	stream.linear.scatter [tilespmem:s4], [sflag:$0x4], $0x8000, $0x38;
	[tilespmem:$0x1E400] =	vst v63  }
0x10f: {  	_ =	swait.ge [sflag:s3], $0x8000  }
0x110: {  	[sflag:s3] =	ssyncset.done $0x0  }
0x111: {  	s0 =	rddreg [dreg:$0x1e];
	[sflag:s3] =	ssyncadd.s32 $0xFFFF8000  }
0x112: {  	[tilespmem:s4], [sflag:$0x1] =	stream.indirect.gather [hbm4b:s7+s11], $0x20, s0, s11, $0xb8;
	[tilespmem:$0x1E400] =	vst v63  }
0x113: {  	_ =	swait.ge [sflag:s12], $0x8000  }
0x114: {  	[sflag:s12] =	ssyncset.done $0x0  }
0x115: {  	s0 =	rddreg [dreg:$0x5];
	[sflag:s12] =	ssyncadd.s32 $0xFFFF8000  }
0x116: {  	[hbm4b:s0+s2] =	stream.linear.scatter [tilespmem:s9], [sflag:$0x5], $0x8000, $0x38;
	[tilespmem:$0x1E400] =	vst v63  }
0x117: {  	_ =	swait.ge [sflag:s8], $0x8000  }
0x118: {  	[sflag:s8] =	ssyncset.done $0x0  }
0x119: {  	s0 =	rddreg [dreg:$0x1f];
	[sflag:s8] =	ssyncadd.s32 $0xFFFF8000  }
0x11a: {  	[tilespmem:s9], [sflag:$0x2] =	stream.indirect.gather [hbm4b:s7+s11], $0x20, s0, s11, $0xb8;
	[tilespmem:$0x1E400] =	vst v63  }
0x11b: {  	_ =	swait.ge [sflag:s13], $0x8000  }
0x11c: {  	[sflag:s13] =	ssyncset.done $0x0  }
0x11d: {  	s0 =	rddreg [dreg:$0x6];
	[sflag:s13] =	ssyncadd.s32 $0xFFFF8000  }
0x11e: {  	[hbm4b:s0+s2] =	stream.linear.scatter [tilespmem:s6], [sflag:$0x6], $0x8000, $0x38;
	[tilespmem:$0x1E400] =	vst v63  }
0x11f: {  	_ =	swait.ge [sflag:s10], $0x8000  }
0x120: {  	s0 =	sld [smem:$0x7FA]  }
0x121: {  	[sflag:s10] =	ssyncset.done $0x0  }
0x122: {  	[sflag:s10] =	ssyncadd.s32 $0xFFFF8000  }
0x123: {  	[tilespmem:s6], [sflag:$0x3] =	stream.indirect.gather [hbm4b:s7+s11], $0x20, s0, s11, $0xb8;
	[tilespmem:$0x1E400] =	vst v63  }
0x124: {  	_ =	swait.ge [sflag:s5], $0x8000  }
0x125: {  	[sflag:s5] =	ssyncset.done $0x0  }
0x126: {  	s0 =	rddreg [dreg:$0x7];
	[sflag:s5] =	ssyncadd.s32 $0xFFFF8000  }
0x127: {  	[hbm4b:s0+s2] =	stream.linear.scatter [tilespmem:s4], [sflag:$0x4], $0x8000, $0x38;
	[tilespmem:$0x1E400] =	vst v63  }
0x128: {  	_ =	swait.ge [sflag:s3], $0x8000  }
0x129: {  	s0 =	sld [smem:$0x7FB]  }
0x12a: {  	[sflag:s3] =	ssyncset.done $0x0  }
0x12b: {  	[sflag:s3] =	ssyncadd.s32 $0xFFFF8000  }
0x12c: {  	[tilespmem:s4], [sflag:$0x1] =	stream.indirect.gather [hbm4b:s7+s11], $0x20, s0, s11, $0xb8;
	[tilespmem:$0x1E400] =	vst v63  }
0x12d: {  	_ =	swait.ge [sflag:s12], $0x8000  }
0x12e: {  	[sflag:s12] =	ssyncset.done $0x0  }
0x12f: {  	s0 =	rddreg [dreg:$0x8];
	[sflag:s12] =	ssyncadd.s32 $0xFFFF8000  }
0x130: {  	[hbm4b:s0+s2] =	stream.linear.scatter [tilespmem:s9], [sflag:$0x5], $0x8000, $0x38;
	[tilespmem:$0x1E400] =	vst v63  }
0x131: {  	_ =	swait.ge [sflag:s8], $0x8000  }
0x132: {  	s0 =	sld [smem:$0x7FC]  }
0x133: {  	[sflag:s8] =	ssyncset.done $0x0  }
0x134: {  	[sflag:s8] =	ssyncadd.s32 $0xFFFF8000  }
0x135: {  	[tilespmem:s9], [sflag:$0x2] =	stream.indirect.gather [hbm4b:s7+s11], $0x20, s0, s11, $0xb8;
	[tilespmem:$0x1E400] =	vst v63  }
0x136: {  	_ =	swait.ge [sflag:s13], $0x8000  }
0x137: {  	[sflag:s13] =	ssyncset.done $0x0  }
0x138: {  	s0 =	rddreg [dreg:$0x9];
	[sflag:s13] =	ssyncadd.s32 $0xFFFF8000  }
0x139: {  	[hbm4b:s0+s2] =	stream.linear.scatter [tilespmem:s6], [sflag:$0x6], $0x8000, $0x38;
	[tilespmem:$0x1E400] =	vst v63  }
0x13a: {  	_ =	swait.ge [sflag:s10], $0x8000  }
0x13b: {  	s0 =	sld [smem:$0x7FD]  }
0x13c: {  	[sflag:s10] =	ssyncset.done $0x0  }
0x13d: {  	[sflag:s10] =	ssyncadd.s32 $0xFFFF8000  }
0x13e: {  	[tilespmem:s6], [sflag:$0x3] =	stream.indirect.gather [hbm4b:s7+s11], $0x20, s0, s11, $0xb8;
	[tilespmem:$0x1E400] =	vst v63  }
0x13f: {  	_ =	swait.ge [sflag:s5], $0x8000  }
0x140: {  	[sflag:s5] =	ssyncset.done $0x0  }
0x141: {  	s0 =	rddreg [dreg:$0xa];
	[sflag:s5] =	ssyncadd.s32 $0xFFFF8000  }
0x142: {  	[hbm4b:s0+s2] =	stream.linear.scatter [tilespmem:s4], [sflag:$0x4], $0x8000, $0x38;
	[tilespmem:$0x1E400] =	vst v63  }
0x143: {  	_ =	swait.ge [sflag:s3], $0x8000  }
0x144: {  	[sflag:s3] =	ssyncset.done $0x0  }
0x145: {  	[sflag:s3] =	ssyncadd.s32 $0xFFFF8000  }
0x146: {  	[tilespmem:s4], [sflag:$0x1] =	stream.indirect.gather [hbm4b:s7+s11], $0x20, s30, s11, $0xb8;
	[tilespmem:$0x1E400] =	vst v63  }
0x147: {  	_ =	swait.ge [sflag:s12], $0x8000  }
0x148: {  	[sflag:s12] =	ssyncset.done $0x0  }
0x149: {  	s0 =	rddreg [dreg:$0xb];
	[sflag:s12] =	ssyncadd.s32 $0xFFFF8000  }
0x14a: {  	[hbm4b:s0+s2] =	stream.linear.scatter [tilespmem:s9], [sflag:$0x5], $0x8000, $0x38;
	[tilespmem:$0x1E400] =	vst v63  }
0x14b: {  	_ =	swait.ge [sflag:s8], $0x8000  }
0x14c: {  	[sflag:s8] =	ssyncset.done $0x0  }
0x14d: {  	[sflag:s8] =	ssyncadd.s32 $0xFFFF8000  }
0x14e: {  	[tilespmem:s9], [sflag:$0x2] =	stream.indirect.gather [hbm4b:s7+s11], $0x20, s29, s11, $0xb8;
	[tilespmem:$0x1E400] =	vst v63  }
0x14f: {  	_ =	swait.ge [sflag:s13], $0x8000  }
0x150: {  	[sflag:s13] =	ssyncset.done $0x0  }
0x151: {  	s0 =	rddreg [dreg:$0xc];
	[sflag:s13] =	ssyncadd.s32 $0xFFFF8000  }
0x152: {  	[hbm4b:s0+s2] =	stream.linear.scatter [tilespmem:s6], [sflag:$0x6], $0x8000, $0x38;
	[tilespmem:$0x1E400] =	vst v63  }
0x153: {  	_ =	swait.ge [sflag:s10], $0x8000  }
0x154: {  	[sflag:s10] =	ssyncset.done $0x0  }
0x155: {  	[sflag:s10] =	ssyncadd.s32 $0xFFFF8000  }
0x156: {  	[tilespmem:s6], [sflag:$0x3] =	stream.indirect.gather [hbm4b:s7+s11], $0x20, s28, s11, $0xb8;
	[tilespmem:$0x1E400] =	vst v63  }
0x157: {  	_ =	swait.ge [sflag:s5], $0x8000  }
0x158: {  	[sflag:s5] =	ssyncset.done $0x0  }
0x159: {  	s0 =	rddreg [dreg:$0xd];
	[sflag:s5] =	ssyncadd.s32 $0xFFFF8000  }
0x15a: {  	[hbm4b:s0+s2] =	stream.linear.scatter [tilespmem:s4], [sflag:$0x4], $0x8000, $0x38;
	[tilespmem:$0x1E400] =	vst v63  }
0x15b: {  	_ =	swait.ge [sflag:s3], $0x8000  }
0x15c: {  	[sflag:s3] =	ssyncset.done $0x0  }
0x15d: {  	[sflag:s3] =	ssyncadd.s32 $0xFFFF8000  }
0x15e: {  	[tilespmem:s4], [sflag:$0x1] =	stream.indirect.gather [hbm4b:s7+s11], $0x20, s26, s11, $0xb8;
	[tilespmem:$0x1E400] =	vst v63  }
0x15f: {  	_ =	swait.ge [sflag:s12], $0x8000  }
0x160: {  	[sflag:s12] =	ssyncset.done $0x0  }
0x161: {  	s0 =	rddreg [dreg:$0xe];
	[sflag:s12] =	ssyncadd.s32 $0xFFFF8000  }
0x162: {  	[hbm4b:s0+s2] =	stream.linear.scatter [tilespmem:s9], [sflag:$0x5], $0x8000, $0x38;
	[tilespmem:$0x1E400] =	vst v63  }
0x163: {  	_ =	swait.ge [sflag:s8], $0x8000  }
0x164: {  	[sflag:s8] =	ssyncset.done $0x0  }
0x165: {  	[sflag:s8] =	ssyncadd.s32 $0xFFFF8000  }
0x166: {  	[tilespmem:s9], [sflag:$0x2] =	stream.indirect.gather [hbm4b:s7+s11], $0x20, s25, s11, $0xb8;
	[tilespmem:$0x1E400] =	vst v63  }
0x167: {  	_ =	swait.ge [sflag:s13], $0x8000  }
0x168: {  	[sflag:s13] =	ssyncset.done $0x0  }
0x169: {  	s0 =	rddreg [dreg:$0xf];
	[sflag:s13] =	ssyncadd.s32 $0xFFFF8000  }
0x16a: {  	[hbm4b:s0+s2] =	stream.linear.scatter [tilespmem:s6], [sflag:$0x6], $0x8000, $0x38;
	[tilespmem:$0x1E400] =	vst v63  }
0x16b: {  	_ =	swait.ge [sflag:s10], $0x8000  }
0x16c: {  	[sflag:s10] =	ssyncset.done $0x0  }
0x16d: {  	[sflag:s10] =	ssyncadd.s32 $0xFFFF8000  }
0x16e: {  	[tilespmem:s6], [sflag:$0x3] =	stream.indirect.gather [hbm4b:s7+s11], $0x20, s24, s11, $0xb8;
	[tilespmem:$0x1E400] =	vst v63  }
0x16f: {  	_ =	swait.ge [sflag:s5], $0x8000  }
0x170: {  	[sflag:s5] =	ssyncset.done $0x0  }
0x171: {  	s0 =	rddreg [dreg:$0x10];
	[sflag:s5] =	ssyncadd.s32 $0xFFFF8000  }
0x172: {  	[hbm4b:s0+s2] =	stream.linear.scatter [tilespmem:s4], [sflag:$0x4], $0x8000, $0x38;
	[tilespmem:$0x1E400] =	vst v63  }
0x173: {  	_ =	swait.ge [sflag:s3], $0x8000  }
0x174: {  	[sflag:s3] =	ssyncset.done $0x0  }
0x175: {  	[sflag:s3] =	ssyncadd.s32 $0xFFFF8000  }
0x176: {  	[tilespmem:s4], [sflag:$0x1] =	stream.indirect.gather [hbm4b:s7+s11], $0x20, s23, s11, $0xb8;
	[tilespmem:$0x1E400] =	vst v63  }
0x177: {  	_ =	swait.ge [sflag:s12], $0x8000  }
0x178: {  	[sflag:s12] =	ssyncset.done $0x0  }
0x179: {  	s0 =	rddreg [dreg:$0x11];
	[sflag:s12] =	ssyncadd.s32 $0xFFFF8000  }
0x17a: {  	[hbm4b:s0+s2] =	stream.linear.scatter [tilespmem:s9], [sflag:$0x5], $0x8000, $0x38;
	[tilespmem:$0x1E400] =	vst v63  }
0x17b: {  	_ =	swait.ge [sflag:s8], $0x8000  }
0x17c: {  	[sflag:s8] =	ssyncset.done $0x0  }
0x17d: {  	[sflag:s8] =	ssyncadd.s32 $0xFFFF8000  }
0x17e: {  	[tilespmem:s9], [sflag:$0x2] =	stream.indirect.gather [hbm4b:s7+s11], $0x20, s22, s11, $0xb8;
	[tilespmem:$0x1E400] =	vst v63  }
0x17f: {  	_ =	swait.ge [sflag:s13], $0x8000  }
0x180: {  	[sflag:s13] =	ssyncset.done $0x0  }
0x181: {  	s0 =	rddreg [dreg:$0x12];
	[sflag:s13] =	ssyncadd.s32 $0xFFFF8000  }
0x182: {  	[hbm4b:s0+s2] =	stream.linear.scatter [tilespmem:s6], [sflag:$0x6], $0x8000, $0x38;
	[tilespmem:$0x1E400] =	vst v63  }
0x183: {  	_ =	swait.ge [sflag:s10], $0x8000  }
0x184: {  	[sflag:s10] =	ssyncset.done $0x0  }
0x185: {  	[sflag:s10] =	ssyncadd.s32 $0xFFFF8000  }
0x186: {  	[tilespmem:s6], [sflag:$0x3] =	stream.indirect.gather [hbm4b:s7+s11], $0x20, s21, s11, $0xb8;
	[tilespmem:$0x1E400] =	vst v63  }
0x187: {  	_ =	swait.ge [sflag:s5], $0x8000  }
0x188: {  	[sflag:s5] =	ssyncset.done $0x0  }
0x189: {  	s0 =	rddreg [dreg:$0x13];
	[sflag:s5] =	ssyncadd.s32 $0xFFFF8000  }
0x18a: {  	[hbm4b:s0+s2] =	stream.linear.scatter [tilespmem:s4], [sflag:$0x4], $0x8000, $0x38;
	[tilespmem:$0x1E400] =	vst v63  }
0x18b: {  	_ =	swait.ge [sflag:s3], $0x8000  }
0x18c: {  	[sflag:s3] =	ssyncset.done $0x0  }
0x18d: {  	[sflag:s3] =	ssyncadd.s32 $0xFFFF8000  }
0x18e: {  	[tilespmem:s4], [sflag:$0x1] =	stream.indirect.gather [hbm4b:s7+s11], $0x20, s20, s11, $0xb8;
	[tilespmem:$0x1E400] =	vst v63  }
0x18f: {  	_ =	swait.ge [sflag:s12], $0x8000  }
0x190: {  	[sflag:s12] =	ssyncset.done $0x0  }
0x191: {  	s0 =	rddreg [dreg:$0x14];
	[sflag:s12] =	ssyncadd.s32 $0xFFFF8000  }
0x192: {  	[hbm4b:s0+s2] =	stream.linear.scatter [tilespmem:s9], [sflag:$0x5], $0x8000, $0x38;
	[tilespmem:$0x1E400] =	vst v63  }
0x193: {  	_ =	swait.ge [sflag:s8], $0x8000  }
0x194: {  	[sflag:s8] =	ssyncset.done $0x0  }
0x195: {  	[sflag:s8] =	ssyncadd.s32 $0xFFFF8000  }
0x196: {  	[tilespmem:s9], [sflag:$0x2] =	stream.indirect.gather [hbm4b:s7+s11], $0x20, s19, s11, $0xb8;
	[tilespmem:$0x1E400] =	vst v63  }
0x197: {  	_ =	swait.ge [sflag:s13], $0x8000  }
0x198: {  	[sflag:s13] =	ssyncset.done $0x0  }
0x199: {  	s0 =	rddreg [dreg:$0x15];
	[sflag:s13] =	ssyncadd.s32 $0xFFFF8000  }
0x19a: {  	[hbm4b:s0+s2] =	stream.linear.scatter [tilespmem:s6], [sflag:$0x6], $0x8000, $0x38;
	[tilespmem:$0x1E400] =	vst v63  }
0x19b: {  	_ =	swait.ge [sflag:s10], $0x8000  }
0x19c: {  	[sflag:s10] =	ssyncset.done $0x0  }
0x19d: {  	[sflag:s10] =	ssyncadd.s32 $0xFFFF8000  }
0x19e: {  	[tilespmem:s6], [sflag:$0x3] =	stream.indirect.gather [hbm4b:s7+s11], $0x20, s18, s11, $0xb8;
	[tilespmem:$0x1E400] =	vst v63  }
0x19f: {  	_ =	swait.ge [sflag:s5], $0x8000  }
0x1a0: {  	[sflag:s5] =	ssyncset.done $0x0  }
0x1a1: {  	s0 =	rddreg [dreg:$0x16];
	[sflag:s5] =	ssyncadd.s32 $0xFFFF8000  }
0x1a2: {  	[hbm4b:s0+s2] =	stream.linear.scatter [tilespmem:s4], [sflag:$0x4], $0x8000, $0x38;
	[tilespmem:$0x1E400] =	vst v63  }
0x1a3: {  	_ =	swait.ge [sflag:s3], $0x8000  }
0x1a4: {  	[sflag:s3] =	ssyncset.done $0x0  }
0x1a5: {  	[sflag:s3] =	ssyncadd.s32 $0xFFFF8000  }
0x1a6: {  	[tilespmem:s4], [sflag:$0x1] =	stream.indirect.gather [hbm4b:s7+s11], $0x20, s17, s11, $0xb8;
	[tilespmem:$0x1E400] =	vst v63  }
0x1a7: {  	_ =	swait.ge [sflag:s12], $0x8000  }
0x1a8: {  	[sflag:s12] =	ssyncset.done $0x0  }
0x1a9: {  	s0 =	rddreg [dreg:$0x17];
	[sflag:s12] =	ssyncadd.s32 $0xFFFF8000  }
0x1aa: {  	[hbm4b:s0+s2] =	stream.linear.scatter [tilespmem:s9], [sflag:$0x5], $0x8000, $0x38;
	[tilespmem:$0x1E400] =	vst v63  }
0x1ab: {  	_ =	swait.ge [sflag:s8], $0x8000  }
0x1ac: {  	[sflag:s8] =	ssyncset.done $0x0  }
0x1ad: {  	[sflag:s8] =	ssyncadd.s32 $0xFFFF8000  }
0x1ae: {  	[tilespmem:s9], [sflag:$0x2] =	stream.indirect.gather [hbm4b:s7+s11], $0x20, s16, s11, $0xb8;
	[tilespmem:$0x1E400] =	vst v63  }
0x1af: {  	_ =	swait.ge [sflag:s13], $0x8000  }
0x1b0: {  	[sflag:s13] =	ssyncset.done $0x0  }
0x1b1: {  	s0 =	rddreg [dreg:$0x18];
	[sflag:s13] =	ssyncadd.s32 $0xFFFF8000  }
0x1b2: {  	[hbm4b:s0+s2] =	stream.linear.scatter [tilespmem:s6], [sflag:$0x6], $0x8000, $0x38;
	[tilespmem:$0x1E400] =	vst v63  }
0x1b3: {  	_ =	swait.ge [sflag:s10], $0x8000  }
0x1b4: {  	[sflag:s10] =	ssyncset.done $0x0  }
0x1b5: {  	[sflag:s10] =	ssyncadd.s32 $0xFFFF8000  }
0x1b6: {  	[tilespmem:s6], [sflag:$0x3] =	stream.indirect.gather [hbm4b:s7+s11], $0x20, s15, s11, $0xb8;
	[tilespmem:$0x1E400] =	vst v63  }
0x1b7: {  	_ =	swait.ge [sflag:s5], $0x8000  }
0x1b8: {  	[sflag:s5] =	ssyncset.done $0x0  }
0x1b9: {  	s0 =	rddreg [dreg:$0x19];
	[sflag:s5] =	ssyncadd.s32 $0xFFFF8000  }
0x1ba: {  	[hbm4b:s0+s2] =	stream.linear.scatter [tilespmem:s4], [sflag:$0x4], $0x8000, $0x38;
	[tilespmem:$0x1E400] =	vst v63  }
0x1bb: {  	_ =	swait.ge [sflag:s3], $0x8000  }
0x1bc: {  	[sflag:s3] =	ssyncset.done $0x0  }
0x1bd: {  	[sflag:s3] =	ssyncadd.s32 $0xFFFF8000  }
0x1be: {  	[tilespmem:s4], [sflag:$0x1] =	stream.indirect.gather [hbm4b:s7+s11], $0x20, s14, s11, $0xb8;
	[tilespmem:$0x1E400] =	vst v63  }
0x1bf: {  	_ =	swait.ge [sflag:s12], $0x8000  }
0x1c0: {  	[sflag:s12] =	ssyncset.done $0x0  }
0x1c1: {  	s0 =	rddreg [dreg:$0x1a];
	[sflag:s12] =	ssyncadd.s32 $0xFFFF8000  }
0x1c2: {  	[hbm4b:s0+s2] =	stream.linear.scatter [tilespmem:s9], [sflag:$0x5], $0x8000, $0x38;
	[tilespmem:$0x1E400] =	vst v63  }
0x1c3: {  	_ =	swait.ge [sflag:s13], $0x8000  }
0x1c4: {  	[sflag:s13] =	ssyncset.done $0x0  }
0x1c5: {  	s0 =	rddreg [dreg:$0x1b];
	[sflag:s13] =	ssyncadd.s32 $0xFFFF8000  }
0x1c6: {  	[hbm4b:s0+s2] =	stream.linear.scatter [tilespmem:s6], [sflag:$0x6], $0x8000, $0x38;
	[tilespmem:$0x1E400] =	vst v63  }
0x1c7: {  	_ =	swait.ge [sflag:s5], $0x8000  }
0x1c8: {  	[sflag:s5] =	ssyncset.done $0x0  }
0x1c9: {  	s0 =	rddreg [dreg:$0x1c];
	[sflag:s5] =	ssyncadd.s32 $0xFFFF8000  }
0x1ca: {  	[hbm4b:s0+s2] =	stream.linear.scatter [tilespmem:s4], [sflag:$0x4], $0x8000, $0x38;
	[tilespmem:$0x1E400] =	vst v63  }
0x1cb: {  	_ =	swait.ge [sflag:s8], $0x8000  }
0x1cc: {  	[sflag:s8] =	ssyncset.done $0x0  }
0x1cd: {  	p1 =	sne.s32 s1, $0x1;
	[sflag:s8] =	ssyncadd.s32 $0xFFFF8000  }
.Ltmp2:
0x1ce: {  	_ =	swait.ge [sflag:s10], $0x8000;
	(pc) =	sbr.rel @p1 .LBB2_2-.Ltmp2, $4  }
0x1cf: {  	[sflag:s10] =	ssyncset.done $0x0  }
0x1d0: {  	[sflag:s10] =	ssyncadd.s32 $0xFFFF8000  }
0x1d1: {  	_ =	swait.ge [sflag:s3], $0x8000  }
0x1d2: {  	s1 =	sadd.s32 $0xFFFFFFFF, s1;
	s0 =	rddreg [dreg:$0x3];
	[sflag:s3] =	ssyncset.done $0x0  }
.LBB2_3:
0x1d3: {  	[sflag:s3] =	ssyncadd.s32 @p0 $0xFFFF8000  }
0x1d4: {  	[tilespmem:s2], [sflag:$0x7] =	stream.linear.gather [hbm4b:s0+s2], $0x6400, $0x38;
	[tilespmem:$0x1E400] =	vst v63  }
0x1d5: {  	_ =	swait.ge [sflag:s31], $0x6400  }
0x1d6: {  	[sflag:s31] =	ssyncset.done $0x0  }
0x1d7: {  	[sflag:s31] =	ssyncadd.s32 $0xFFFF9C00  }
0x1d8: {  	[tilespmem:s4], [sflag:$0x1] =	stream.indirect.gather [hbm4b:s7+s11], $0x20, s2, s11, $0xb8;
	[tilespmem:$0x1E400] =	vst v63  }
0x1d9: {  	_ = 	snop  }
0x1da: {  	[tilespmem:s9], [sflag:$0x2] =	stream.indirect.gather [hbm4b:s7+s11], $0x20, s11, s11, $0xb8;
	[tilespmem:$0x1E400] =	vst v63  }
0x1db: {  	s31 =	rddreg [dreg:$0x1d]  }
0x1dc: {  	[tilespmem:s6], [sflag:$0x3] =	stream.indirect.gather [hbm4b:s7+s11], $0x20, s31, s11, $0xb8;
	[tilespmem:$0x1E400] =	vst v63  }
0x1dd: {  	_ =	swait.ge [sflag:s5], $0x8000  }
0x1de: {  	[sflag:s5] =	ssyncset.done $0x0  }
0x1df: {  	s1 =	rddreg [dreg:$0x4];
	[sflag:s5] =	ssyncadd.s32 $0xFFFF8000  }
0x1e0: {  	[hbm4b:s1+s2] =	stream.linear.scatter [tilespmem:s4], [sflag:$0x4], $0x8000, $0x38;
	[tilespmem:$0x1E400] =	vst v63  }
0x1e1: {  	_ =	swait.ge [sflag:s3], $0x8000  }
0x1e2: {  	[sflag:s3] =	ssyncset.done $0x0  }
0x1e3: {  	s31 =	rddreg [dreg:$0x1e];
	[sflag:s3] =	ssyncadd.s32 $0xFFFF8000  }
0x1e4: {  	[tilespmem:s4], [sflag:$0x1] =	stream.indirect.gather [hbm4b:s7+s11], $0x20, s31, s11, $0xb8;
	[tilespmem:$0x1E400] =	vst v63  }
0x1e5: {  	_ =	swait.ge [sflag:s12], $0x8000  }
0x1e6: {  	[sflag:s12] =	ssyncset.done $0x0  }
0x1e7: {  	s1 =	rddreg [dreg:$0x5];
	[sflag:s12] =	ssyncadd.s32 $0xFFFF8000  }
0x1e8: {  	[hbm4b:s1+s2] =	stream.linear.scatter [tilespmem:s9], [sflag:$0x5], $0x8000, $0x38;
	[tilespmem:$0x1E400] =	vst v63  }
0x1e9: {  	_ =	swait.ge [sflag:s8], $0x8000  }
0x1ea: {  	[sflag:s8] =	ssyncset.done $0x0  }
0x1eb: {  	s31 =	rddreg [dreg:$0x1f];
	[sflag:s8] =	ssyncadd.s32 $0xFFFF8000  }
0x1ec: {  	[tilespmem:s9], [sflag:$0x2] =	stream.indirect.gather [hbm4b:s7+s11], $0x20, s31, s11, $0xb8;
	[tilespmem:$0x1E400] =	vst v63  }
0x1ed: {  	_ =	swait.ge [sflag:s13], $0x8000  }
0x1ee: {  	[sflag:s13] =	ssyncset.done $0x0  }
0x1ef: {  	s1 =	rddreg [dreg:$0x6];
	[sflag:s13] =	ssyncadd.s32 $0xFFFF8000  }
0x1f0: {  	[hbm4b:s1+s2] =	stream.linear.scatter [tilespmem:s6], [sflag:$0x6], $0x8000, $0x38;
	[tilespmem:$0x1E400] =	vst v63  }
0x1f1: {  	_ =	swait.ge [sflag:s10], $0x8000  }
0x1f2: {  	s31 =	sld [smem:$0x7FA]  }
0x1f3: {  	[sflag:s10] =	ssyncset.done $0x0  }
0x1f4: {  	[sflag:s10] =	ssyncadd.s32 $0xFFFF8000  }
0x1f5: {  	[tilespmem:s6], [sflag:$0x3] =	stream.indirect.gather [hbm4b:s7+s11], $0x20, s31, s11, $0xb8;
	[tilespmem:$0x1E400] =	vst v63  }
0x1f6: {  	_ =	swait.ge [sflag:s5], $0x8000  }
0x1f7: {  	[sflag:s5] =	ssyncset.done $0x0  }
0x1f8: {  	s1 =	rddreg [dreg:$0x7];
	[sflag:s5] =	ssyncadd.s32 $0xFFFF8000  }
0x1f9: {  	[hbm4b:s1+s2] =	stream.linear.scatter [tilespmem:s4], [sflag:$0x4], $0x8000, $0x38;
	[tilespmem:$0x1E400] =	vst v63  }
0x1fa: {  	_ =	swait.ge [sflag:s3], $0x8000  }
0x1fb: {  	s31 =	sld [smem:$0x7FB]  }
0x1fc: {  	[sflag:s3] =	ssyncset.done $0x0  }
0x1fd: {  	[sflag:s3] =	ssyncadd.s32 $0xFFFF8000  }
0x1fe: {  	[tilespmem:s4], [sflag:$0x1] =	stream.indirect.gather [hbm4b:s7+s11], $0x20, s31, s11, $0xb8;
	[tilespmem:$0x1E400] =	vst v63  }
0x1ff: {  	_ =	swait.ge [sflag:s12], $0x8000  }
0x200: {  	[sflag:s12] =	ssyncset.done $0x0  }
0x201: {  	s1 =	rddreg [dreg:$0x8];
	[sflag:s12] =	ssyncadd.s32 $0xFFFF8000  }
0x202: {  	[hbm4b:s1+s2] =	stream.linear.scatter [tilespmem:s9], [sflag:$0x5], $0x8000, $0x38;
	[tilespmem:$0x1E400] =	vst v63  }
0x203: {  	_ =	swait.ge [sflag:s8], $0x8000  }
0x204: {  	s31 =	sld [smem:$0x7FC]  }
0x205: {  	[sflag:s8] =	ssyncset.done $0x0  }
0x206: {  	[sflag:s8] =	ssyncadd.s32 $0xFFFF8000  }
0x207: {  	[tilespmem:s9], [sflag:$0x2] =	stream.indirect.gather [hbm4b:s7+s11], $0x20, s31, s11, $0xb8;
	[tilespmem:$0x1E400] =	vst v63  }
0x208: {  	_ =	swait.ge [sflag:s13], $0x8000  }
0x209: {  	[sflag:s13] =	ssyncset.done $0x0  }
0x20a: {  	s1 =	rddreg [dreg:$0x9];
	[sflag:s13] =	ssyncadd.s32 $0xFFFF8000  }
0x20b: {  	[hbm4b:s1+s2] =	stream.linear.scatter [tilespmem:s6], [sflag:$0x6], $0x8000, $0x38;
	[tilespmem:$0x1E400] =	vst v63  }
0x20c: {  	_ =	swait.ge [sflag:s10], $0x8000  }
0x20d: {  	s31 =	sld [smem:$0x7FD]  }
0x20e: {  	[sflag:s10] =	ssyncset.done $0x0  }
0x20f: {  	[sflag:s10] =	ssyncadd.s32 $0xFFFF8000  }
0x210: {  	[tilespmem:s6], [sflag:$0x3] =	stream.indirect.gather [hbm4b:s7+s11], $0x20, s31, s11, $0xb8;
	[tilespmem:$0x1E400] =	vst v63  }
0x211: {  	_ =	swait.ge [sflag:s5], $0x8000  }
0x212: {  	[sflag:s5] =	ssyncset.done $0x0  }
0x213: {  	s1 =	rddreg [dreg:$0xa];
	[sflag:s5] =	ssyncadd.s32 $0xFFFF8000  }
0x214: {  	[hbm4b:s1+s2] =	stream.linear.scatter [tilespmem:s4], [sflag:$0x4], $0x8000, $0x38;
	[tilespmem:$0x1E400] =	vst v63  }
0x215: {  	_ =	swait.ge [sflag:s3], $0x8000  }
0x216: {  	[sflag:s3] =	ssyncset.done $0x0  }
0x217: {  	[sflag:s3] =	ssyncadd.s32 $0xFFFF8000  }
0x218: {  	[tilespmem:s4], [sflag:$0x1] =	stream.indirect.gather [hbm4b:s7+s11], $0x20, s30, s11, $0xb8;
	[tilespmem:$0x1E400] =	vst v63  }
0x219: {  	_ =	swait.ge [sflag:s12], $0x8000  }
0x21a: {  	[sflag:s12] =	ssyncset.done $0x0  }
0x21b: {  	s30 =	rddreg [dreg:$0xb];
	[sflag:s12] =	ssyncadd.s32 $0xFFFF8000  }
0x21c: {  	[hbm4b:s30+s2] =	stream.linear.scatter [tilespmem:s9], [sflag:$0x5], $0x8000, $0x38;
	[tilespmem:$0x1E400] =	vst v63  }
0x21d: {  	_ =	swait.ge [sflag:s8], $0x8000  }
0x21e: {  	[sflag:s8] =	ssyncset.done $0x0  }
0x21f: {  	[sflag:s8] =	ssyncadd.s32 $0xFFFF8000  }
0x220: {  	[tilespmem:s9], [sflag:$0x2] =	stream.indirect.gather [hbm4b:s7+s11], $0x20, s29, s11, $0xb8;
	[tilespmem:$0x1E400] =	vst v63  }
0x221: {  	_ =	swait.ge [sflag:s13], $0x8000  }
0x222: {  	[sflag:s13] =	ssyncset.done $0x0  }
0x223: {  	s31 =	rddreg [dreg:$0xc];
	[sflag:s13] =	ssyncadd.s32 $0xFFFF8000  }
0x224: {  	[hbm4b:s31+s2] =	stream.linear.scatter [tilespmem:s6], [sflag:$0x6], $0x8000, $0x38;
	[tilespmem:$0x1E400] =	vst v63  }
0x225: {  	_ =	swait.ge [sflag:s10], $0x8000  }
0x226: {  	[sflag:s10] =	ssyncset.done $0x0  }
0x227: {  	[sflag:s10] =	ssyncadd.s32 $0xFFFF8000  }
0x228: {  	[tilespmem:s6], [sflag:$0x3] =	stream.indirect.gather [hbm4b:s7+s11], $0x20, s28, s11, $0xb8;
	[tilespmem:$0x1E400] =	vst v63  }
0x229: {  	_ =	swait.ge [sflag:s5], $0x8000  }
0x22a: {  	[sflag:s5] =	ssyncset.done $0x0  }
0x22b: {  	s1 =	rddreg [dreg:$0xd];
	[sflag:s5] =	ssyncadd.s32 $0xFFFF8000  }
0x22c: {  	[hbm4b:s1+s2] =	stream.linear.scatter [tilespmem:s4], [sflag:$0x4], $0x8000, $0x38;
	[tilespmem:$0x1E400] =	vst v63  }
0x22d: {  	_ =	swait.ge [sflag:s3], $0x8000  }
0x22e: {  	[sflag:s3] =	ssyncset.done $0x0  }
0x22f: {  	[sflag:s3] =	ssyncadd.s32 $0xFFFF8000  }
0x230: {  	[tilespmem:s4], [sflag:$0x1] =	stream.indirect.gather [hbm4b:s7+s11], $0x20, s26, s11, $0xb8;
	[tilespmem:$0x1E400] =	vst v63  }
0x231: {  	_ =	swait.ge [sflag:s12], $0x8000  }
0x232: {  	[sflag:s12] =	ssyncset.done $0x0  }
0x233: {  	s26 =	rddreg [dreg:$0xe];
	[sflag:s12] =	ssyncadd.s32 $0xFFFF8000  }
0x234: {  	[hbm4b:s26+s2] =	stream.linear.scatter [tilespmem:s9], [sflag:$0x5], $0x8000, $0x38;
	[tilespmem:$0x1E400] =	vst v63  }
0x235: {  	_ =	swait.ge [sflag:s8], $0x8000  }
0x236: {  	[sflag:s8] =	ssyncset.done $0x0  }
0x237: {  	[sflag:s8] =	ssyncadd.s32 $0xFFFF8000  }
0x238: {  	[tilespmem:s9], [sflag:$0x2] =	stream.indirect.gather [hbm4b:s7+s11], $0x20, s25, s11, $0xb8;
	[tilespmem:$0x1E400] =	vst v63  }
0x239: {  	_ =	swait.ge [sflag:s13], $0x8000  }
0x23a: {  	[sflag:s13] =	ssyncset.done $0x0  }
0x23b: {  	s28 =	rddreg [dreg:$0xf];
	[sflag:s13] =	ssyncadd.s32 $0xFFFF8000  }
0x23c: {  	[hbm4b:s28+s2] =	stream.linear.scatter [tilespmem:s6], [sflag:$0x6], $0x8000, $0x38;
	[tilespmem:$0x1E400] =	vst v63  }
0x23d: {  	_ =	swait.ge [sflag:s10], $0x8000  }
0x23e: {  	[sflag:s10] =	ssyncset.done $0x0  }
0x23f: {  	[sflag:s10] =	ssyncadd.s32 $0xFFFF8000  }
0x240: {  	[tilespmem:s6], [sflag:$0x3] =	stream.indirect.gather [hbm4b:s7+s11], $0x20, s24, s11, $0xb8;
	[tilespmem:$0x1E400] =	vst v63  }
0x241: {  	_ =	swait.ge [sflag:s5], $0x8000  }
0x242: {  	[sflag:s5] =	ssyncset.done $0x0  }
0x243: {  	s29 =	rddreg [dreg:$0x10];
	[sflag:s5] =	ssyncadd.s32 $0xFFFF8000  }
0x244: {  	[hbm4b:s29+s2] =	stream.linear.scatter [tilespmem:s4], [sflag:$0x4], $0x8000, $0x38;
	[tilespmem:$0x1E400] =	vst v63  }
0x245: {  	_ =	swait.ge [sflag:s3], $0x8000  }
0x246: {  	[sflag:s3] =	ssyncset.done $0x0  }
0x247: {  	[sflag:s3] =	ssyncadd.s32 $0xFFFF8000  }
0x248: {  	[tilespmem:s4], [sflag:$0x1] =	stream.indirect.gather [hbm4b:s7+s11], $0x20, s23, s11, $0xb8;
	[tilespmem:$0x1E400] =	vst v63  }
0x249: {  	_ =	swait.ge [sflag:s12], $0x8000  }
0x24a: {  	[sflag:s12] =	ssyncset.done $0x0  }
0x24b: {  	s30 =	rddreg [dreg:$0x11];
	[sflag:s12] =	ssyncadd.s32 $0xFFFF8000  }
0x24c: {  	[hbm4b:s30+s2] =	stream.linear.scatter [tilespmem:s9], [sflag:$0x5], $0x8000, $0x38;
	[tilespmem:$0x1E400] =	vst v63  }
0x24d: {  	_ =	swait.ge [sflag:s8], $0x8000  }
0x24e: {  	[sflag:s8] =	ssyncset.done $0x0  }
0x24f: {  	[sflag:s8] =	ssyncadd.s32 $0xFFFF8000  }
0x250: {  	[tilespmem:s9], [sflag:$0x2] =	stream.indirect.gather [hbm4b:s7+s11], $0x20, s22, s11, $0xb8;
	[tilespmem:$0x1E400] =	vst v63  }
0x251: {  	_ =	swait.ge [sflag:s13], $0x8000  }
0x252: {  	[sflag:s13] =	ssyncset.done $0x0  }
0x253: {  	s31 =	rddreg [dreg:$0x12];
	[sflag:s13] =	ssyncadd.s32 $0xFFFF8000  }
0x254: {  	[hbm4b:s31+s2] =	stream.linear.scatter [tilespmem:s6], [sflag:$0x6], $0x8000, $0x38;
	[tilespmem:$0x1E400] =	vst v63  }
0x255: {  	_ =	swait.ge [sflag:s10], $0x8000  }
0x256: {  	[sflag:s10] =	ssyncset.done $0x0  }
0x257: {  	[sflag:s10] =	ssyncadd.s32 $0xFFFF8000  }
0x258: {  	[tilespmem:s6], [sflag:$0x3] =	stream.indirect.gather [hbm4b:s7+s11], $0x20, s21, s11, $0xb8;
	[tilespmem:$0x1E400] =	vst v63  }
0x259: {  	_ =	swait.ge [sflag:s5], $0x8000  }
0x25a: {  	[sflag:s5] =	ssyncset.done $0x0  }
0x25b: {  	s1 =	rddreg [dreg:$0x13];
	[sflag:s5] =	ssyncadd.s32 $0xFFFF8000  }
0x25c: {  	[hbm4b:s1+s2] =	stream.linear.scatter [tilespmem:s4], [sflag:$0x4], $0x8000, $0x38;
	[tilespmem:$0x1E400] =	vst v63  }
0x25d: {  	_ =	swait.ge [sflag:s3], $0x8000  }
0x25e: {  	[sflag:s3] =	ssyncset.done $0x0  }
0x25f: {  	[sflag:s3] =	ssyncadd.s32 $0xFFFF8000  }
0x260: {  	[tilespmem:s4], [sflag:$0x1] =	stream.indirect.gather [hbm4b:s7+s11], $0x20, s20, s11, $0xb8;
	[tilespmem:$0x1E400] =	vst v63  }
0x261: {  	_ =	swait.ge [sflag:s12], $0x8000  }
0x262: {  	[sflag:s12] =	ssyncset.done $0x0  }
0x263: {  	s21 =	rddreg [dreg:$0x14];
	[sflag:s12] =	ssyncadd.s32 $0xFFFF8000  }
0x264: {  	[hbm4b:s21+s2] =	stream.linear.scatter [tilespmem:s9], [sflag:$0x5], $0x8000, $0x38;
	[tilespmem:$0x1E400] =	vst v63  }
0x265: {  	_ =	swait.ge [sflag:s8], $0x8000  }
0x266: {  	[sflag:s8] =	ssyncset.done $0x0  }
0x267: {  	[sflag:s8] =	ssyncadd.s32 $0xFFFF8000  }
0x268: {  	[tilespmem:s9], [sflag:$0x2] =	stream.indirect.gather [hbm4b:s7+s11], $0x20, s19, s11, $0xb8;
	[tilespmem:$0x1E400] =	vst v63  }
0x269: {  	_ =	swait.ge [sflag:s13], $0x8000  }
0x26a: {  	[sflag:s13] =	ssyncset.done $0x0  }
0x26b: {  	s22 =	rddreg [dreg:$0x15];
	[sflag:s13] =	ssyncadd.s32 $0xFFFF8000  }
0x26c: {  	[hbm4b:s22+s2] =	stream.linear.scatter [tilespmem:s6], [sflag:$0x6], $0x8000, $0x38;
	[tilespmem:$0x1E400] =	vst v63  }
0x26d: {  	_ =	swait.ge [sflag:s10], $0x8000  }
0x26e: {  	[sflag:s10] =	ssyncset.done $0x0  }
0x26f: {  	[sflag:s10] =	ssyncadd.s32 $0xFFFF8000  }
0x270: {  	[tilespmem:s6], [sflag:$0x3] =	stream.indirect.gather [hbm4b:s7+s11], $0x20, s18, s11, $0xb8;
	[tilespmem:$0x1E400] =	vst v63  }
0x271: {  	_ =	swait.ge [sflag:s5], $0x8000  }
0x272: {  	[sflag:s5] =	ssyncset.done $0x0  }
0x273: {  	s23 =	rddreg [dreg:$0x16];
	[sflag:s5] =	ssyncadd.s32 $0xFFFF8000  }
0x274: {  	[hbm4b:s23+s2] =	stream.linear.scatter [tilespmem:s4], [sflag:$0x4], $0x8000, $0x38;
	[tilespmem:$0x1E400] =	vst v63  }
0x275: {  	_ =	swait.ge [sflag:s3], $0x8000  }
0x276: {  	[sflag:s3] =	ssyncset.done $0x0  }
0x277: {  	[sflag:s3] =	ssyncadd.s32 $0xFFFF8000  }
0x278: {  	[tilespmem:s4], [sflag:$0x1] =	stream.indirect.gather [hbm4b:s7+s11], $0x20, s17, s11, $0xb8;
	[tilespmem:$0x1E400] =	vst v63  }
0x279: {  	_ =	swait.ge [sflag:s12], $0x8000  }
0x27a: {  	[sflag:s12] =	ssyncset.done $0x0  }
0x27b: {  	s24 =	rddreg [dreg:$0x17];
	[sflag:s12] =	ssyncadd.s32 $0xFFFF8000  }
0x27c: {  	[hbm4b:s24+s2] =	stream.linear.scatter [tilespmem:s9], [sflag:$0x5], $0x8000, $0x38;
	[tilespmem:$0x1E400] =	vst v63  }
0x27d: {  	_ =	swait.ge [sflag:s8], $0x8000  }
0x27e: {  	[sflag:s8] =	ssyncset.done $0x0  }
0x27f: {  	[sflag:s8] =	ssyncadd.s32 $0xFFFF8000  }
0x280: {  	[tilespmem:s9], [sflag:$0x2] =	stream.indirect.gather [hbm4b:s7+s11], $0x20, s16, s11, $0xb8;
	[tilespmem:$0x1E400] =	vst v63  }
0x281: {  	_ =	swait.ge [sflag:s13], $0x8000  }
0x282: {  	[sflag:s13] =	ssyncset.done $0x0  }
0x283: {  	s25 =	rddreg [dreg:$0x18];
	[sflag:s13] =	ssyncadd.s32 $0xFFFF8000  }
0x284: {  	[hbm4b:s25+s2] =	stream.linear.scatter [tilespmem:s6], [sflag:$0x6], $0x8000, $0x38;
	[tilespmem:$0x1E400] =	vst v63  }
0x285: {  	_ =	swait.ge [sflag:s10], $0x8000  }
0x286: {  	[sflag:s10] =	ssyncset.done $0x0  }
0x287: {  	[sflag:s10] =	ssyncadd.s32 $0xFFFF8000  }
0x288: {  	[tilespmem:s6], [sflag:$0x3] =	stream.indirect.gather [hbm4b:s7+s11], $0x20, s15, s11, $0xb8;
	[tilespmem:$0x1E400] =	vst v63  }
0x289: {  	_ =	swait.ge [sflag:s5], $0x8000  }
0x28a: {  	[sflag:s5] =	ssyncset.done $0x0  }
0x28b: {  	s26 =	rddreg [dreg:$0x19];
	[sflag:s5] =	ssyncadd.s32 $0xFFFF8000  }
0x28c: {  	[hbm4b:s26+s2] =	stream.linear.scatter [tilespmem:s4], [sflag:$0x4], $0x8000, $0x38;
	[tilespmem:$0x1E400] =	vst v63  }
0x28d: {  	_ =	swait.ge [sflag:s3], $0x8000  }
0x28e: {  	[sflag:s3] =	ssyncset.done $0x0  }
0x28f: {  	[sflag:s3] =	ssyncadd.s32 $0xFFFF8000  }
0x290: {  	[tilespmem:s4], [sflag:$0x1] =	stream.indirect.gather [hbm4b:s7+s11], $0x20, s14, s11, $0xb8;
	[tilespmem:$0x1E400] =	vst v63  }
0x291: {  	_ =	swait.ge [sflag:s12], $0x8000  }
0x292: {  	[sflag:s12] =	ssyncset.done $0x0  }
0x293: {  	s28 =	rddreg [dreg:$0x1a];
	[sflag:s12] =	ssyncadd.s32 $0xFFFF8000  }
0x294: {  	[hbm4b:s28+s2] =	stream.linear.scatter [tilespmem:s9], [sflag:$0x5], $0x8000, $0x38;
	[tilespmem:$0x1E400] =	vst v63  }
0x295: {  	_ =	swait.ge [sflag:s13], $0x8000  }
0x296: {  	[sflag:s13] =	ssyncset.done $0x0  }
0x297: {  	s29 =	rddreg [dreg:$0x1b];
	[sflag:s13] =	ssyncadd.s32 $0xFFFF8000  }
0x298: {  	[hbm4b:s29+s2] =	stream.linear.scatter [tilespmem:s6], [sflag:$0x6], $0x8000, $0x38;
	[tilespmem:$0x1E400] =	vst v63  }
0x299: {  	_ =	swait.ge [sflag:s5], $0x8000  }
0x29a: {  	[sflag:s5] =	ssyncset.done $0x0  }
0x29b: {  	s30 =	rddreg [dreg:$0x1c];
	[sflag:s5] =	ssyncadd.s32 $0xFFFF8000  }
0x29c: {  	[hbm4b:s30+s2] =	stream.linear.scatter [tilespmem:s4], [sflag:$0x4], $0x8000, $0x38;
	[tilespmem:$0x1E400] =	vst v63  }
0x29d: {  	_ =	swait.ge [sflag:s8], $0x8000  }
0x29e: {  	[sflag:s8] =	ssyncset.done $0x0  }
0x29f: {  	[sflag:s8] =	ssyncadd.s32 $0xFFFF8000  }
0x2a0: {  	_ =	swait.ge [sflag:s10], $0x8000  }
0x2a1: {  	[sflag:s10] =	ssyncset.done $0x0  }
0x2a2: {  	[sflag:s10] =	ssyncadd.s32 $0xFFFF8000  }
0x2a3: {  	_ =	swait.ge [sflag:s3], $0x8000  }
0x2a4: {  	[sflag:s3] =	ssyncset.done $0x0  }
0x2a5: {  	[sflag:s3] =	ssyncadd.s32 $0xFFFF8000  }
0x2a6: {  	_ =	sfence.sel $0x180000  }
0x2a7: {  	[bflag:$0x0] =	sbarrier.arrive $0xFFFF  }
0x2a8: {  	_ =	strace $0x90000047  }
0x2a9: {  	s31 =	stileid.u32;
	[bflag:$0x2] =	sbarrier.arrive $0xFFFF  }
0x2aa: {  	p0 =	sne.s32 s31, $0x0;
	s0 =	rddreg [dreg:$0x2]  }
0x2ab: {  	s0 =	sadd.s32 @!p0 $0x100000, s0  }
0x2ac: {  	[sflag:s0] =	ssyncadd.tile.s32 @!p0 $0x1;
	_ =	shalt  }
.Lfunc_end2:
_tile_overlayer_lowered:
.L_overlay_start_2:
0x2ad: {  	(tag) =	ssettag $0x2  }
0x2ae: {  	s0 =	rddreg [dreg:$0x0];
	s2 =	stileid.u32  }
0x2af: {  	s1 =	rddreg [dreg:$0x1];
	p0 =	sne.s32 s2, $0x0  }
0x2b0: {  	s3 =	rddreg [dreg:$0x2];
	[bflag:$0x3] =	sbarrier.arrive $0xFFFF;
	s2 =	simm.s32 @!p0 $0x1C07  }
0x2b1: {  	[timem:s3], [sflag:s2] =	dma.local @!p0 [hbm:s0], s1  }
0x2b2: {  	s0 =	simm.s32 @!p0 $0x7  }
0x2b3: {  	_ =	swait.ge @!p0 [sflag:s0], s1  }
0x2b4: {  	s1 =	ssub.s32 @!p0 $0x0, s1;
	[sflag:s0] =	ssyncset.done @!p0 $0x0  }
0x2b5: {  	[sflag:s0] =	ssyncadd.s32 @!p0 s1  }
0x2b6: {  	[bflag:$0x3] =	sbarrier.arrive $0xFFFF  }
0x2b7: {  	_ =	shalt  }

// kernel: sparse-core-data-format-call.1.cloned.1.call-start
scs
called_computation.1_lowered:
.L_overlay_start_0:
0x0: {  	s2 =	sld [smem:$0x3FD9]  }
0x1: {  	s3 =	sld [smem:$0x3FFE];
	_ =	sdelay $0x1  }
0x2: {  	s1 =	srdreg.scid  }
0x3: {  	s0 =	sand.u32 $0x1, s1  }
0x4: {  	s18 =	sshll.u32 s0, $0xA;
	s2 =	sadd.s32 s3, s2  }
0x5: {  	s2 =	sadd.s32 s2, s18  }
0x6: {  	[smem:$0x3FC6] =	sst s2  }
0x7: {  	_ = 	snop  }
0x8: {  	s2 =	sld [smem:$0x3FD0];
	(tm) =	ssettm $0x1  }
0x9: {  	s19 =	sld [smem:$0x3FFB];
	_ =	sdelay $0x3  }
0xa: {  	_ =	strace s19  }
0xb: {  	s3 =	sld [smem:$0x3FFC];
	_ =	sdelay $0x3  }
0xc: {  	_ =	strace s3  }
0xd: {  	s3 =	sld [smem:$0x3FFD];
	_ =	sdelay $0x3  }
0xe: {  	_ =	strace s3  }
0xf: {  	_ =	strace $0x8FFFFFFF  }
0x10: {  	s20 =	sld [smem:$0x3FDB];
	_ =	sdelay $0x1  }
0x11: {  	s4 =	simm.s32 $_scs_section_size  }
0x12: {  	s5 =	simm.s32 $_size__tile_overlayer_lowered;
	s6 =	simm.s32 $_tile_overlayer_lowered  }
0x13: {  	s23 =	simm.s32 $0x1BFF;
	s22 =	sshll.u32 s6, $0x1;
	s3 =	sadd.s32 s4, s20  }
0x14: {  	s7 =	simm.s32 $0x0;
	s21 =	sshll.u32 s5, $0x1;
	s5 =	sadd.s32 s22, s3  }
0x15: {  	[timem:s7], [sflag:s23] =	dma.local [hbm:s5], s21  }
0x16: {  	_ =	swait.ge [sflag:s23], s21  }
0x17: {  	s4 =	ssub.s32 $0x0, s21;
	[sflag:s23] =	ssyncset.done $0x0  }
0x18: {  	[sflag:s23] =	ssyncadd.s32 s4;
	_ =	sdelay $0x1  }
0x19: {  	s24 =	simm.s32 $0x1B8B  }
0x1a: {  	_ =	swait.ge [sflag:s24], $0x1  }
0x1b: {  	[sflag:s24] =	ssyncset.done $0x0  }
0x1c: {  	s26 =	simm.s32 $0x1B8E;
	s25 =	sld [smem:$0x3FFE];
	[sflag:s24] =	ssyncadd.s32 $0xFFFFFFFF  }
0x1d: {  	s27 =	simm.s32 $execute0_lowered;
	[smem:$0x3FD2] =	sst s26  }
0x1e: {  	s5 =	sshll.u32 s27, $0x1;
	_ =	strace $0x80000049;
	[dreg:$0x1] =	wrdreg $0xFFFFFFFF  }
0x1f: {  	s28 =	simm.s32 $_size_execute0_lowered;
	s3 =	sadd.s32 s3, s5;
	[dreg:$0x0] =	wrdreg $0x0  }
0x20: {  	s5 =	sshll.u32 s28, $0x1;
	[dreg:$0x2] =	wrdreg s3  }
0x21: {  	[dreg:$0x3] =	wrdreg s5  }
0x22: {  	[dreg:$0x4] =	wrdreg $0xC0  }
0x23: {  	_ =	task [dreg:s7], $0x5FFFF  }
0x24: {  	[dreg:$0x1] =	wrdreg $0xFFFFFFFF  }
0x25: {  	[dreg:$0x0] =	wrdreg $0x60  }
0x26: {  	[dreg:$0x2] =	wrdreg s25  }
0x27: {  	[dreg:$0x3] =	wrdreg s2  }
0x28: {  	[dreg:$0x4] =	wrdreg $0x9  }
0x29: {  	_ =	task.clear_ibuf [dreg:s7], $0x5FFFF;
	_ =	strace $0x90000049  }
0x2a: {  	s29 =	simm.s32 $0x9;
	_ =	strace $0x8000004B  }
0x2b: {  	_ =	swait.ge [sflag:s29], $0x1  }
0x2c: {  	[sflag:s29] =	ssyncadd.s32 $0xFFFFFFFF  }
0x2d: {  	_ =	strace $0x9000004B  }
0x2e: {  	_ =	sfence  }
0x2f: {  	s30 =	sld [smem:$0x0];
	_ =	sdelay $0x2  }
0x30: {  	s31 =	sshll.u32 s1, $0xD;
	s1 =	sshrl.u32 s1, $0x2  }
0x31: {  	s3 =	sand.u32 $0x4000, s31;
	s1 =	sadd.s32 s1, s30  }
0x32: {  	s0 =	sor.u32 s3, s0;
	s1 =	sshll.u32 s1, $0x11  }
0x33: {  	s0 =	sor.u32 s1, s0  }
0x34: {  	s0 =	sadd.s32 $0x8F2B, s0  }
0x35: {  	[sflag:s0] =	ssyncadd.remote.s32 $0x1  }
0x36: {  	_ =	sfence.sel $0xFFFF  }
0x37: {  	[dreg:$0x0] =	wrdreg $0xFFFFFFFF;
	(pc) =	sbr.abs _section_cstart, $3  }
0x38: {  	[dreg:$0x1] =	wrdreg $0xFFFFFFFF  }
0x39: {  	_ =	task.clear_ibuf [dreg:s7], $0x2FFFF;
	_ =	strace $0x9FFFFFFF  }
0x3a: {  	(tm) =	ssettm $0x7FFFFFFF  }
0x3b: {  	_ =	shalt  }
tec
execute0_lowered:
.L_overlay_start_1:
0x0: {  	(tag) =	ssettag $0x1  }
0x1: {  	s0 =	srdreg.scid  }
0x2: {  	s1 =	sshll.u32 s0, $0x4  }
0x3: {  	s4 =	rddreg [dreg:$0x0];
	s0 =	stileid.u32;
	s1 =	sand.u32 $0x10, s1  }
0x4: {  	s2 =	rddreg [dreg:$0x1];
	s7 =	simm.s32 $0x1;
	s1 =	sor.u32 s0, s1  }
0x5: {  	s8 =	simm.s32 $0x2;
	s11 =	simm.s32 $0x0;
	s3 =	sshll.u32 s1, $0x7  }
0x6: {  	s10 =	simm.s32 $0x0;
	s4 =	sadd.s32 $0xE00, s4;
	s6 =	ssub.s32 $0xC8000, s3  }
.Ltmp0:
0x7: {  	s1 =	rddreg [dreg:$0x2];
	s5 =	sand.u32 $0xF80, s6;
	(pc) =	sbr.rel .LBB1_1-.Ltmp0, $4  }
0x8: {  	_ =	strace $0x8000004A;
	s9 =	smov.u32 s3;
	p0 =	sne.s32 s5, $0x0  }
0x9: {  	s6 =	sshrl.u32 s6, $0xC;
	s5 =	simm.s32 $0x1;
	s7 =	simm.s32 @!p0 $0x0  }
0xa: {  	[sflag:s5] =	ssyncpa.u1 $0x0;
	p0 =	por $0x0, $0x0;
	s6 =	sadd.s32 s7, s6  }
0xb: {  	[sflag:s8] =	ssyncpa.u1 $0x0;
	s8 =	simm.s32 $0x640000;
	s7 =	sadd.s32 $0x1, s6  }
.LBB1_4:
0xc: {  	s14 =	sshll.u32 s11, $0x3  }
0xd: {  	s30 =	sand.u32 $0x7F, s11;
	s15 =	sand.u32 $0xFFFFFC00, s14  }
0xe: {  	s11 =	sor.u32 s30, s15  }
0xf: {  	s15 =	smulhi.u32 $0x51EB851F, s11  }
0x10: {  	s14 =	smulhi.u32 $0x51EB851F, s14  }
0x11: {  	s15 =	sshrl.u32 s15, $0x12  }
0x12: {  	s14 =	sshrl.u32 s14, $0x12;
	s15 =	smul.u32 $0xC8000, s15  }
0x13: {  	s14 =	sand.u32 $0x1F, s14  }
0x14: {  	s14 =	smul.u32 $0x19000, s14;
	s11 =	ssub.s32 s11, s15  }
0x15: {  	s15 =	sand.u32 $0x7, s11  }
0x16: {  	s14 =	sadd.s32 s2, s14;
	s11 =	sshrl.u32 s11, $0x3;
	s15 =	sshll.u32 s15, $0x12  }
0x17: {  	[tilespmem:s13+$0x0 ss:$0x81] =	vst.msk $0xffff, v0;
	s11 =	sadd.s32 s11, s14;
	s31 =	sor.u32 $0x400, s15  }
0x18: {  	[hbm4b:s11+s31] =	stream.strided.scatter [tilespmem:s12], [sflag:$0x2], $0x1000, s8, s31, $0x20;
	[tilespmem:$0x4040] =	vst v63  }
.LBB1_5:
0x19: {  	s13 =	sadd.s32 $0x1000, s9  }
0x1a: {  	p2 =	sgt.s32 s13, $0xC7FFF  }
0x1b: {  	s13 =	smov.u32 @p2 s3;
	p2 =	sne.s32 s10, s7  }
.Ltmp1:
0x1c: {  	p1 =	slt.u32 s10, $0x2;
	(pc) =	sbr.rel @!p2 .LBB1_6-.Ltmp1, $4  }
0x1d: {  	s12 =	simm.s32 @!p1 $0x2  }
0x1e: {  	s14 =	sadd.s32 $0x1, s10;
	_ =	swait.ge @!p1 [sflag:s12], $0x1000  }
0x1f: {  	s11 =	smov.u32 s9;
	p0 =	por !p0, !p0;
	[sflag:s12] =	ssyncset.done @!p1 $0x0  }
0x20: {  	s10 =	smov.u32 s14;
	s9 =	smov.u32 s13;
	[sflag:s12] =	ssyncadd.s32 @!p1 $0xFFFFF000  }
.LBB1_1:
0x21: {  	p1 =	sge.u32 s10, s6  }
0x22: {  	s12 =	sand.u32 @!p1 $0x1FFFFFF, s9  }
0x23: {  	s13 =	smulhi.u32 @!p1 $0x147AE15, s12;
	_ =	sdelay $0x1  }
0x24: {  	s13 =	sshrl.u32 @!p1 s13, $0xC  }
0x25: {  	s13 =	smul.u32 @!p1 $0xC8000, s13;
	_ =	sdelay $0x1  }
0x26: {  	s31 =	sadd.s32 $0xFFFFFFFF, s10;
	s14 =	sxor.u32 @!p1 $0xFFFFFFFF, s10;
	s12 =	ssub.s32 @!p1 s12, s13  }
0x27: {  	s15 =	simm.s32 @!p1 $0x80;
	s14 =	sshll.u32 @!p1 s14, $0xC;
	s12 =	sshll.u32 @!p1 s12, $0x4  }
0x28: {  	s13 =	sand.u32 @!p1 $0x1000, s14;
	s14 =	simm.s32 @!p1 $0x20;
	s12 =	sadd.s32 @!p1 s4, s12  }
0x29: {  	[tilespmem:s13], [sflag:$0x1] =	stream.strided.gather @!p1 [hbm4b:s12+s14], $0x1000, s15, s14, $0x38;
	[tilespmem:$0x4040] =	vst v63  }
0x2a: {  	p1 =	sge.u32 s31, s6  }
.Ltmp2:
0x2b: {  	_ = 	snop;
	(pc) =	sbr.rel @p1 .LBB1_5-.Ltmp2, $1  }
0x2c: {  	_ =	sdelay $0x3  }
0x2d: {  	s12 =	simm.s32 $0x1  }
0x2e: {  	_ =	swait.ge [sflag:s5], $0x1000;
	s12 =	simm.s32 @!p0 $0x0  }
0x2f: {  	[sflag:s5] =	ssyncset.done $0x0;
	s13 =	sshll.u32 s12, $0xC  }
0x30: {  	[sflag:s5] =	ssyncadd.s32 $0xFFFFF000;
	s16 =	sor.u32 $0x10, s13  }
0x31: {  	s12 =	smul.u32 $0x4080, s12;
	v1 =	vld [tilespmem:s16+$0x0]  }
0x32: {  	s30 =	sand.u32 $0x1, s10;
	v0 =	vld [tilespmem:s16+$0xFFFFFFF0]  }
0x33: {  	s13 =	smul.u32 $0x4080, s30;
	s12 =	sshrl.u32 s12, $0x2  }
0x34: {  	s14 =	sor.u32 $0x2000, s12  }
0x35: {  	s31 =	sshrl.u32 s13, $0x2;
	s13 =	sadd.s32 $0x0, s14  }
0x36: {  	s15 =	simm.s32 $0x4;
	s16 =	sadd.s32 $0x20, s16;
	s12 =	sor.u32 $0x2000, s31;
	[tilespmem:s13+$0x810 ss:$0x81] =	vst.msk $0xffff, v1  }
.LBB1_3:
0x37: {  	v1 =	vld [tilespmem:s16+$0x0];
	p1 =	sne.s32 s15, $0x1FC;
	[tilespmem:s13+$0x0 ss:$0x81] =	vst.msk $0xffff, v0;
	s13 =	smov.u32 s15;
	s15 =	sadd.s32 $0x4, s15  }
.Ltmp3:
0x38: {  	v0 =	vld [tilespmem:s16+$0xFFFFFFF0];
	(pc) =	sbr.rel @p1 .LBB1_3-.Ltmp3, $4  }
0x39: {  	_ = 	snop  }
0x3a: {  	s13 =	sshra.s32 s13, $0x2  }
0x3b: {  	s13 =	sadd.s32 s13, s14  }
0x3c: {  	s16 =	sadd.s32 $0x20, s16;
	[tilespmem:s13+$0x810 ss:$0x81] =	vst.msk $0xffff, v1  }
.Ltmp4:
0x3d: {  	_ = 	snop;
	(pc) =	sbr.rel .LBB1_4-.Ltmp4, $1  }
0x3e: {  	_ =	sdelay $0x3  }
.LBB1_6:
0x3f: {  	_ =	sfence.sel $0x180000  }
0x40: {  	s2 =	simm.s32 $0x1;
	[bflag:$0x0] =	sbarrier.arrive $0xFFFF  }
0x41: {  	s31 =	simm.s32 $0x2;
	[sflag:s2] =	ssyncpa.u1 $0x1  }
0x42: {  	[sflag:s31] =	ssyncpa.u1 $0x1  }
0x43: {  	p0 =	sne.s32 s0, $0x0;
	_ =	strace $0x9000004A  }
0x44: {  	s0 =	sadd.s32 @!p0 $0x100000, s1;
	[bflag:$0x2] =	sbarrier.arrive $0xFFFF  }
0x45: {  	[sflag:s0] =	ssyncadd.tile.s32 @!p0 $0x1;
	_ =	shalt  }
.Lfunc_end1:
_tile_overlayer_lowered:
.L_overlay_start_2:
0x46: {  	(tag) =	ssettag $0x2  }
0x47: {  	s0 =	rddreg [dreg:$0x0];
	s2 =	stileid.u32  }
0x48: {  	s1 =	rddreg [dreg:$0x1];
	p0 =	sne.s32 s2, $0x0  }
0x49: {  	s3 =	rddreg [dreg:$0x2];
	[bflag:$0x3] =	sbarrier.arrive $0xFFFF;
	s2 =	simm.s32 @!p0 $0x1C01  }
0x4a: {  	[timem:s3], [sflag:s2] =	dma.local @!p0 [hbm:s0], s1  }
0x4b: {  	s0 =	simm.s32 @!p0 $0x1  }
0x4c: {  	_ =	swait.ge @!p0 [sflag:s0], s1  }
0x4d: {  	s1 =	ssub.s32 @!p0 $0x0, s1;
	[sflag:s0] =	ssyncset.done @!p0 $0x0  }
0x4e: {  	[sflag:s0] =	ssyncadd.s32 @!p0 s1  }
0x4f: {  	[bflag:$0x3] =	sbarrier.arrive $0xFFFF  }
0x50: {  	_ =	shalt  }

// kernel: sparse-core-data-format-call.cloned.1.call-start
scs
called_computation_lowered:
.L_overlay_start_0:
0x0: {  	s2 =	sld [smem:$0x3FD9]  }
0x1: {  	s3 =	sld [smem:$0x3FFE];
	_ =	sdelay $0x1  }
0x2: {  	s1 =	srdreg.scid  }
0x3: {  	s0 =	sand.u32 $0x1, s1  }
0x4: {  	s18 =	sshll.u32 s0, $0xA;
	s2 =	sadd.s32 s3, s2  }
0x5: {  	s2 =	sadd.s32 s2, s18  }
0x6: {  	[smem:$0x3FC6] =	sst s2  }
0x7: {  	_ = 	snop  }
0x8: {  	s2 =	sld [smem:$0x3FD0];
	(tm) =	ssettm $0x1  }
0x9: {  	s19 =	sld [smem:$0x3FFB];
	_ =	sdelay $0x3  }
0xa: {  	_ =	strace s19  }
0xb: {  	s3 =	sld [smem:$0x3FFC];
	_ =	sdelay $0x3  }
0xc: {  	_ =	strace s3  }
0xd: {  	s3 =	sld [smem:$0x3FFD];
	_ =	sdelay $0x3  }
0xe: {  	_ =	strace s3  }
0xf: {  	_ =	strace $0x8FFFFFFF  }
0x10: {  	s20 =	sld [smem:$0x3FDB];
	_ =	sdelay $0x1  }
0x11: {  	s4 =	simm.s32 $_scs_section_size  }
0x12: {  	s5 =	simm.s32 $_size__tile_overlayer_lowered;
	s6 =	simm.s32 $_tile_overlayer_lowered  }
0x13: {  	s23 =	simm.s32 $0x1BFF;
	s22 =	sshll.u32 s6, $0x1;
	s3 =	sadd.s32 s4, s20  }
0x14: {  	s7 =	simm.s32 $0x0;
	s21 =	sshll.u32 s5, $0x1;
	s5 =	sadd.s32 s22, s3  }
0x15: {  	[timem:s7], [sflag:s23] =	dma.local [hbm:s5], s21  }
0x16: {  	_ =	swait.ge [sflag:s23], s21  }
0x17: {  	s4 =	ssub.s32 $0x0, s21;
	[sflag:s23] =	ssyncset.done $0x0  }
0x18: {  	[sflag:s23] =	ssyncadd.s32 s4;
	_ =	sdelay $0x1  }
0x19: {  	s24 =	simm.s32 $0x1B8B  }
0x1a: {  	_ =	swait.ge [sflag:s24], $0x1  }
0x1b: {  	[sflag:s24] =	ssyncset.done $0x0  }
0x1c: {  	s26 =	simm.s32 $0x1B8E;
	s25 =	sld [smem:$0x3FFE];
	[sflag:s24] =	ssyncadd.s32 $0xFFFFFFFF  }
0x1d: {  	s27 =	simm.s32 $execute0_lowered;
	[smem:$0x3FD2] =	sst s26  }
0x1e: {  	s5 =	sshll.u32 s27, $0x1;
	_ =	strace $0x8000004C;
	[dreg:$0x1] =	wrdreg $0xFFFFFFFF  }
0x1f: {  	s28 =	simm.s32 $_size_execute0_lowered;
	s3 =	sadd.s32 s3, s5;
	[dreg:$0x0] =	wrdreg $0x0  }
0x20: {  	s5 =	sshll.u32 s28, $0x1;
	[dreg:$0x2] =	wrdreg s3  }
0x21: {  	[dreg:$0x3] =	wrdreg s5  }
0x22: {  	[dreg:$0x4] =	wrdreg $0xC0  }
0x23: {  	_ =	task [dreg:s7], $0x5FFFF  }
0x24: {  	[dreg:$0x1] =	wrdreg $0xFFFFFFFF  }
0x25: {  	[dreg:$0x0] =	wrdreg $0x60  }
0x26: {  	[dreg:$0x2] =	wrdreg s25  }
0x27: {  	[dreg:$0x3] =	wrdreg s2  }
0x28: {  	[dreg:$0x4] =	wrdreg $0x9  }
0x29: {  	_ =	task.clear_ibuf [dreg:s7], $0x5FFFF;
	_ =	strace $0x9000004C  }
0x2a: {  	s29 =	simm.s32 $0x9;
	_ =	strace $0x8000004E  }
0x2b: {  	_ =	swait.ge [sflag:s29], $0x1  }
0x2c: {  	[sflag:s29] =	ssyncadd.s32 $0xFFFFFFFF  }
0x2d: {  	_ =	strace $0x9000004E  }
0x2e: {  	_ =	sfence  }
0x2f: {  	s30 =	sld [smem:$0x0];
	_ =	sdelay $0x2  }
0x30: {  	s31 =	sshll.u32 s1, $0xD;
	s1 =	sshrl.u32 s1, $0x2  }
0x31: {  	s3 =	sand.u32 $0x4000, s31;
	s1 =	sadd.s32 s1, s30  }
0x32: {  	s0 =	sor.u32 s3, s0;
	s1 =	sshll.u32 s1, $0x11  }
0x33: {  	s0 =	sor.u32 s1, s0  }
0x34: {  	s0 =	sadd.s32 $0x8F2B, s0  }
0x35: {  	[sflag:s0] =	ssyncadd.remote.s32 $0x1  }
0x36: {  	_ =	sfence.sel $0xFFFF  }
0x37: {  	[dreg:$0x0] =	wrdreg $0xFFFFFFFF;
	(pc) =	sbr.abs _section_cstart, $3  }
0x38: {  	[dreg:$0x1] =	wrdreg $0xFFFFFFFF  }
0x39: {  	_ =	task.clear_ibuf [dreg:s7], $0x2FFFF;
	_ =	strace $0x9FFFFFFF  }
0x3a: {  	(tm) =	ssettm $0x7FFFFFFF  }
0x3b: {  	_ =	shalt  }
tec
execute0_lowered:
.L_overlay_start_1:
0x0: {  	(tag) =	ssettag $0x1  }
0x1: {  	s8 =	rddreg [dreg:$0x0]  }
0x2: {  	s2 =	rddreg [dreg:$0x1];
	s1 =	stileid.u32  }
0x3: {  	s4 =	srdreg.scid;
	s0 =	rddreg [dreg:$0x2];
	_ =	strace $0x8000004D  }
0x4: {  	s9 =	simm.s32 $0x1;
	s31 =	simm.s32 $0x2;
	s16 =	simm.s32 $0x0  }
0x5: {  	s17 =	simm.s32 $0x0;
	s11 =	simm.s32 $0x0;
	s12 =	simm.s32 $0x0  }
0x6: {  	s15 =	simm.s32 $0x0;
	s3 =	sshll.u32 s1, $0x1;
	s4 =	sshll.u32 s4, $0x7  }
0x7: {  	s4 =	sand.u32 $0x80, s4;
	s5 =	ssub.s32 $0x20, s3;
	s14 =	smov.u32 s3  }
0x8: {  	s6 =	sshrl.u32 s5, $0x5;
	s5 =	sand.u32 $0x1E, s5;
	s7 =	ssub.s32 $0x4000, s4  }
0x9: {  	p0 =	sne.s32 s5, $0x0;
	s30 =	sshrl.u32 s7, $0x7;
	s7 =	sshrl.u32 s7, $0x8  }
.Ltmp0:
0xa: {  	s9 =	simm.s32 @!p0 $0x0;
	s10 =	sand.u32 $0x1, s30;
	(pc) =	sbr.rel .LBB1_1-.Ltmp0, $4  }
0xb: {  	s5 =	simm.s32 $0x1;
	s6 =	sadd.s32 s9, s6;
	s7 =	sadd.s32 s7, s10  }
0xc: {  	s13 =	smov.u32 s4;
	[sflag:s5] =	ssyncpa.u1 $0x0;
	s6 =	smul.u32 s6, s7  }
0xd: {  	p0 =	por $0x0, $0x0;
	[sflag:s31] =	ssyncpa.u1 $0x0;
	s10 =	simm.s32 $0x80000  }
0xe: {  	s7 =	sadd.s32 $0xE00, s8;
	s8 =	sadd.s32 $0x40E00, s8;
	s9 =	sadd.s32 $0x1, s6  }
.LBB1_7:
0xf: {  	p1 =	slt.u32 s15, $0x2  }
0x10: {  	s19 =	smov.u32 s17;
	p2 =	sgt.s32 @!p1 s17, $0x1E;
	s18 =	sshra.s32 @!p1 s17, $0x1F  }
0x11: {  	p3 =	sgt.s32 @!p1 s16, $0x3F80;
	s20 =	sshra.s32 @!p1 s16, $0x1F;
	p2 =	por !p2, p1  }
0x12: {  	s17 =	sand.u32 @!p1 s18, s17;
	p3 =	por !p3, p1;
	s18 =	smov.u32 s16  }
0x13: {  	s16 =	sand.u32 @!p1 s20, s16;
	s19 =	simm.s32 @p2 $0x1E;
	s18 =	simm.s32 @p3 $0x3F80  }
0x14: {  	s20 =	smov.u32 s14;
	s17 =	ssub.s32 @!p1 s19, s17;
	s16 =	ssub.s32 @!p1 s18, s16  }
0x15: {  	s18 =	sadd.s32 @!p1 $0xFFFFFFE2, s17;
	s17 =	ssub.s32 @!p1 $0x20, s17;
	s19 =	sadd.s32 @!p1 $0xFFFFC080, s16  }
0x16: {  	p2 =	sgt.s32 @!p1 s18, $0x1;
	s17 =	smul.u32 @!p1 $0x32, s17;
	p3 =	sgt.s32 @!p1 s19, $0x7F  }
0x17: {  	s16 =	ssub.s32 @!p1 $0x4000, s16;
	p2 =	por !p2, p1;
	p3 =	por !p3, p1  }
0x18: {  	s18 =	sadd.s32 $0x100, s13;
	s17 =	simm.s32 @!p2 $0x0;
	s16 =	simm.s32 @!p3 $0x0  }
0x19: {  	p2 =	sgt.s32 s18, $0x3FFF;
	s16 =	smul.u32 @!p1 s16, s17;
	s17 =	sadd.s32 $0x20, s14  }
0x1a: {  	s20 =	smov.u32 @p2 s17  }
0x1b: {  	s18 =	smov.u32 @p2 s4;
	p2 =	sgt.s32 s20, $0x1F  }
0x1c: {  	s20 =	smov.u32 @p2 s3;
	p2 =	sne.s32 s15, s9  }
.Ltmp1:
0x1d: {  	p0 =	por !p0, !p0;
	s19 =	simm.s32 @!p1 $0x2;
	(pc) =	sbr.rel @!p2 .LBB1_8-.Ltmp1, $4  }
0x1e: {  	s17 =	smov.u32 s12;
	s12 =	smov.u32 s14;
	s16 =	sand.u32 @!p1 $0x3FFFFFFE, s16  }
0x1f: {  	_ =	swait.ge @!p1 [sflag:s19], s16;
	s21 =	ssub.s32 @!p1 $0x0, s16;
	s16 =	smov.u32 s11  }
0x20: {  	s15 =	sadd.s32 $0x1, s15;
	s11 =	smov.u32 s13;
	[sflag:s19] =	ssyncset.done @!p1 $0x0  }
0x21: {  	s13 =	smov.u32 s18;
	s14 =	smov.u32 s20;
	[sflag:s19] =	ssyncadd.s32 @!p1 s21  }
.LBB1_1:
0x22: {  	p1 =	sge.u32 s15, s6  }
0x23: {  	s18 =	sxor.u32 @!p1 $0xFFFFFFFF, s15;
	s19 =	sshll.u32 @!p1 s14, $0x12  }
0x24: {  	s20 =	sshll.u32 @!p1 s13, $0x4;
	s22 =	simm.s32 @!p1 $0x40;
	s23 =	simm.s32 @!p1 $0x80  }
0x25: {  	s18 =	sshll.u32 @!p1 s18, $0xE;
	s20 =	sand.u32 @!p1 $0x3FFF0, s20;
	s21 =	sadd.s32 @!p1 s7, s19  }
0x26: {  	s19 =	sadd.s32 @!p1 s19, s8;
	s18 =	sand.u32 @!p1 $0x4000, s18;
	s21 =	sadd.s32 @!p1 s20, s21  }
0x27: {  	[tilespmem:s18], [sflag:$0x1] =	stream.strided.gather @!p1 [hbm4b:s21+s22], $0x2000, s23, s22, $0x38;
	[tilespmem:$0x10100] =	vst v63  }
0x28: {  	s31 =	sadd.s32 $0xFFFFFFFF, s15;
	s19 =	sadd.s32 @!p1 s20, s19;
	s18 =	sor.u32 @!p1 $0x2000, s18  }
0x29: {  	[tilespmem:s18], [sflag:$0x1] =	stream.strided.gather @!p1 [hbm4b:s19+s22], $0x2000, s23, s22, $0x38;
	[tilespmem:$0x10100] =	vst v63  }
0x2a: {  	p1 =	sge.u32 s31, s6  }
.Ltmp2:
0x2b: {  	_ = 	snop;
	(pc) =	sbr.rel @p1 .LBB1_7-.Ltmp2, $1  }
0x2c: {  	_ =	sdelay $0x3  }
0x2d: {  	s18 =	simm.s32 $0x1;
	s20 =	sand.u32 $0x1, s15  }
0x2e: {  	_ =	swait.ge [sflag:s5], $0x4000;
	s18 =	simm.s32 @!p0 $0x0;
	s20 =	smul.u32 $0x10200, s20  }
0x2f: {  	p2 =	por $0x1, $0x1;
	[sflag:s5] =	ssyncset.done $0x0;
	s19 =	smul.u32 $0x10200, s18  }
0x30: {  	s21 =	sshll.u32 s18, $0x10;
	[sflag:s5] =	ssyncadd.s32 $0xFFFFC000;
	s30 =	sshrl.u32 s20, $0x2  }
0x31: {  	s31 =	sshrl.u32 s21, $0x2;
	s21 =	simm.s32 $0x0;
	s19 =	sshrl.u32 s19, $0x2  }
0x32: {  	s18 =	sor.u32 $0x8000, s30;
	s20 =	sadd.s32 $0x20, s31;
	s19 =	sor.u32 $0x8000, s19  }
.LBB1_3:
0x33: {  	s22 =	sshll.u32 s21, $0xD  }
0x34: {  	s22 =	sand.u32 $0x3FFFE000, s22  }
0x35: {  	s24 =	sadd.s32 s22, s20  }
0x36: {  	s31 =	smul.u32 $0x204, s21;
	v3 =	vld [tilespmem:s24+$0x10]  }
0x37: {  	v1 =	vld [tilespmem:s24+$0xFFFFFFF0]  }
0x38: {  	s21 =	sshra.s32 s31, $0x2;
	v0 =	vld [tilespmem:s24+$0x0]  }
0x39: {  	s21 =	sadd.s32 s21, s19;
	v2 =	vld [tilespmem:s24+$0xFFFFFFE0]  }
0x3a: {  	s22 =	sadd.s32 $0x0, s21  }
0x3b: {  	p1 =	por p2, p2;
	s23 =	simm.s32 $0x4;
	s24 =	sadd.s32 $0x40, s24;
	[tilespmem:s22+$0x3060 ss:$0x102] =	vst.msk $0xffff, v3  }
.LBB1_4:
0x3c: {  	v3 =	vld [tilespmem:s24+$0x10];
	p2 =	sne.s32 s23, $0x1FC;
	[tilespmem:s22+$0x1020 ss:$0x102] =	vst.msk $0xffff, v1;
	s25 =	smov.u32 s23;
	s23 =	sadd.s32 $0x4, s23  }
.Ltmp3:
0x3d: {  	v1 =	vld [tilespmem:s24+$0xFFFFFFF0];
	[tilespmem:s22+$0x2040 ss:$0x102] =	vst.msk $0xffff, v0;
	(pc) =	sbr.rel @p2 .LBB1_4-.Ltmp3, $4  }
0x3e: {  	v0 =	vld [tilespmem:s24+$0x0];
	[tilespmem:s22+$0x0 ss:$0x102] =	vst.msk $0xffff, v2  }
0x3f: {  	s22 =	sshra.s32 s25, $0x2;
	v2 =	vld [tilespmem:s24+$0xFFFFFFE0]  }
0x40: {  	s22 =	sadd.s32 s22, s21  }
0x41: {  	s24 =	sadd.s32 $0x40, s24;
	[tilespmem:s22+$0x3060 ss:$0x102] =	vst.msk $0xffff, v3  }
.Ltmp4:
0x42: {  	(pc) =	sbr.rel @p1 .LBB1_3-.Ltmp4, $4  }
0x43: {  	_ = 	snop  }
0x44: {  	[tilespmem:s22+$0x1020 ss:$0x102] =	vst.msk $0xffff, v1  }
0x45: {  	[tilespmem:s22+$0x2040 ss:$0x102] =	vst.msk $0xffff, v0  }
0x46: {  	s21 =	simm.s32 $0x1;
	p2 =	por $0x0, $0x0;
	[tilespmem:s22+$0x0 ss:$0x102] =	vst.msk $0xffff, v2  }
0x47: {  	s19 =	sand.u32 $0x78, s11;
	p1 =	sgt.s32 s12, $0x1E;
	s20 =	smov.u32 s12  }
0x48: {  	s21 =	sshra.s32 s12, $0x1F;
	s22 =	sshll.u32 s12, $0xE;
	s23 =	sshll.u32 s11, $0x3  }
0x49: {  	s30 =	sshra.s32 s11, $0x1F;
	s25 =	sshll.u32 s12, $0x7;
	s20 =	simm.s32 @!p1 $0x1E  }
0x4a: {  	s21 =	sand.u32 s21, s12;
	s22 =	sand.u32 $0x60000, s22;
	p1 =	sgt.s32 s11, $0x3F80  }
0x4b: {  	s25 =	sand.u32 $0x380, s25;
	s20 =	ssub.s32 s20, s21;
	s21 =	smov.u32 s11  }
0x4c: {  	s22 =	sadd.s32 s22, s23;
	s24 =	sadd.s32 $0xFFFFFFE2, s20;
	s21 =	simm.s32 @!p1 $0x3F80  }
0x4d: {  	s20 =	ssub.s32 $0x20, s20;
	p1 =	sgt.s32 s24, $0x1;
	s24 =	sand.u32 s30, s11  }
0x4e: {  	s23 =	sand.u32 $0x3C00, s23;
	s20 =	smul.u32 $0x32, s20;
	s21 =	ssub.s32 s21, s24  }
0x4f: {  	s19 =	sor.u32 s25, s19;
	s22 =	sand.u32 $0x7C000, s22;
	s24 =	sadd.s32 $0xFFFFC080, s21  }
0x50: {  	s20 =	simm.s32 @p1 $0x0;
	s21 =	ssub.s32 $0x4000, s21;
	p1 =	sgt.s32 s24, $0x7F  }
.Ltmp5:
0x51: {  	s19 =	sor.u32 s23, s19;
	s21 =	simm.s32 @p1 $0x0;
	(pc) =	sbr.rel .LBB1_7-.Ltmp5, $4  }
0x52: {  	s31 =	sand.u32 $0x7, s11;
	s19 =	sor.u32 s22, s19;
	s20 =	smul.u32 s21, s20  }
0x53: {  	s19 =	sshrl.u32 s19, $0x3;
	s21 =	sshll.u32 s31, $0x12  }
0x54: {  	s19 =	sadd.s32 s2, s19;
	s21 =	sor.u32 $0x100, s21;
	s20 =	sand.u32 $0x3FFFFFFE, s20  }
0x55: {  	[hbm4b:s19+s21] =	stream.strided.scatter [tilespmem:s18], [sflag:$0x2], s20, s10, s21, $0x20;
	[tilespmem:$0x10100] =	vst v63  }
.LBB1_8:
0x56: {  	_ =	sfence.sel $0x180000  }
0x57: {  	s2 =	simm.s32 $0x1;
	[bflag:$0x0] =	sbarrier.arrive $0xFFFF  }
0x58: {  	s31 =	simm.s32 $0x2;
	[sflag:s2] =	ssyncpa.u1 $0x1  }
0x59: {  	[sflag:s31] =	ssyncpa.u1 $0x1  }
0x5a: {  	p0 =	sne.s32 s1, $0x0;
	_ =	strace $0x9000004D  }
0x5b: {  	s0 =	sadd.s32 @!p0 $0x100000, s0;
	[bflag:$0x2] =	sbarrier.arrive $0xFFFF  }
0x5c: {  	[sflag:s0] =	ssyncadd.tile.s32 @!p0 $0x1;
	_ =	shalt  }
.Lfunc_end1:
_tile_overlayer_lowered:
.L_overlay_start_2:
0x5d: {  	(tag) =	ssettag $0x2  }
0x5e: {  	s0 =	rddreg [dreg:$0x0];
	s2 =	stileid.u32  }
0x5f: {  	s1 =	rddreg [dreg:$0x1];
	p0 =	sne.s32 s2, $0x0  }
0x60: {  	s3 =	rddreg [dreg:$0x2];
	[bflag:$0x3] =	sbarrier.arrive $0xFFFF;
	s2 =	simm.s32 @!p0 $0x1C01  }
0x61: {  	[timem:s3], [sflag:s2] =	dma.local @!p0 [hbm:s0], s1  }
0x62: {  	s0 =	simm.s32 @!p0 $0x1  }
0x63: {  	_ =	swait.ge @!p0 [sflag:s0], s1  }
0x64: {  	s1 =	ssub.s32 @!p0 $0x0, s1;
	[sflag:s0] =	ssyncset.done @!p0 $0x0  }
0x65: {  	[sflag:s0] =	ssyncadd.s32 @!p0 s1  }
0x66: {  	[bflag:$0x3] =	sbarrier.arrive $0xFFFF  }
0x67: {  	_ =	shalt  }

</sc_bundles>
